<compile_context>
chip_gen: v7x
topology: tpu7x:2x2x1
jax: 0.10.2.dev20260603
libtpu: 0.0.44.dev20260713+nightly
codegen_flags: <defaults>
</compile_context>

<pallas_src>
import jax
import jax.numpy as jnp
from jax import lax
from jax.experimental import pallas as pl
from jax.experimental.pallas import tpu as pltpu
from jax.experimental.pallas import tpu_sc as plsc

N = 10000
NP = 10240
E = 320000
CW = 128
EROWS = 2560
EP = EROWS * CW
F_IN = 200
F_HID = 128
NC = 2
NS = 16
NODES_PER_TILE = NP // NS
ROWS_PER_TILE = EROWS // NS
EDGES_PER_TILE = ROWS_PER_TILE * CW

_MESH = plsc.VectorSubcoreMesh(core_axis_name="c", subcore_axis_name="s")


def _zero_fill(ref, n16):
    def body(i, _):
        ref[pl.ds(i * 16, 16)] = jnp.zeros((16,), jnp.float32)
        return 0
    lax.fori_loop(0, n16, body, 0)


def _deg_body(src_hbm, dst_hbm, dego_hbm, degi_hbm,
              idx_v, ones_v, zero_v, acc, s0, s1):
    cid = lax.axis_index("c")
    sid = lax.axis_index("s")

    _zero_fill(zero_v, NODES_PER_TILE // 16)
    pltpu.sync_copy(zero_v, acc.at[pl.ds(sid * NODES_PER_TILE, NODES_PER_TILE)])
    for k in range(CW // 16):
        ones_v[pl.ds(k * 16, 16)] = jnp.ones((16,), jnp.float32)
    plsc.subcore_barrier()

    base = sid * ROWS_PER_TILE

    @pl.when(cid == 0)
    def _():
        pltpu.sync_copy(src_hbm.at[pl.ds(base, ROWS_PER_TILE)], idx_v)

    @pl.when(cid == 1)
    def _():
        pltpu.sync_copy(dst_hbm.at[pl.ds(base, ROWS_PER_TILE)], idx_v)

    def fire(j, sem):
        pltpu.async_copy(ones_v, acc.at[idx_v.at[j]], sem, add=True)

    def drain(sem):
        pltpu.make_async_copy(ones_v, acc.at[idx_v.at[0]], sem).wait()

    fire(0, s0)
    fire(1, s1)

    def body(jj, _):
        drain(s0)
        fire(2 * jj, s0)
        drain(s1)
        fire(2 * jj + 1, s1)
        return 0

    lax.fori_loop(1, ROWS_PER_TILE // 2, body, 0)
    drain(s0)
    drain(s1)
    plsc.subcore_barrier()
    sl = pl.ds(sid * NODES_PER_TILE, NODES_PER_TILE)

    @pl.when(cid == 0)
    def _():
        pltpu.sync_copy(acc.at[sl], dego_hbm.at[sl])

    @pl.when(cid == 1)
    def _():
        pltpu.sync_copy(acc.at[sl], degi_hbm.at[sl])


_sc_deg = pl.kernel(
    _deg_body,
    out_type=[jax.ShapeDtypeStruct((NP,), jnp.float32),
              jax.ShapeDtypeStruct((NP,), jnp.float32)],
    mesh=_MESH,
    scratch_types=[
        pltpu.VMEM((ROWS_PER_TILE, CW), jnp.int32),
        pltpu.VMEM((CW,), jnp.float32),
        pltpu.VMEM((NODES_PER_TILE,), jnp.float32),
        pltpu.VMEM_SHARED((NP,), jnp.float32),
        pltpu.SemaphoreType.DMA,
        pltpu.SemaphoreType.DMA,
    ],
)


AGG_C0 = 120
AGG_C1 = 40
assert NS * (AGG_C0 + AGG_C1) == EROWS


def _agg_sc0(srcf_hbm, dstf_hbm, xw_hbm, sidx, didx, rows,
             gsem, isem, dsem, acc, base):
    def fire_si(j, s):
        pltpu.async_copy(srcf_hbm.at[pl.ds(j * CW, CW)], sidx[s], isem[s])

    def fire_di(j, s):
        pltpu.async_copy(dstf_hbm.at[pl.ds(j * CW, CW)], didx[s], dsem[s])

    def wait_si(s):
        pltpu.make_async_copy(
            srcf_hbm.at[pl.ds(0, CW)], sidx[s], isem[s]).wait()

    def wait_di(s):
        pltpu.make_async_copy(
            dstf_hbm.at[pl.ds(0, CW)], didx[s], dsem[s]).wait()

    def fire_g(s):
        pltpu.async_copy(xw_hbm.at[sidx[s]], rows[s], gsem[s])

    def wait_g(s):
        pltpu.make_async_copy(xw_hbm.at[sidx[0]], rows[s], gsem[s]).wait()

    def scat(s):
        pltpu.sync_copy(rows[s], acc.at[didx[s]], add=True)

    for s in range(2):
        fire_si(base + s, s)
        fire_di(base + s, s)
    for s in range(2):
        wait_si(s)
        fire_g(s)

    def body(jj, _):
        a = base + 2 * jj
        for s in range(2):
            wait_g(s)
            fire_si(a + 2 + s, s)
            wait_di(s)
            scat(s)
            fire_di(a + 2 + s, s)
            wait_si(s)
            fire_g(s)
        return 0

    lax.fori_loop(0, AGG_C0 // 2 - 1, body, 0)
    for s in range(2):
        wait_g(s)
        wait_di(s)
        scat(s)


def _agg_sc1(srcf_hbm, dst2d_hbm, xw_hbm, rows, src1_v, dst1_v,
             gsem, acc, base):
    pltpu.sync_copy(srcf_hbm.at[pl.ds(base * CW, AGG_C1 * CW)], src1_v)
    pltpu.sync_copy(dst2d_hbm.at[pl.ds(base, AGG_C1)], dst1_v)

    def fire_g(j, s):
        pltpu.async_copy(
            xw_hbm.at[src1_v.at[pl.ds(j * CW, CW)]], rows[s], gsem[s])

    def wait_g(s):
        pltpu.make_async_copy(
            xw_hbm.at[src1_v.at[pl.ds(0, CW)]], rows[s], gsem[s]).wait()

    def scat(j, s):
        pltpu.sync_copy(rows[s], acc.at[dst1_v.at[j]], add=True)

    fire_g(0, 0)
    fire_g(1, 1)

    def body(jj, _):
        for s in range(2):
            wait_g(s)
            scat(2 * jj + s, s)
            fire_g(2 * jj + 2 + s, s)
        return 0

    lax.fori_loop(0, AGG_C1 // 2 - 1, body, 0)
    for s in range(2):
        wait_g(s)
        scat(AGG_C1 - 2 + s, s)


def _agg_body(srcf_hbm, dstf_hbm, dst2d_hbm, xw_hbm, out_hbm,
              sidx, didx, rows, src1_v, dst1_v, gsem, isem, dsem, acc):
    cid = lax.axis_index("c")
    sid = lax.axis_index("s")

    def zrow(r, _):
        for k in range(F_HID // 16):
            rows[0][r, pl.ds(k * 16, 16)] = jnp.zeros((16,), jnp.float32)
        return 0
    lax.fori_loop(0, CW, zrow, 0)
    for b in range(NODES_PER_TILE // CW):
        pltpu.sync_copy(
            rows[0], acc.at[pl.ds(sid * NODES_PER_TILE + b * CW, CW)])
    plsc.subcore_barrier()

    @pl.when(cid == 0)
    def _():
        _agg_sc0(srcf_hbm, dstf_hbm, xw_hbm, sidx, didx, rows,
                 gsem, isem, dsem, acc, sid * AGG_C0)

    @pl.when(cid == 1)
    def _():
        _agg_sc1(srcf_hbm, dst2d_hbm, xw_hbm, rows, src1_v, dst1_v,
                 gsem, acc, NS * AGG_C0 + sid * AGG_C1)

    plsc.subcore_barrier()
    sl = pl.ds(sid * NODES_PER_TILE, NODES_PER_TILE)
    pltpu.sync_copy(acc.at[sl], out_hbm.at[cid, sl])


_sc_agg = pl.kernel(
    _agg_body,
    out_type=jax.ShapeDtypeStruct((NC, NP, F_HID), jnp.float32),
    mesh=_MESH,
    scratch_types=[
        [pltpu.VMEM((CW,), jnp.int32)] * 2,
        [pltpu.VMEM((CW,), jnp.int32)] * 2,
        [pltpu.VMEM((CW, F_HID), jnp.float32)] * 2,
        pltpu.VMEM((AGG_C1 * CW,), jnp.int32),
        pltpu.VMEM((AGG_C1, CW), jnp.int32),
        [pltpu.SemaphoreType.DMA] * 2,
        [pltpu.SemaphoreType.DMA] * 2,
        [pltpu.SemaphoreType.DMA] * 2,
        pltpu.VMEM_SHARED((NP, F_HID), jnp.float32),
    ],
)


L2_G = ROWS_PER_TILE // 8


def _l2_body(srcf_hbm, dst_hbm, z_hbm, nd_hbm, b2_hbm, out_hbm,
             src_v, dst_v, vals, q_v, nd_v, s_v, b2_v,
             zero_v, acc, gsem, ssem):
    cid = lax.axis_index("c")
    sid = lax.axis_index("s")

    @pl.when(cid == 0)
    def _():
        _zero_fill(zero_v, NODES_PER_TILE // 16)
        pltpu.sync_copy(
            zero_v, acc.at[pl.ds(sid * NODES_PER_TILE, NODES_PER_TILE)])
        plsc.subcore_barrier()

        base = sid * ROWS_PER_TILE
        pltpu.sync_copy(
            srcf_hbm.at[pl.ds(sid * EDGES_PER_TILE, EDGES_PER_TILE)], src_v)
        pltpu.sync_copy(
            dst_hbm.at[pl.ds(base, ROWS_PER_TILE)], dst_v)

        def fire_g(j, s):
            pltpu.async_copy(
                z_hbm.at[src_v.at[pl.ds(j * CW, CW)]], vals[s], gsem[s])

        def wait_g(s):
            pltpu.make_async_copy(
                z_hbm.at[src_v.at[pl.ds(0, CW)]], vals[s], gsem[s]).wait()

        def fire_s(j, s):
            pltpu.async_copy(vals[s], acc.at[dst_v.at[j]], ssem[s], add=True)

        def wait_s(s):
            pltpu.make_async_copy(
                vals[s], acc.at[dst_v.at[0]], ssem[s]).wait()

        for s in range(8):
            fire_g(s, s)

        def body(gg, _):
            j0 = 8 * gg
            for s in range(8):
                wait_g(s)
                fire_s(j0 + s, s)
            for s in range(8):
                wait_s(s)
                fire_g(j0 + 8 + s, s)
            return 0

        lax.fori_loop(0, L2_G - 2, body, 0)
        j0 = 8 * (L2_G - 2)
        for s in range(8):
            wait_g(s)
            fire_s(j0 + s, s)
        for s in range(8):
            wait_s(s)
            fire_g(j0 + 8 + s, s)
        for s in range(8):
            wait_g(s)
            fire_s(j0 + 8 + s, s)
        for s in range(8):
            wait_s(s)
        plsc.subcore_barrier()

        sl = pl.ds(sid * NODES_PER_TILE, NODES_PER_TILE)
        pltpu.sync_copy(acc.at[sl], q_v)
        pltpu.sync_copy(nd_hbm.at[sl], nd_v)
        pltpu.sync_copy(b2_hbm, b2_v)
        b2vec = b2_v[...]

        def fin(i, _):
            s_v[pl.ds(i * 16, 16)] = (
                q_v[pl.ds(i * 16, 16)] * nd_v[pl.ds(i * 16, 16)] + b2vec)
            return 0

        lax.fori_loop(0, NODES_PER_TILE // 16, fin, 0)
        pltpu.sync_copy(s_v, out_hbm.at[sl])


_sc_l2 = pl.kernel(
    _l2_body,
    out_type=jax.ShapeDtypeStruct((NP,), jnp.float32),
    mesh=_MESH,
    scratch_types=[
        pltpu.VMEM((EDGES_PER_TILE,), jnp.int32),
        pltpu.VMEM((ROWS_PER_TILE, CW), jnp.int32),
        [pltpu.VMEM((CW,), jnp.float32)] * 8,
        pltpu.VMEM((NODES_PER_TILE,), jnp.float32),
        pltpu.VMEM((NODES_PER_TILE,), jnp.float32),
        pltpu.VMEM((NODES_PER_TILE,), jnp.float32),
        pltpu.VMEM((16,), jnp.float32),
        pltpu.VMEM((NODES_PER_TILE,), jnp.float32),
        pltpu.VMEM_SHARED((NP,), jnp.float32),
        [pltpu.SemaphoreType.DMA] * 8,
        [pltpu.SemaphoreType.DMA] * 8,
    ],
)


_BLK = 512


def _xw_body(x_ref, w_ref, deg_ref, xws_ref, ns_ref, nd_ref):
    deg = deg_ref[...]
    n = jnp.where(deg > 0, lax.rsqrt(jnp.maximum(deg, 1.0)), 0.0)
    ns = n[:, 0:1]
    nd = n[:, 1:2]
    ns_ref[...] = ns
    nd_ref[...] = nd
    xws_ref[...] = jnp.dot(x_ref[...], w_ref[...],
                           preferred_element_type=jnp.float32) * ns


def _tc_xw_scale(x, w1, deg_t):
    return pl.pallas_call(
        _xw_body,
        grid=(NP // _BLK,),
        in_specs=[
            pl.BlockSpec((_BLK, F_IN), lambda i: (i, 0)),
            pl.BlockSpec((F_IN, F_HID), lambda i: (0, 0)),
            pl.BlockSpec((_BLK, 2), lambda i: (i, 0)),
        ],
        out_specs=[
            pl.BlockSpec((_BLK, F_HID), lambda i: (i, 0)),
            pl.BlockSpec((_BLK, 1), lambda i: (i, 0)),
            pl.BlockSpec((_BLK, 1), lambda i: (i, 0)),
        ],
        out_shape=[
            jax.ShapeDtypeStruct((NP, F_HID), jnp.float32),
            jax.ShapeDtypeStruct((NP, 1), jnp.float32),
            jax.ShapeDtypeStruct((NP, 1), jnp.float32),
        ],
    )(x, w1, deg_t)


def _mid_body(p_ref, ns_ref, nd_ref, b1_ref, w2_ref, z_ref):
    agg = p_ref[0] + p_ref[1]
    x1 = jnp.maximum(agg * nd_ref[...] + b1_ref[...], 0.0)
    z_ref[...] = jnp.dot(x1, w2_ref[...],
                         preferred_element_type=jnp.float32) * ns_ref[...]


def _tc_mid(p, ns2, nd2, b1, w2):
    return pl.pallas_call(
        _mid_body,
        grid=(NP // _BLK,),
        in_specs=[
            pl.BlockSpec((NC, _BLK, F_HID), lambda i: (0, i, 0)),
            pl.BlockSpec((_BLK, 1), lambda i: (i, 0)),
            pl.BlockSpec((_BLK, 1), lambda i: (i, 0)),
            pl.BlockSpec((1, F_HID), lambda i: (0, 0)),
            pl.BlockSpec((F_HID, 1), lambda i: (0, 0)),
        ],
        out_specs=pl.BlockSpec((_BLK, 1), lambda i: (i, 0)),
        out_shape=jax.ShapeDtypeStruct((NP, 1), jnp.float32),
    )(p, ns2, nd2, b1, w2)


def _adv_body(h_ref, w_ref, b_ref, o_ref):
    o_ref[...] = jnp.dot(h_ref[...], w_ref[...],
                         preferred_element_type=jnp.float32) + b_ref[...]


def _tc_adv(h, w_adv_t, b_adv):
    blk = 400
    return pl.pallas_call(
        _adv_body,
        grid=(N // blk,),
        in_specs=[
            pl.BlockSpec((blk, 256), lambda i: (i, 0)),
            pl.BlockSpec((256, 1), lambda i: (0, 0)),
            pl.BlockSpec((1, 1), lambda i: (0, 0)),
        ],
        out_specs=pl.BlockSpec((blk, 1), lambda i: (i, 0)),
        out_shape=jax.ShapeDtypeStruct((N, 1), jnp.float32),
    )(h, w_adv_t, b_adv)


@jax.jit
def kernel(h, inputs, edge_index, W1, b1, W2, b2, W_adv, b_adv):
    ei = edge_index.astype(jnp.int32)
    srcf = jnp.pad(ei[0], (0, EP - E), constant_values=NP - 1)
    dstf = jnp.pad(ei[1], (0, EP - E), constant_values=NP - 1)
    src2d = srcf.reshape(EROWS, CW)
    dst2d = dstf.reshape(EROWS, CW)
    x0p = jnp.pad(inputs[0], ((0, NP - N), (0, 0)))

    dego, degi = _sc_deg(src2d, dst2d)
    deg_t = jnp.stack([dego, degi], axis=1)
    xws, ns2, nd2 = _tc_xw_scale(x0p, W1, deg_t)
    p = _sc_agg(srcf, dstf, dst2d, xws)
    z2 = _tc_mid(p, ns2, nd2, b1.reshape(1, F_HID), W2)
    sp = _sc_l2(srcf, dst2d, z2.reshape(NP), nd2.reshape(NP),
                jnp.broadcast_to(b2, (16,)))
    s = sp[:N].reshape(N, 1)
    s_g = _tc_adv(h, W_adv.T, b_adv.reshape(1, 1))
    return (s, s_g)

# --- scband reference (transcript-rebuilt; emitter-appended) ---
"""Pipeline reference for scband-rhgn-adv-43739946943488 (READ-ONLY COPY).

The authoritative reference and input builder live on the scoring server;
editing this copy changes nothing except your own understanding.
"""

import jax, jax.numpy as jnp
import numpy as np

N_NODES = 10000


def _graph_conv(x, edge_index, W, b, n_nodes):
    # DGL GraphConv with norm='both': h' = D_dst^{-1/2} A D_src^{-1/2} X W + b
    src = edge_index[0]
    dst = edge_index[1]
    ones = jnp.ones((edge_index.shape[1],), dtype=x.dtype)
    deg_out = jax.ops.segment_sum(ones, src, num_segments=n_nodes)
    deg_in = jax.ops.segment_sum(ones, dst, num_segments=n_nodes)
    norm_src = jnp.where(deg_out > 0, jax.lax.rsqrt(jnp.maximum(deg_out, 1.0)), 0.0)
    norm_dst = jnp.where(deg_in > 0, jax.lax.rsqrt(jnp.maximum(deg_in, 1.0)), 0.0)
    xw = x @ W  # apply weight first (mult_first when in_feats > out_feats)
    xw = xw * norm_src[:, None]
    msg = jnp.take(xw, src, axis=0)
    agg = jax.ops.segment_sum(msg, dst, num_segments=n_nodes)
    agg = agg * norm_dst[:, None]
    return agg + b


def setup_inputs(seed: int = 0) -> dict:
    key = jax.random.key(seed)
    k1, k2, k3, k4, k5, k6, k7 = jax.random.split(key, 7)
    h = jax.random.normal(k1, (N_NODES, 256), dtype=jnp.float32)
    inputs = jax.random.normal(k2, (1, N_NODES, 200), dtype=jnp.float32)
    edge_index = jax.random.randint(k3, (2, 320000), 0, N_NODES, dtype=jnp.int64)
    # GCN(200, 128, 1) parameters (glorot-style init)
    W1 = jax.random.normal(k4, (200, 128), dtype=jnp.float32) * (1.0 / np.sqrt(200))
    b1 = jnp.zeros((128,), dtype=jnp.float32)
    W2 = jax.random.normal(k5, (128, 1), dtype=jnp.float32) * (1.0 / np.sqrt(128))
    b2 = jnp.zeros((1,), dtype=jnp.float32)
    # adv_model = Linear(n_hid=256, 1)
    W_adv = jax.random.normal(k6, (1, 256), dtype=jnp.float32) * (1.0 / np.sqrt(256))
    b_adv = jnp.zeros((1,), dtype=jnp.float32)
    return {"h": h, "inputs": inputs, "edge_index": edge_index,
            "W1": W1, "b1": b1, "W2": W2, "b2": b2,
            "W_adv": W_adv, "b_adv": b_adv}


def reference(h, inputs, edge_index, W1, b1, W2, b2, W_adv, b_adv):
    inputs_new = inputs[0]
    # sens_model: 2-layer GCN(200 -> 128 -> 1), dropout inactive at inference
    x1 = _graph_conv(inputs_new, edge_index, W1, b1, N_NODES)
    x1 = jax.nn.relu(x1)
    s = _graph_conv(x1, edge_index, W2, b2, N_NODES)
    # adv_model: Linear(n_hid, 1)
    s_g = h @ W_adv.T + b_adv
    return (s, s_g)

if __name__ == "__main__":
    import jax
    _d = setup_inputs()
    print(jax.jit(kernel)(*tuple(_d.values())))

</pallas_src>

<mosaic_0001>
#map = affine_map<(d0, d1) -> (0, 0)>
#map1 = affine_map<(d0, d1) -> (0)>
module attributes {stable_mosaic.version = 14 : i64} {
  func.func @_deg_body(%arg0: i32, %arg1: i32, %arg2: memref<2560x128xi32, #tpu.memory_space<hbm>>, %arg3: memref<2560x128xi32, #tpu.memory_space<hbm>>, %arg4: memref<10240xf32, #tpu.memory_space<hbm>>, %arg5: memref<10240xf32, #tpu.memory_space<hbm>>, %arg6: memref<160x128xi32, #tpu.memory_space<vmem>>, %arg7: memref<128xf32, #tpu.memory_space<vmem>>, %arg8: memref<640xf32, #tpu.memory_space<vmem>>, %arg9: memref<10240xf32, #tpu.memory_space<vmem_shared>>, %arg10: memref<!tpu.dma_semaphore, #tpu.memory_space<semaphore_mem>>, %arg11: memref<!tpu.dma_semaphore, #tpu.memory_space<semaphore_mem>>) attributes {dimension_semantics = [#tpu.dimension_semantics<core_parallel>, #tpu.dimension_semantics<subcore_parallel>], iteration_bounds = array<i64: 2, 16>, scalar_prefetch = 0 : i64, scratch_operands = 6 : i64, tpu.core_type = #tpu.core_type<sc_vector_subcore>, window_params = [{transform_indices = #map}, {transform_indices = #map}, {transform_indices = #map1}, {transform_indices = #map1}]} {
    %scan3A = arith.constant 0 : i32
    %scan3A_0 = arith.constant 0 : i32
    %scan3A_1 = arith.constant 40 : i32
    %scan3A_2 = arith.addi %scan3A_0, %scan3A_1 : i32
    %scan3A_3 = arith.constant 1 : i32
    %scan3A_4 = scf.for %scan3A_104 = %scan3A_0 to %scan3A_2 step %scan3A_3 iter_args(%scan3A_105 = %scan3A) -> (i32)  : i32 {
      %broadcast_in_dim3A_106 = arith.constant 0.000000e+00 : f32
      %broadcast_in_dim3A_107 = vector.broadcast %broadcast_in_dim3A_106 : f32 to vector<16xf32>
      %mul3A_108 = arith.constant 16 : i32
      %mul3A_109 = arith.muli %scan3A_104, %mul3A_108 : i32
      %swap3A_110 = arith.index_cast %mul3A_109 : i32 to index
      %swap3A_111 = tpu.vector_load %arg8[%swap3A_110] {strides = array<i32>} : memref<640xf32, #tpu.memory_space<vmem>>, vector<16xf32>,
      %swap3A_112 = vector.shape_cast %swap3A_111 : vector<16xf32> to vector<16xf32>
      %swap3A_113 = vector.shape_cast %broadcast_in_dim3A_107 : vector<16xf32> to vector<16xf32>
      tpu.vector_store %arg8[%swap3A_110], %swap3A_113 {strides = array<i32>} : memref<640xf32, #tpu.memory_space<vmem>>, vector<16xf32>,
      %scan3A_114 = arith.constant 0 : i32
      scf.yield %scan3A_114 : i32
    }
    %scan3A_5 = arith.constant 40 : i32
    %mul3A = arith.constant 640 : i32
    %mul3A_6 = arith.muli %arg1, %mul3A : i32
    "tpu.region"() ({
      %run_scoped3A = tpu.sem_alloc : memref<!tpu.dma_semaphore, #tpu.memory_space<semaphore_mem>>
      %dma_start3A_104 = tpu.memref_slice %arg9[%mul3A_6] : memref<10240xf32, #tpu.memory_space<vmem_shared>> -> memref<640xf32, #tpu.memory_space<vmem_shared>>
      %dma_start3A_105 = tpu.memref_slice %arg9[%mul3A_6] : memref<10240xf32, #tpu.memory_space<vmem_shared>> -> memref<640xf32, #tpu.memory_space<vmem_shared>>
      tpu.enqueue_dma source(%arg8 : memref<640xf32, #tpu.memory_space<vmem>>) target(%dma_start3A_105 : memref<640xf32, #tpu.memory_space<vmem_shared>>) target_semaphore(%run_scoped3A : memref<!tpu.dma_semaphore, #tpu.memory_space<semaphore_mem>>)
      %dma_wait3A_106 = tpu.memref_slice %arg9[%mul3A_6] : memref<10240xf32, #tpu.memory_space<vmem_shared>> -> memref<640xf32, #tpu.memory_space<vmem_shared>>
      %dma_wait3A_107 = tpu.memref_slice %arg9[%mul3A_6] : memref<10240xf32, #tpu.memory_space<vmem_shared>> -> memref<640xf32, #tpu.memory_space<vmem_shared>>
      tpu.wait_dma2 semaphore(%run_scoped3A : memref<!tpu.dma_semaphore, #tpu.memory_space<semaphore_mem>>) src(%arg8 : memref<640xf32, #tpu.memory_space<vmem>>) dst(%dma_wait3A_107 : memref<640xf32, #tpu.memory_space<vmem_shared>>)
      tpu.yield
    }) : () -> ()
    %broadcast_in_dim3A = arith.constant 1.000000e+00 : f32
    %broadcast_in_dim3A_7 = vector.broadcast %broadcast_in_dim3A : f32 to vector<16xf32>
    %swap3A = arith.constant 0 : index
    %swap3A_8 = tpu.vector_load %arg7[%swap3A] {strides = array<i32>} : memref<128xf32, #tpu.memory_space<vmem>>, vector<16xf32>,
    %swap3A_9 = vector.shape_cast %swap3A_8 : vector<16xf32> to vector<16xf32>
    %swap3A_10 = vector.shape_cast %broadcast_in_dim3A_7 : vector<16xf32> to vector<16xf32>
    tpu.vector_store %arg7[%swap3A], %swap3A_10 {strides = array<i32>} : memref<128xf32, #tpu.memory_space<vmem>>, vector<16xf32>,
    %broadcast_in_dim3A_11 = arith.constant 1.000000e+00 : f32
    %broadcast_in_dim3A_12 = vector.broadcast %broadcast_in_dim3A_11 : f32 to vector<16xf32>
    %swap3A_13 = arith.constant 16 : index
    %swap3A_14 = tpu.vector_load %arg7[%swap3A_13] {strides = array<i32>} : memref<128xf32, #tpu.memory_space<vmem>>, vector<16xf32>,
    %swap3A_15 = vector.shape_cast %swap3A_14 : vector<16xf32> to vector<16xf32>
    %swap3A_16 = vector.shape_cast %broadcast_in_dim3A_12 : vector<16xf32> to vector<16xf32>
    tpu.vector_store %arg7[%swap3A_13], %swap3A_16 {strides = array<i32>} : memref<128xf32, #tpu.memory_space<vmem>>, vector<16xf32>,
    %broadcast_in_dim3A_17 = arith.constant 1.000000e+00 : f32
    %broadcast_in_dim3A_18 = vector.broadcast %broadcast_in_dim3A_17 : f32 to vector<16xf32>
    %swap3A_19 = arith.constant 32 : index
    %swap3A_20 = tpu.vector_load %arg7[%swap3A_19] {strides = array<i32>} : memref<128xf32, #tpu.memory_space<vmem>>, vector<16xf32>,
    %swap3A_21 = vector.shape_cast %swap3A_20 : vector<16xf32> to vector<16xf32>
    %swap3A_22 = vector.shape_cast %broadcast_in_dim3A_18 : vector<16xf32> to vector<16xf32>
    tpu.vector_store %arg7[%swap3A_19], %swap3A_22 {strides = array<i32>} : memref<128xf32, #tpu.memory_space<vmem>>, vector<16xf32>,
    %broadcast_in_dim3A_23 = arith.constant 1.000000e+00 : f32
    %broadcast_in_dim3A_24 = vector.broadcast %broadcast_in_dim3A_23 : f32 to vector<16xf32>
    %swap3A_25 = arith.constant 48 : index
    %swap3A_26 = tpu.vector_load %arg7[%swap3A_25] {strides = array<i32>} : memref<128xf32, #tpu.memory_space<vmem>>, vector<16xf32>,
    %swap3A_27 = vector.shape_cast %swap3A_26 : vector<16xf32> to vector<16xf32>
    %swap3A_28 = vector.shape_cast %broadcast_in_dim3A_24 : vector<16xf32> to vector<16xf32>
    tpu.vector_store %arg7[%swap3A_25], %swap3A_28 {strides = array<i32>} : memref<128xf32, #tpu.memory_space<vmem>>, vector<16xf32>,
    %broadcast_in_dim3A_29 = arith.constant 1.000000e+00 : f32
    %broadcast_in_dim3A_30 = vector.broadcast %broadcast_in_dim3A_29 : f32 to vector<16xf32>
    %swap3A_31 = arith.constant 64 : index
    %swap3A_32 = tpu.vector_load %arg7[%swap3A_31] {strides = array<i32>} : memref<128xf32, #tpu.memory_space<vmem>>, vector<16xf32>,
    %swap3A_33 = vector.shape_cast %swap3A_32 : vector<16xf32> to vector<16xf32>
    %swap3A_34 = vector.shape_cast %broadcast_in_dim3A_30 : vector<16xf32> to vector<16xf32>
    tpu.vector_store %arg7[%swap3A_31], %swap3A_34 {strides = array<i32>} : memref<128xf32, #tpu.memory_space<vmem>>, vector<16xf32>,
    %broadcast_in_dim3A_35 = arith.constant 1.000000e+00 : f32
    %broadcast_in_dim3A_36 = vector.broadcast %broadcast_in_dim3A_35 : f32 to vector<16xf32>
    %swap3A_37 = arith.constant 80 : index
    %swap3A_38 = tpu.vector_load %arg7[%swap3A_37] {strides = array<i32>} : memref<128xf32, #tpu.memory_space<vmem>>, vector<16xf32>,
    %swap3A_39 = vector.shape_cast %swap3A_38 : vector<16xf32> to vector<16xf32>
    %swap3A_40 = vector.shape_cast %broadcast_in_dim3A_36 : vector<16xf32> to vector<16xf32>
    tpu.vector_store %arg7[%swap3A_37], %swap3A_40 {strides = array<i32>} : memref<128xf32, #tpu.memory_space<vmem>>, vector<16xf32>,
    %broadcast_in_dim3A_41 = arith.constant 1.000000e+00 : f32
    %broadcast_in_dim3A_42 = vector.broadcast %broadcast_in_dim3A_41 : f32 to vector<16xf32>
    %swap3A_43 = arith.constant 96 : index
    %swap3A_44 = tpu.vector_load %arg7[%swap3A_43] {strides = array<i32>} : memref<128xf32, #tpu.memory_space<vmem>>, vector<16xf32>,
    %swap3A_45 = vector.shape_cast %swap3A_44 : vector<16xf32> to vector<16xf32>
    %swap3A_46 = vector.shape_cast %broadcast_in_dim3A_42 : vector<16xf32> to vector<16xf32>
    tpu.vector_store %arg7[%swap3A_43], %swap3A_46 {strides = array<i32>} : memref<128xf32, #tpu.memory_space<vmem>>, vector<16xf32>,
    %broadcast_in_dim3A_47 = arith.constant 1.000000e+00 : f32
    %broadcast_in_dim3A_48 = vector.broadcast %broadcast_in_dim3A_47 : f32 to vector<16xf32>
    %swap3A_49 = arith.constant 112 : index
    %swap3A_50 = tpu.vector_load %arg7[%swap3A_49] {strides = array<i32>} : memref<128xf32, #tpu.memory_space<vmem>>, vector<16xf32>,
    %swap3A_51 = vector.shape_cast %swap3A_50 : vector<16xf32> to vector<16xf32>
    %swap3A_52 = vector.shape_cast %broadcast_in_dim3A_48 : vector<16xf32> to vector<16xf32>
    tpu.vector_store %arg7[%swap3A_49], %swap3A_52 {strides = array<i32>} : memref<128xf32, #tpu.memory_space<vmem>>, vector<16xf32>,
    %barrier3A = arith.constant 0 : index
    tpu.barrier barrier_id(%barrier3A)
    %mul3A_53 = arith.constant 160 : i32
    %mul3A_54 = arith.muli %arg1, %mul3A_53 : i32
    %eq3A = arith.constant 0 : i32
    %eq3A_55 = arith.cmpi eq, %arg0, %eq3A : i32
    %convert_element_type3A = arith.extui %eq3A_55 : i1 to i32
    %cond3A = arith.constant 0 : i32
    %cond3A_56 = arith.cmpi ne, %convert_element_type3A, %cond3A : i32
    scf.if %cond3A_56 {
      "tpu.region"() ({
        %run_scoped3A = tpu.sem_alloc : memref<!tpu.dma_semaphore, #tpu.memory_space<semaphore_mem>>
        %dma_start3A_104 = arith.constant 0 : i32
        %dma_start3A_105 = tpu.memref_slice %arg2[%mul3A_54, %dma_start3A_104] : memref<2560x128xi32, #tpu.memory_space<hbm>> -> memref<160x128xi32, #tpu.memory_space<hbm>>
        %dma_start3A_106 = arith.constant 0 : i32
        %dma_start3A_107 = tpu.memref_slice %arg2[%mul3A_54, %dma_start3A_106] : memref<2560x128xi32, #tpu.memory_space<hbm>> -> memref<160x128xi32, #tpu.memory_space<hbm>>
        tpu.enqueue_dma source(%dma_start3A_107 : memref<160x128xi32, #tpu.memory_space<hbm>>) target(%arg6 : memref<160x128xi32, #tpu.memory_space<vmem>>) target_semaphore(%run_scoped3A : memref<!tpu.dma_semaphore, #tpu.memory_space<semaphore_mem>>)
        %dma_wait3A_108 = arith.constant 0 : i32
        %dma_wait3A_109 = tpu.memref_slice %arg2[%mul3A_54, %dma_wait3A_108] : memref<2560x128xi32, #tpu.memory_space<hbm>> -> memref<160x128xi32, #tpu.memory_space<hbm>>
        %dma_wait3A_110 = arith.constant 0 : i32
        %dma_wait3A_111 = tpu.memref_slice %arg2[%mul3A_54, %dma_wait3A_110] : memref<2560x128xi32, #tpu.memory_space<hbm>> -> memref<160x128xi32, #tpu.memory_space<hbm>>
        tpu.wait_dma2 semaphore(%run_scoped3A : memref<!tpu.dma_semaphore, #tpu.memory_space<semaphore_mem>>) src(%dma_wait3A_111 : memref<160x128xi32, #tpu.memory_space<hbm>>) dst(%arg6 : memref<160x128xi32, #tpu.memory_space<vmem>>)
        tpu.yield
      }) : () -> ()
    } else {
    }
    %eq3A_57 = arith.constant 1 : i32
    %eq3A_58 = arith.cmpi eq, %arg0, %eq3A_57 : i32
    %convert_element_type3A_59 = arith.extui %eq3A_58 : i1 to i32
    %cond3A_60 = arith.constant 0 : i32
    %cond3A_61 = arith.cmpi ne, %convert_element_type3A_59, %cond3A_60 : i32
    scf.if %cond3A_61 {
      "tpu.region"() ({
        %run_scoped3A = tpu.sem_alloc : memref<!tpu.dma_semaphore, #tpu.memory_space<semaphore_mem>>
        %dma_start3A_104 = arith.constant 0 : i32
        %dma_start3A_105 = tpu.memref_slice %arg3[%mul3A_54, %dma_start3A_104] : memref<2560x128xi32, #tpu.memory_space<hbm>> -> memref<160x128xi32, #tpu.memory_space<hbm>>
        %dma_start3A_106 = arith.constant 0 : i32
        %dma_start3A_107 = tpu.memref_slice %arg3[%mul3A_54, %dma_start3A_106] : memref<2560x128xi32, #tpu.memory_space<hbm>> -> memref<160x128xi32, #tpu.memory_space<hbm>>
        tpu.enqueue_dma source(%dma_start3A_107 : memref<160x128xi32, #tpu.memory_space<hbm>>) target(%arg6 : memref<160x128xi32, #tpu.memory_space<vmem>>) target_semaphore(%run_scoped3A : memref<!tpu.dma_semaphore, #tpu.memory_space<semaphore_mem>>)
        %dma_wait3A_108 = arith.constant 0 : i32
        %dma_wait3A_109 = tpu.memref_slice %arg3[%mul3A_54, %dma_wait3A_108] : memref<2560x128xi32, #tpu.memory_space<hbm>> -> memref<160x128xi32, #tpu.memory_space<hbm>>
        %dma_wait3A_110 = arith.constant 0 : i32
        %dma_wait3A_111 = tpu.memref_slice %arg3[%mul3A_54, %dma_wait3A_110] : memref<2560x128xi32, #tpu.memory_space<hbm>> -> memref<160x128xi32, #tpu.memory_space<hbm>>
        tpu.wait_dma2 semaphore(%run_scoped3A : memref<!tpu.dma_semaphore, #tpu.memory_space<semaphore_mem>>) src(%dma_wait3A_111 : memref<160x128xi32, #tpu.memory_space<hbm>>) dst(%arg6 : memref<160x128xi32, #tpu.memory_space<vmem>>)
        tpu.yield
      }) : () -> ()
    } else {
    }
    %dma_start3A = arith.constant 0 : i32
    %dma_start3A_62 = arith.constant 0 : i32
    %dma_start3A_63 = tpu.memref_slice %arg6[%dma_start3A, %dma_start3A_62] : memref<160x128xi32, #tpu.memory_space<vmem>> -> memref<1x128xi32, #tpu.memory_space<vmem>>
    %dma_start3A_64 = tpu.memref_squeeze %dma_start3A_63 : memref<1x128xi32, #tpu.memory_space<vmem>> -> memref<128xi32, #tpu.memory_space<vmem>>
    %dma_start3A_65 = arith.constant 0 : i32
    %dma_start3A_66 = tpu.memref_slice %arg9[%dma_start3A_65] : memref<10240xf32, #tpu.memory_space<vmem_shared>> -> memref<10240xf32, #tpu.memory_space<vmem_shared>>
    tpu.enqueue_indirect_dma source(%arg7 : memref<128xf32, #tpu.memory_space<vmem>>) target(%dma_start3A_66 : memref<10240xf32, #tpu.memory_space<vmem_shared>>) offsets(%dma_start3A_64 : memref<128xi32, #tpu.memory_space<vmem>>) semaphore(%arg10 : memref<!tpu.dma_semaphore, #tpu.memory_space<semaphore_mem>>) {add = true}
    %dma_start3A_67 = arith.constant 1 : i32
    %dma_start3A_68 = arith.constant 0 : i32
    %dma_start3A_69 = tpu.memref_slice %arg6[%dma_start3A_67, %dma_start3A_68] : memref<160x128xi32, #tpu.memory_space<vmem>> -> memref<1x128xi32, #tpu.memory_space<vmem>>
    %dma_start3A_70 = tpu.memref_squeeze %dma_start3A_69 : memref<1x128xi32, #tpu.memory_space<vmem>> -> memref<128xi32, #tpu.memory_space<vmem>>
    %dma_start3A_71 = arith.constant 0 : i32
    %dma_start3A_72 = tpu.memref_slice %arg9[%dma_start3A_71] : memref<10240xf32, #tpu.memory_space<vmem_shared>> -> memref<10240xf32, #tpu.memory_space<vmem_shared>>
    tpu.enqueue_indirect_dma source(%arg7 : memref<128xf32, #tpu.memory_space<vmem>>) target(%dma_start3A_72 : memref<10240xf32, #tpu.memory_space<vmem_shared>>) offsets(%dma_start3A_70 : memref<128xi32, #tpu.memory_space<vmem>>) semaphore(%arg11 : memref<!tpu.dma_semaphore, #tpu.memory_space<semaphore_mem>>) {add = true}
    %scan3A_73 = arith.constant 0 : i32
    %scan3A_74 = arith.constant 1 : i32
    %scan3A_75 = arith.constant 79 : i32
    %scan3A_76 = arith.addi %scan3A_74, %scan3A_75 : i32
    %scan3A_77 = arith.constant 1 : i32
    %scan3A_78 = scf.for %scan3A_104 = %scan3A_74 to %scan3A_76 step %scan3A_77 iter_args(%scan3A_105 = %scan3A_73) -> (i32)  : i32 {
      %dma_wait3A_106 = arith.constant 0 : i32
      %dma_wait3A_107 = arith.constant 0 : i32
      %dma_wait3A_108 = tpu.memref_slice %arg6[%dma_wait3A_106, %dma_wait3A_107] : memref<160x128xi32, #tpu.memory_space<vmem>> -> memref<1x128xi32, #tpu.memory_space<vmem>>
      %dma_wait3A_109 = tpu.memref_squeeze %dma_wait3A_108 : memref<1x128xi32, #tpu.memory_space<vmem>> -> memref<128xi32, #tpu.memory_space<vmem>>
      %dma_wait3A_110 = arith.constant 0 : i32
      %dma_wait3A_111 = tpu.memref_slice %arg9[%dma_wait3A_110] : memref<10240xf32, #tpu.memory_space<vmem_shared>> -> memref<10240xf32, #tpu.memory_space<vmem_shared>>
      tpu.wait_indirect_dma semaphore(%arg10 : memref<!tpu.dma_semaphore, #tpu.memory_space<semaphore_mem>>) src(%arg7 : memref<128xf32, #tpu.memory_space<vmem>>) dst(%dma_wait3A_111 : memref<10240xf32, #tpu.memory_space<vmem_shared>>)
      %mul3A_112 = arith.constant 2 : i32
      %mul3A_113 = arith.muli %mul3A_112, %scan3A_104 : i32
      %dma_start3A_114 = arith.constant 0 : i32
      %dma_start3A_115 = tpu.memref_slice %arg6[%mul3A_113, %dma_start3A_114] : memref<160x128xi32, #tpu.memory_space<vmem>> -> memref<1x128xi32, #tpu.memory_space<vmem>>
      %dma_start3A_116 = tpu.memref_squeeze %dma_start3A_115 : memref<1x128xi32, #tpu.memory_space<vmem>> -> memref<128xi32, #tpu.memory_space<vmem>>
      %dma_start3A_117 = arith.constant 0 : i32
      %dma_start3A_118 = tpu.memref_slice %arg9[%dma_start3A_117] : memref<10240xf32, #tpu.memory_space<vmem_shared>> -> memref<10240xf32, #tpu.memory_space<vmem_shared>>
      tpu.enqueue_indirect_dma source(%arg7 : memref<128xf32, #tpu.memory_space<vmem>>) target(%dma_start3A_118 : memref<10240xf32, #tpu.memory_space<vmem_shared>>) offsets(%dma_start3A_116 : memref<128xi32, #tpu.memory_space<vmem>>) semaphore(%arg10 : memref<!tpu.dma_semaphore, #tpu.memory_space<semaphore_mem>>) {add = true}
      %dma_wait3A_119 = arith.constant 0 : i32
      %dma_wait3A_120 = arith.constant 0 : i32
      %dma_wait3A_121 = tpu.memref_slice %arg6[%dma_wait3A_119, %dma_wait3A_120] : memref<160x128xi32, #tpu.memory_space<vmem>> -> memref<1x128xi32, #tpu.memory_space<vmem>>
      %dma_wait3A_122 = tpu.memref_squeeze %dma_wait3A_121 : memref<1x128xi32, #tpu.memory_space<vmem>> -> memref<128xi32, #tpu.memory_space<vmem>>
      %dma_wait3A_123 = arith.constant 0 : i32
      %dma_wait3A_124 = tpu.memref_slice %arg9[%dma_wait3A_123] : memref<10240xf32, #tpu.memory_space<vmem_shared>> -> memref<10240xf32, #tpu.memory_space<vmem_shared>>
      tpu.wait_indirect_dma semaphore(%arg11 : memref<!tpu.dma_semaphore, #tpu.memory_space<semaphore_mem>>) src(%arg7 : memref<128xf32, #tpu.memory_space<vmem>>) dst(%dma_wait3A_124 : memref<10240xf32, #tpu.memory_space<vmem_shared>>)
      %mul3A_125 = arith.constant 2 : i32
      %mul3A_126 = arith.muli %mul3A_125, %scan3A_104 : i32
      %add3A = arith.constant 1 : i32
      %add3A_127 = arith.addi %mul3A_126, %add3A : i32
      %dma_start3A_128 = arith.constant 0 : i32
      %dma_start3A_129 = tpu.memref_slice %arg6[%add3A_127, %dma_start3A_128] : memref<160x128xi32, #tpu.memory_space<vmem>> -> memref<1x128xi32, #tpu.memory_space<vmem>>
      %dma_start3A_130 = tpu.memref_squeeze %dma_start3A_129 : memref<1x128xi32, #tpu.memory_space<vmem>> -> memref<128xi32, #tpu.memory_space<vmem>>
      %dma_start3A_131 = arith.constant 0 : i32
      %dma_start3A_132 = tpu.memref_slice %arg9[%dma_start3A_131] : memref<10240xf32, #tpu.memory_space<vmem_shared>> -> memref<10240xf32, #tpu.memory_space<vmem_shared>>
      tpu.enqueue_indirect_dma source(%arg7 : memref<128xf32, #tpu.memory_space<vmem>>) target(%dma_start3A_132 : memref<10240xf32, #tpu.memory_space<vmem_shared>>) offsets(%dma_start3A_130 : memref<128xi32, #tpu.memory_space<vmem>>) semaphore(%arg11 : memref<!tpu.dma_semaphore, #tpu.memory_space<semaphore_mem>>) {add = true}
      %scan3A_133 = arith.constant 0 : i32
      scf.yield %scan3A_133 : i32
    }
    %scan3A_79 = arith.constant 79 : i32
    %dma_wait3A = arith.constant 0 : i32
    %dma_wait3A_80 = arith.constant 0 : i32
    %dma_wait3A_81 = tpu.memref_slice %arg6[%dma_wait3A, %dma_wait3A_80] : memref<160x128xi32, #tpu.memory_space<vmem>> -> memref<1x128xi32, #tpu.memory_space<vmem>>
    %dma_wait3A_82 = tpu.memref_squeeze %dma_wait3A_81 : memref<1x128xi32, #tpu.memory_space<vmem>> -> memref<128xi32, #tpu.memory_space<vmem>>
    %dma_wait3A_83 = arith.constant 0 : i32
    %dma_wait3A_84 = tpu.memref_slice %arg9[%dma_wait3A_83] : memref<10240xf32, #tpu.memory_space<vmem_shared>> -> memref<10240xf32, #tpu.memory_space<vmem_shared>>
    tpu.wait_indirect_dma semaphore(%arg10 : memref<!tpu.dma_semaphore, #tpu.memory_space<semaphore_mem>>) src(%arg7 : memref<128xf32, #tpu.memory_space<vmem>>) dst(%dma_wait3A_84 : memref<10240xf32, #tpu.memory_space<vmem_shared>>)
    %dma_wait3A_85 = arith.constant 0 : i32
    %dma_wait3A_86 = arith.constant 0 : i32
    %dma_wait3A_87 = tpu.memref_slice %arg6[%dma_wait3A_85, %dma_wait3A_86] : memref<160x128xi32, #tpu.memory_space<vmem>> -> memref<1x128xi32, #tpu.memory_space<vmem>>
    %dma_wait3A_88 = tpu.memref_squeeze %dma_wait3A_87 : memref<1x128xi32, #tpu.memory_space<vmem>> -> memref<128xi32, #tpu.memory_space<vmem>>
    %dma_wait3A_89 = arith.constant 0 : i32
    %dma_wait3A_90 = tpu.memref_slice %arg9[%dma_wait3A_89] : memref<10240xf32, #tpu.memory_space<vmem_shared>> -> memref<10240xf32, #tpu.memory_space<vmem_shared>>
    tpu.wait_indirect_dma semaphore(%arg11 : memref<!tpu.dma_semaphore, #tpu.memory_space<semaphore_mem>>) src(%arg7 : memref<128xf32, #tpu.memory_space<vmem>>) dst(%dma_wait3A_90 : memref<10240xf32, #tpu.memory_space<vmem_shared>>)
    %barrier3A_91 = arith.constant 0 : index
    tpu.barrier barrier_id(%barrier3A_91)
    %mul3A_92 = arith.constant 640 : i32
    %mul3A_93 = arith.muli %arg1, %mul3A_92 : i32
    %eq3A_94 = arith.constant 0 : i32
    %eq3A_95 = arith.cmpi eq, %arg0, %eq3A_94 : i32
    %convert_element_type3A_96 = arith.extui %eq3A_95 : i1 to i32
    %cond3A_97 = arith.constant 0 : i32
    %cond3A_98 = arith.cmpi ne, %convert_element_type3A_96, %cond3A_97 : i32
    scf.if %cond3A_98 {
      "tpu.region"() ({
        %run_scoped3A = tpu.sem_alloc : memref<!tpu.dma_semaphore, #tpu.memory_space<semaphore_mem>>
        %dma_start3A_104 = tpu.memref_slice %arg4[%mul3A_93] : memref<10240xf32, #tpu.memory_space<hbm>> -> memref<640xf32, #tpu.memory_space<hbm>>
        %dma_start3A_105 = tpu.memref_slice %arg9[%mul3A_93] : memref<10240xf32, #tpu.memory_space<vmem_shared>> -> memref<640xf32, #tpu.memory_space<vmem_shared>>
        tpu.enqueue_dma source(%dma_start3A_105 : memref<640xf32, #tpu.memory_space<vmem_shared>>) target(%dma_start3A_104 : memref<640xf32, #tpu.memory_space<hbm>>) target_semaphore(%run_scoped3A : memref<!tpu.dma_semaphore, #tpu.memory_space<semaphore_mem>>)
        %dma_wait3A_106 = tpu.memref_slice %arg4[%mul3A_93] : memref<10240xf32, #tpu.memory_space<hbm>> -> memref<640xf32, #tpu.memory_space<hbm>>
        %dma_wait3A_107 = tpu.memref_slice %arg9[%mul3A_93] : memref<10240xf32, #tpu.memory_space<vmem_shared>> -> memref<640xf32, #tpu.memory_space<vmem_shared>>
        tpu.wait_dma2 semaphore(%run_scoped3A : memref<!tpu.dma_semaphore, #tpu.memory_space<semaphore_mem>>) src(%dma_wait3A_107 : memref<640xf32, #tpu.memory_space<vmem_shared>>) dst(%dma_wait3A_106 : memref<640xf32, #tpu.memory_space<hbm>>)
        tpu.yield
      }) : () -> ()
    } else {
    }
    %eq3A_99 = arith.constant 1 : i32
    %eq3A_100 = arith.cmpi eq, %arg0, %eq3A_99 : i32
    %convert_element_type3A_101 = arith.extui %eq3A_100 : i1 to i32
    %cond3A_102 = arith.constant 0 : i32
    %cond3A_103 = arith.cmpi ne, %convert_element_type3A_101, %cond3A_102 : i32
    scf.if %cond3A_103 {
      "tpu.region"() ({
        %run_scoped3A = tpu.sem_alloc : memref<!tpu.dma_semaphore, #tpu.memory_space<semaphore_mem>>
        %dma_start3A_104 = tpu.memref_slice %arg5[%mul3A_93] : memref<10240xf32, #tpu.memory_space<hbm>> -> memref<640xf32, #tpu.memory_space<hbm>>
        %dma_start3A_105 = tpu.memref_slice %arg9[%mul3A_93] : memref<10240xf32, #tpu.memory_space<vmem_shared>> -> memref<640xf32, #tpu.memory_space<vmem_shared>>
        tpu.enqueue_dma source(%dma_start3A_105 : memref<640xf32, #tpu.memory_space<vmem_shared>>) target(%dma_start3A_104 : memref<640xf32, #tpu.memory_space<hbm>>) target_semaphore(%run_scoped3A : memref<!tpu.dma_semaphore, #tpu.memory_space<semaphore_mem>>)
        %dma_wait3A_106 = tpu.memref_slice %arg5[%mul3A_93] : memref<10240xf32, #tpu.memory_space<hbm>> -> memref<640xf32, #tpu.memory_space<hbm>>
        %dma_wait3A_107 = tpu.memref_slice %arg9[%mul3A_93] : memref<10240xf32, #tpu.memory_space<vmem_shared>> -> memref<640xf32, #tpu.memory_space<vmem_shared>>
        tpu.wait_dma2 semaphore(%run_scoped3A : memref<!tpu.dma_semaphore, #tpu.memory_space<semaphore_mem>>) src(%dma_wait3A_107 : memref<640xf32, #tpu.memory_space<vmem_shared>>) dst(%dma_wait3A_106 : memref<640xf32, #tpu.memory_space<hbm>>)
        tpu.yield
      }) : () -> ()
    } else {
    }
    return
  }
}

#map = affine_map<(d0, d1) -> (0)>
#map1 = affine_map<(d0, d1) -> (0, 0)>
#map2 = affine_map<(d0, d1) -> (0, 0, 0)>
module attributes {stable_mosaic.version = 14 : i64} {
  func.func @_agg_body(%arg0: i32, %arg1: i32, %arg2: memref<327680xi32, #tpu.memory_space<hbm>>, %arg3: memref<327680xi32, #tpu.memory_space<hbm>>, %arg4: memref<2560x128xi32, #tpu.memory_space<hbm>>, %arg5: memref<10240x128xf32, #tpu.memory_space<hbm>>, %arg6: memref<2x10240x128xf32, #tpu.memory_space<hbm>>, %arg7: memref<128xi32, #tpu.memory_space<vmem>>, %arg8: memref<128xi32, #tpu.memory_space<vmem>>, %arg9: memref<128xi32, #tpu.memory_space<vmem>>, %arg10: memref<128xi32, #tpu.memory_space<vmem>>, %arg11: memref<128x128xf32, #tpu.memory_space<vmem>>, %arg12: memref<128x128xf32, #tpu.memory_space<vmem>>, %arg13: memref<5120xi32, #tpu.memory_space<vmem>>, %arg14: memref<40x128xi32, #tpu.memory_space<vmem>>, %arg15: memref<!tpu.dma_semaphore, #tpu.memory_space<semaphore_mem>>, %arg16: memref<!tpu.dma_semaphore, #tpu.memory_space<semaphore_mem>>, %arg17: memref<!tpu.dma_semaphore, #tpu.memory_space<semaphore_mem>>, %arg18: memref<!tpu.dma_semaphore, #tpu.memory_space<semaphore_mem>>, %arg19: memref<!tpu.dma_semaphore, #tpu.memory_space<semaphore_mem>>, %arg20: memref<!tpu.dma_semaphore, #tpu.memory_space<semaphore_mem>>, %arg21: memref<10240x128xf32, #tpu.memory_space<vmem_shared>>) attributes {dimension_semantics = [#tpu.dimension_semantics<core_parallel>, #tpu.dimension_semantics<subcore_parallel>], iteration_bounds = array<i64: 2, 16>, scalar_prefetch = 0 : i64, scratch_operands = 15 : i64, tpu.core_type = #tpu.core_type<sc_vector_subcore>, window_params = [{transform_indices = #map}, {transform_indices = #map}, {transform_indices = #map1}, {transform_indices = #map1}, {transform_indices = #map2}]} {
    %scan3A = arith.constant 0 : i32
    %scan3A_0 = arith.constant 0 : i32
    %scan3A_1 = arith.constant 128 : i32
    %scan3A_2 = arith.addi %scan3A_0, %scan3A_1 : i32
    %scan3A_3 = arith.constant 1 : i32
    %scan3A_4 = scf.for %scan3A_34 = %scan3A_0 to %scan3A_2 step %scan3A_3 iter_args(%scan3A_35 = %scan3A) -> (i32)  : i32 {
      %broadcast_in_dim3A = arith.constant 0.000000e+00 : f32
      %broadcast_in_dim3A_36 = vector.broadcast %broadcast_in_dim3A : f32 to vector<16xf32>
      %swap3A = arith.index_cast %scan3A_34 : i32 to index
      %swap3A_37 = arith.constant 0 : index
      %swap3A_38 = tpu.vector_load %arg11[%swap3A, %swap3A_37] {strides = array<i32>} : memref<128x128xf32, #tpu.memory_space<vmem>>, vector<1x16xf32>,
      %swap3A_39 = vector.shape_cast %swap3A_38 : vector<1x16xf32> to vector<16xf32>
      %swap3A_40 = vector.shape_cast %broadcast_in_dim3A_36 : vector<16xf32> to vector<1x16xf32>
      tpu.vector_store %arg11[%swap3A, %swap3A_37], %swap3A_40 {strides = array<i32>} : memref<128x128xf32, #tpu.memory_space<vmem>>, vector<1x16xf32>,
      %broadcast_in_dim3A_41 = arith.constant 0.000000e+00 : f32
      %broadcast_in_dim3A_42 = vector.broadcast %broadcast_in_dim3A_41 : f32 to vector<16xf32>
      %swap3A_43 = arith.index_cast %scan3A_34 : i32 to index
      %swap3A_44 = arith.constant 16 : index
      %swap3A_45 = tpu.vector_load %arg11[%swap3A_43, %swap3A_44] {strides = array<i32>} : memref<128x128xf32, #tpu.memory_space<vmem>>, vector<1x16xf32>,
      %swap3A_46 = vector.shape_cast %swap3A_45 : vector<1x16xf32> to vector<16xf32>
      %swap3A_47 = vector.shape_cast %broadcast_in_dim3A_42 : vector<16xf32> to vector<1x16xf32>
      tpu.vector_store %arg11[%swap3A_43, %swap3A_44], %swap3A_47 {strides = array<i32>} : memref<128x128xf32, #tpu.memory_space<vmem>>, vector<1x16xf32>,
      %broadcast_in_dim3A_48 = arith.constant 0.000000e+00 : f32
      %broadcast_in_dim3A_49 = vector.broadcast %broadcast_in_dim3A_48 : f32 to vector<16xf32>
      %swap3A_50 = arith.index_cast %scan3A_34 : i32 to index
      %swap3A_51 = arith.constant 32 : index
      %swap3A_52 = tpu.vector_load %arg11[%swap3A_50, %swap3A_51] {strides = array<i32>} : memref<128x128xf32, #tpu.memory_space<vmem>>, vector<1x16xf32>,
      %swap3A_53 = vector.shape_cast %swap3A_52 : vector<1x16xf32> to vector<16xf32>
      %swap3A_54 = vector.shape_cast %broadcast_in_dim3A_49 : vector<16xf32> to vector<1x16xf32>
      tpu.vector_store %arg11[%swap3A_50, %swap3A_51], %swap3A_54 {strides = array<i32>} : memref<128x128xf32, #tpu.memory_space<vmem>>, vector<1x16xf32>,
      %broadcast_in_dim3A_55 = arith.constant 0.000000e+00 : f32
      %broadcast_in_dim3A_56 = vector.broadcast %broadcast_in_dim3A_55 : f32 to vector<16xf32>
      %swap3A_57 = arith.index_cast %scan3A_34 : i32 to index
      %swap3A_58 = arith.constant 48 : index
      %swap3A_59 = tpu.vector_load %arg11[%swap3A_57, %swap3A_58] {strides = array<i32>} : memref<128x128xf32, #tpu.memory_space<vmem>>, vector<1x16xf32>,
      %swap3A_60 = vector.shape_cast %swap3A_59 : vector<1x16xf32> to vector<16xf32>
      %swap3A_61 = vector.shape_cast %broadcast_in_dim3A_56 : vector<16xf32> to vector<1x16xf32>
      tpu.vector_store %arg11[%swap3A_57, %swap3A_58], %swap3A_61 {strides = array<i32>} : memref<128x128xf32, #tpu.memory_space<vmem>>, vector<1x16xf32>,
      %broadcast_in_dim3A_62 = arith.constant 0.000000e+00 : f32
      %broadcast_in_dim3A_63 = vector.broadcast %broadcast_in_dim3A_62 : f32 to vector<16xf32>
      %swap3A_64 = arith.index_cast %scan3A_34 : i32 to index
      %swap3A_65 = arith.constant 64 : index
      %swap3A_66 = tpu.vector_load %arg11[%swap3A_64, %swap3A_65] {strides = array<i32>} : memref<128x128xf32, #tpu.memory_space<vmem>>, vector<1x16xf32>,
      %swap3A_67 = vector.shape_cast %swap3A_66 : vector<1x16xf32> to vector<16xf32>
      %swap3A_68 = vector.shape_cast %broadcast_in_dim3A_63 : vector<16xf32> to vector<1x16xf32>
      tpu.vector_store %arg11[%swap3A_64, %swap3A_65], %swap3A_68 {strides = array<i32>} : memref<128x128xf32, #tpu.memory_space<vmem>>, vector<1x16xf32>,
      %broadcast_in_dim3A_69 = arith.constant 0.000000e+00 : f32
      %broadcast_in_dim3A_70 = vector.broadcast %broadcast_in_dim3A_69 : f32 to vector<16xf32>
      %swap3A_71 = arith.index_cast %scan3A_34 : i32 to index
      %swap3A_72 = arith.constant 80 : index
      %swap3A_73 = tpu.vector_load %arg11[%swap3A_71, %swap3A_72] {strides = array<i32>} : memref<128x128xf32, #tpu.memory_space<vmem>>, vector<1x16xf32>,
      %swap3A_74 = vector.shape_cast %swap3A_73 : vector<1x16xf32> to vector<16xf32>
      %swap3A_75 = vector.shape_cast %broadcast_in_dim3A_70 : vector<16xf32> to vector<1x16xf32>
      tpu.vector_store %arg11[%swap3A_71, %swap3A_72], %swap3A_75 {strides = array<i32>} : memref<128x128xf32, #tpu.memory_space<vmem>>, vector<1x16xf32>,
      %broadcast_in_dim3A_76 = arith.constant 0.000000e+00 : f32
      %broadcast_in_dim3A_77 = vector.broadcast %broadcast_in_dim3A_76 : f32 to vector<16xf32>
      %swap3A_78 = arith.index_cast %scan3A_34 : i32 to index
      %swap3A_79 = arith.constant 96 : index
      %swap3A_80 = tpu.vector_load %arg11[%swap3A_78, %swap3A_79] {strides = array<i32>} : memref<128x128xf32, #tpu.memory_space<vmem>>, vector<1x16xf32>,
      %swap3A_81 = vector.shape_cast %swap3A_80 : vector<1x16xf32> to vector<16xf32>
      %swap3A_82 = vector.shape_cast %broadcast_in_dim3A_77 : vector<16xf32> to vector<1x16xf32>
      tpu.vector_store %arg11[%swap3A_78, %swap3A_79], %swap3A_82 {strides = array<i32>} : memref<128x128xf32, #tpu.memory_space<vmem>>, vector<1x16xf32>,
      %broadcast_in_dim3A_83 = arith.constant 0.000000e+00 : f32
      %broadcast_in_dim3A_84 = vector.broadcast %broadcast_in_dim3A_83 : f32 to vector<16xf32>
      %swap3A_85 = arith.index_cast %scan3A_34 : i32 to index
      %swap3A_86 = arith.constant 112 : index
      %swap3A_87 = tpu.vector_load %arg11[%swap3A_85, %swap3A_86] {strides = array<i32>} : memref<128x128xf32, #tpu.memory_space<vmem>>, vector<1x16xf32>,
      %swap3A_88 = vector.shape_cast %swap3A_87 : vector<1x16xf32> to vector<16xf32>
      %swap3A_89 = vector.shape_cast %broadcast_in_dim3A_84 : vector<16xf32> to vector<1x16xf32>
      tpu.vector_store %arg11[%swap3A_85, %swap3A_86], %swap3A_89 {strides = array<i32>} : memref<128x128xf32, #tpu.memory_space<vmem>>, vector<1x16xf32>,
      %scan3A_90 = arith.constant 0 : i32
      scf.yield %scan3A_90 : i32
    }
    %scan3A_5 = arith.constant 128 : i32
    %mul3A = arith.constant 640 : i32
    %mul3A_6 = arith.muli %arg1, %mul3A : i32
    %add3A = arith.constant 0 : i32
    %add3A_7 = arith.addi %mul3A_6, %add3A : i32
    "tpu.region"() ({
      %run_scoped3A = tpu.sem_alloc : memref<!tpu.dma_semaphore, #tpu.memory_space<semaphore_mem>>
      %dma_start3A = arith.constant 0 : i32
      %dma_start3A_34 = tpu.memref_slice %arg21[%add3A_7, %dma_start3A] : memref<10240x128xf32, #tpu.memory_space<vmem_shared>> -> memref<128x128xf32, #tpu.memory_space<vmem_shared>>
      %dma_start3A_35 = arith.constant 0 : i32
      %dma_start3A_36 = tpu.memref_slice %arg21[%add3A_7, %dma_start3A_35] : memref<10240x128xf32, #tpu.memory_space<vmem_shared>> -> memref<128x128xf32, #tpu.memory_space<vmem_shared>>
      tpu.enqueue_dma source(%arg11 : memref<128x128xf32, #tpu.memory_space<vmem>>) target(%dma_start3A_36 : memref<128x128xf32, #tpu.memory_space<vmem_shared>>) target_semaphore(%run_scoped3A : memref<!tpu.dma_semaphore, #tpu.memory_space<semaphore_mem>>)
      %dma_wait3A = arith.constant 0 : i32
      %dma_wait3A_37 = tpu.memref_slice %arg21[%add3A_7, %dma_wait3A] : memref<10240x128xf32, #tpu.memory_space<vmem_shared>> -> memref<128x128xf32, #tpu.memory_space<vmem_shared>>
      %dma_wait3A_38 = arith.constant 0 : i32
      %dma_wait3A_39 = tpu.memref_slice %arg21[%add3A_7, %dma_wait3A_38] : memref<10240x128xf32, #tpu.memory_space<vmem_shared>> -> memref<128x128xf32, #tpu.memory_space<vmem_shared>>
      tpu.wait_dma2 semaphore(%run_scoped3A : memref<!tpu.dma_semaphore, #tpu.memory_space<semaphore_mem>>) src(%arg11 : memref<128x128xf32, #tpu.memory_space<vmem>>) dst(%dma_wait3A_39 : memref<128x128xf32, #tpu.memory_space<vmem_shared>>)
      tpu.yield
    }) : () -> ()
    %mul3A_8 = arith.constant 640 : i32
    %mul3A_9 = arith.muli %arg1, %mul3A_8 : i32
    %add3A_10 = arith.constant 128 : i32
    %add3A_11 = arith.addi %mul3A_9, %add3A_10 : i32
    "tpu.region"() ({
      %run_scoped3A = tpu.sem_alloc : memref<!tpu.dma_semaphore, #tpu.memory_space<semaphore_mem>>
      %dma_start3A = arith.constant 0 : i32
      %dma_start3A_34 = tpu.memref_slice %arg21[%add3A_11, %dma_start3A] : memref<10240x128xf32, #tpu.memory_space<vmem_shared>> -> memref<128x128xf32, #tpu.memory_space<vmem_shared>>
      %dma_start3A_35 = arith.constant 0 : i32
      %dma_start3A_36 = tpu.memref_slice %arg21[%add3A_11, %dma_start3A_35] : memref<10240x128xf32, #tpu.memory_space<vmem_shared>> -> memref<128x128xf32, #tpu.memory_space<vmem_shared>>
      tpu.enqueue_dma source(%arg11 : memref<128x128xf32, #tpu.memory_space<vmem>>) target(%dma_start3A_36 : memref<128x128xf32, #tpu.memory_space<vmem_shared>>) target_semaphore(%run_scoped3A : memref<!tpu.dma_semaphore, #tpu.memory_space<semaphore_mem>>)
      %dma_wait3A = arith.constant 0 : i32
      %dma_wait3A_37 = tpu.memref_slice %arg21[%add3A_11, %dma_wait3A] : memref<10240x128xf32, #tpu.memory_space<vmem_shared>> -> memref<128x128xf32, #tpu.memory_space<vmem_shared>>
      %dma_wait3A_38 = arith.constant 0 : i32
      %dma_wait3A_39 = tpu.memref_slice %arg21[%add3A_11, %dma_wait3A_38] : memref<10240x128xf32, #tpu.memory_space<vmem_shared>> -> memref<128x128xf32, #tpu.memory_space<vmem_shared>>
      tpu.wait_dma2 semaphore(%run_scoped3A : memref<!tpu.dma_semaphore, #tpu.memory_space<semaphore_mem>>) src(%arg11 : memref<128x128xf32, #tpu.memory_space<vmem>>) dst(%dma_wait3A_39 : memref<128x128xf32, #tpu.memory_space<vmem_shared>>)
      tpu.yield
    }) : () -> ()
    %mul3A_12 = arith.constant 640 : i32
    %mul3A_13 = arith.muli %arg1, %mul3A_12 : i32
    %add3A_14 = arith.constant 256 : i32
    %add3A_15 = arith.addi %mul3A_13, %add3A_14 : i32
    "tpu.region"() ({
      %run_scoped3A = tpu.sem_alloc : memref<!tpu.dma_semaphore, #tpu.memory_space<semaphore_mem>>
      %dma_start3A = arith.constant 0 : i32
      %dma_start3A_34 = tpu.memref_slice %arg21[%add3A_15, %dma_start3A] : memref<10240x128xf32, #tpu.memory_space<vmem_shared>> -> memref<128x128xf32, #tpu.memory_space<vmem_shared>>
      %dma_start3A_35 = arith.constant 0 : i32
      %dma_start3A_36 = tpu.memref_slice %arg21[%add3A_15, %dma_start3A_35] : memref<10240x128xf32, #tpu.memory_space<vmem_shared>> -> memref<128x128xf32, #tpu.memory_space<vmem_shared>>
      tpu.enqueue_dma source(%arg11 : memref<128x128xf32, #tpu.memory_space<vmem>>) target(%dma_start3A_36 : memref<128x128xf32, #tpu.memory_space<vmem_shared>>) target_semaphore(%run_scoped3A : memref<!tpu.dma_semaphore, #tpu.memory_space<semaphore_mem>>)
      %dma_wait3A = arith.constant 0 : i32
      %dma_wait3A_37 = tpu.memref_slice %arg21[%add3A_15, %dma_wait3A] : memref<10240x128xf32, #tpu.memory_space<vmem_shared>> -> memref<128x128xf32, #tpu.memory_space<vmem_shared>>
      %dma_wait3A_38 = arith.constant 0 : i32
      %dma_wait3A_39 = tpu.memref_slice %arg21[%add3A_15, %dma_wait3A_38] : memref<10240x128xf32, #tpu.memory_space<vmem_shared>> -> memref<128x128xf32, #tpu.memory_space<vmem_shared>>
      tpu.wait_dma2 semaphore(%run_scoped3A : memref<!tpu.dma_semaphore, #tpu.memory_space<semaphore_mem>>) src(%arg11 : memref<128x128xf32, #tpu.memory_space<vmem>>) dst(%dma_wait3A_39 : memref<128x128xf32, #tpu.memory_space<vmem_shared>>)
      tpu.yield
    }) : () -> ()
    %mul3A_16 = arith.constant 640 : i32
    %mul3A_17 = arith.muli %arg1, %mul3A_16 : i32
    %add3A_18 = arith.constant 384 : i32
    %add3A_19 = arith.addi %mul3A_17, %add3A_18 : i32
    "tpu.region"() ({
      %run_scoped3A = tpu.sem_alloc : memref<!tpu.dma_semaphore, #tpu.memory_space<semaphore_mem>>
      %dma_start3A = arith.constant 0 : i32
      %dma_start3A_34 = tpu.memref_slice %arg21[%add3A_19, %dma_start3A] : memref<10240x128xf32, #tpu.memory_space<vmem_shared>> -> memref<128x128xf32, #tpu.memory_space<vmem_shared>>
      %dma_start3A_35 = arith.constant 0 : i32
      %dma_start3A_36 = tpu.memref_slice %arg21[%add3A_19, %dma_start3A_35] : memref<10240x128xf32, #tpu.memory_space<vmem_shared>> -> memref<128x128xf32, #tpu.memory_space<vmem_shared>>
      tpu.enqueue_dma source(%arg11 : memref<128x128xf32, #tpu.memory_space<vmem>>) target(%dma_start3A_36 : memref<128x128xf32, #tpu.memory_space<vmem_shared>>) target_semaphore(%run_scoped3A : memref<!tpu.dma_semaphore, #tpu.memory_space<semaphore_mem>>)
      %dma_wait3A = arith.constant 0 : i32
      %dma_wait3A_37 = tpu.memref_slice %arg21[%add3A_19, %dma_wait3A] : memref<10240x128xf32, #tpu.memory_space<vmem_shared>> -> memref<128x128xf32, #tpu.memory_space<vmem_shared>>
      %dma_wait3A_38 = arith.constant 0 : i32
      %dma_wait3A_39 = tpu.memref_slice %arg21[%add3A_19, %dma_wait3A_38] : memref<10240x128xf32, #tpu.memory_space<vmem_shared>> -> memref<128x128xf32, #tpu.memory_space<vmem_shared>>
      tpu.wait_dma2 semaphore(%run_scoped3A : memref<!tpu.dma_semaphore, #tpu.memory_space<semaphore_mem>>) src(%arg11 : memref<128x128xf32, #tpu.memory_space<vmem>>) dst(%dma_wait3A_39 : memref<128x128xf32, #tpu.memory_space<vmem_shared>>)
      tpu.yield
    }) : () -> ()
    %mul3A_20 = arith.constant 640 : i32
    %mul3A_21 = arith.muli %arg1, %mul3A_20 : i32
    %add3A_22 = arith.constant 512 : i32
    %add3A_23 = arith.addi %mul3A_21, %add3A_22 : i32
    "tpu.region"() ({
      %run_scoped3A = tpu.sem_alloc : memref<!tpu.dma_semaphore, #tpu.memory_space<semaphore_mem>>
      %dma_start3A = arith.constant 0 : i32
      %dma_start3A_34 = tpu.memref_slice %arg21[%add3A_23, %dma_start3A] : memref<10240x128xf32, #tpu.memory_space<vmem_shared>> -> memref<128x128xf32, #tpu.memory_space<vmem_shared>>
      %dma_start3A_35 = arith.constant 0 : i32
      %dma_start3A_36 = tpu.memref_slice %arg21[%add3A_23, %dma_start3A_35] : memref<10240x128xf32, #tpu.memory_space<vmem_shared>> -> memref<128x128xf32, #tpu.memory_space<vmem_shared>>
      tpu.enqueue_dma source(%arg11 : memref<128x128xf32, #tpu.memory_space<vmem>>) target(%dma_start3A_36 : memref<128x128xf32, #tpu.memory_space<vmem_shared>>) target_semaphore(%run_scoped3A : memref<!tpu.dma_semaphore, #tpu.memory_space<semaphore_mem>>)
      %dma_wait3A = arith.constant 0 : i32
      %dma_wait3A_37 = tpu.memref_slice %arg21[%add3A_23, %dma_wait3A] : memref<10240x128xf32, #tpu.memory_space<vmem_shared>> -> memref<128x128xf32, #tpu.memory_space<vmem_shared>>
      %dma_wait3A_38 = arith.constant 0 : i32
      %dma_wait3A_39 = tpu.memref_slice %arg21[%add3A_23, %dma_wait3A_38] : memref<10240x128xf32, #tpu.memory_space<vmem_shared>> -> memref<128x128xf32, #tpu.memory_space<vmem_shared>>
      tpu.wait_dma2 semaphore(%run_scoped3A : memref<!tpu.dma_semaphore, #tpu.memory_space<semaphore_mem>>) src(%arg11 : memref<128x128xf32, #tpu.memory_space<vmem>>) dst(%dma_wait3A_39 : memref<128x128xf32, #tpu.memory_space<vmem_shared>>)
      tpu.yield
    }) : () -> ()
    %barrier3A = arith.constant 0 : index
    tpu.barrier barrier_id(%barrier3A)
    %eq3A = arith.constant 0 : i32
    %eq3A_24 = arith.cmpi eq, %arg0, %eq3A : i32
    %convert_element_type3A = arith.extui %eq3A_24 : i1 to i32
    %cond3A = arith.constant 0 : i32
    %cond3A_25 = arith.cmpi ne, %convert_element_type3A, %cond3A : i32
    scf.if %cond3A_25 {
      %mul3A_34 = arith.constant 120 : i32
      %mul3A_35 = arith.muli %arg1, %mul3A_34 : i32
      %add3A_36 = arith.constant 0 : i32
      %add3A_37 = arith.addi %mul3A_35, %add3A_36 : i32
      %mul3A_38 = arith.constant 128 : i32
      %mul3A_39 = arith.muli %add3A_37, %mul3A_38 : i32
      %dma_start3A = tpu.memref_slice %arg2[%mul3A_39] : memref<327680xi32, #tpu.memory_space<hbm>> -> memref<128xi32, #tpu.memory_space<hbm>>
      %dma_start3A_40 = tpu.memref_slice %arg2[%mul3A_39] : memref<327680xi32, #tpu.memory_space<hbm>> -> memref<128xi32, #tpu.memory_space<hbm>>
      tpu.enqueue_dma source(%dma_start3A_40 : memref<128xi32, #tpu.memory_space<hbm>>) target(%arg7 : memref<128xi32, #tpu.memory_space<vmem>>) target_semaphore(%arg17 : memref<!tpu.dma_semaphore, #tpu.memory_space<semaphore_mem>>)
      %add3A_41 = arith.constant 0 : i32
      %add3A_42 = arith.addi %mul3A_35, %add3A_41 : i32
      %mul3A_43 = arith.constant 128 : i32
      %mul3A_44 = arith.muli %add3A_42, %mul3A_43 : i32
      %dma_start3A_45 = tpu.memref_slice %arg3[%mul3A_44] : memref<327680xi32, #tpu.memory_space<hbm>> -> memref<128xi32, #tpu.memory_space<hbm>>
      %dma_start3A_46 = tpu.memref_slice %arg3[%mul3A_44] : memref<327680xi32, #tpu.memory_space<hbm>> -> memref<128xi32, #tpu.memory_space<hbm>>
      tpu.enqueue_dma source(%dma_start3A_46 : memref<128xi32, #tpu.memory_space<hbm>>) target(%arg9 : memref<128xi32, #tpu.memory_space<vmem>>) target_semaphore(%arg19 : memref<!tpu.dma_semaphore, #tpu.memory_space<semaphore_mem>>)
      %add3A_47 = arith.constant 1 : i32
      %add3A_48 = arith.addi %mul3A_35, %add3A_47 : i32
      %mul3A_49 = arith.constant 128 : i32
      %mul3A_50 = arith.muli %add3A_48, %mul3A_49 : i32
      %dma_start3A_51 = tpu.memref_slice %arg2[%mul3A_50] : memref<327680xi32, #tpu.memory_space<hbm>> -> memref<128xi32, #tpu.memory_space<hbm>>
      %dma_start3A_52 = tpu.memref_slice %arg2[%mul3A_50] : memref<327680xi32, #tpu.memory_space<hbm>> -> memref<128xi32, #tpu.memory_space<hbm>>
      tpu.enqueue_dma source(%dma_start3A_52 : memref<128xi32, #tpu.memory_space<hbm>>) target(%arg8 : memref<128xi32, #tpu.memory_space<vmem>>) target_semaphore(%arg18 : memref<!tpu.dma_semaphore, #tpu.memory_space<semaphore_mem>>)
      %add3A_53 = arith.constant 1 : i32
      %add3A_54 = arith.addi %mul3A_35, %add3A_53 : i32
      %mul3A_55 = arith.constant 128 : i32
      %mul3A_56 = arith.muli %add3A_54, %mul3A_55 : i32
      %dma_start3A_57 = tpu.memref_slice %arg3[%mul3A_56] : memref<327680xi32, #tpu.memory_space<hbm>> -> memref<128xi32, #tpu.memory_space<hbm>>
      %dma_start3A_58 = tpu.memref_slice %arg3[%mul3A_56] : memref<327680xi32, #tpu.memory_space<hbm>> -> memref<128xi32, #tpu.memory_space<hbm>>
      tpu.enqueue_dma source(%dma_start3A_58 : memref<128xi32, #tpu.memory_space<hbm>>) target(%arg10 : memref<128xi32, #tpu.memory_space<vmem>>) target_semaphore(%arg20 : memref<!tpu.dma_semaphore, #tpu.memory_space<semaphore_mem>>)
      %dma_wait3A = arith.constant 0 : i32
      %dma_wait3A_59 = tpu.memref_slice %arg2[%dma_wait3A] : memref<327680xi32, #tpu.memory_space<hbm>> -> memref<128xi32, #tpu.memory_space<hbm>>
      %dma_wait3A_60 = arith.constant 0 : i32
      %dma_wait3A_61 = tpu.memref_slice %arg2[%dma_wait3A_60] : memref<327680xi32, #tpu.memory_space<hbm>> -> memref<128xi32, #tpu.memory_space<hbm>>
      tpu.wait_dma2 semaphore(%arg17 : memref<!tpu.dma_semaphore, #tpu.memory_space<semaphore_mem>>) src(%dma_wait3A_61 : memref<128xi32, #tpu.memory_space<hbm>>) dst(%arg7 : memref<128xi32, #tpu.memory_space<vmem>>)
      %dma_start3A_62 = arith.constant 0 : i32
      %dma_start3A_63 = arith.constant 0 : i32
      %dma_start3A_64 = tpu.memref_slice %arg5[%dma_start3A_62, %dma_start3A_63] : memref<10240x128xf32, #tpu.memory_space<hbm>> -> memref<10240x128xf32, #tpu.memory_space<hbm>>
      tpu.enqueue_indirect_dma source(%dma_start3A_64 : memref<10240x128xf32, #tpu.memory_space<hbm>>) target(%arg11 : memref<128x128xf32, #tpu.memory_space<vmem>>) offsets(%arg7 : memref<128xi32, #tpu.memory_space<vmem>>) semaphore(%arg15 : memref<!tpu.dma_semaphore, #tpu.memory_space<semaphore_mem>>)
      %dma_wait3A_65 = arith.constant 0 : i32
      %dma_wait3A_66 = tpu.memref_slice %arg2[%dma_wait3A_65] : memref<327680xi32, #tpu.memory_space<hbm>> -> memref<128xi32, #tpu.memory_space<hbm>>
      %dma_wait3A_67 = arith.constant 0 : i32
      %dma_wait3A_68 = tpu.memref_slice %arg2[%dma_wait3A_67] : memref<327680xi32, #tpu.memory_space<hbm>> -> memref<128xi32, #tpu.memory_space<hbm>>
      tpu.wait_dma2 semaphore(%arg18 : memref<!tpu.dma_semaphore, #tpu.memory_space<semaphore_mem>>) src(%dma_wait3A_68 : memref<128xi32, #tpu.memory_space<hbm>>) dst(%arg8 : memref<128xi32, #tpu.memory_space<vmem>>)
      %dma_start3A_69 = arith.constant 0 : i32
      %dma_start3A_70 = arith.constant 0 : i32
      %dma_start3A_71 = tpu.memref_slice %arg5[%dma_start3A_69, %dma_start3A_70] : memref<10240x128xf32, #tpu.memory_space<hbm>> -> memref<10240x128xf32, #tpu.memory_space<hbm>>
      tpu.enqueue_indirect_dma source(%dma_start3A_71 : memref<10240x128xf32, #tpu.memory_space<hbm>>) target(%arg12 : memref<128x128xf32, #tpu.memory_space<vmem>>) offsets(%arg8 : memref<128xi32, #tpu.memory_space<vmem>>) semaphore(%arg16 : memref<!tpu.dma_semaphore, #tpu.memory_space<semaphore_mem>>)
      %scan3A_72 = arith.constant 0 : i32
      %scan3A_73 = arith.constant 0 : i32
      %scan3A_74 = arith.constant 59 : i32
      %scan3A_75 = arith.addi %scan3A_73, %scan3A_74 : i32
      %scan3A_76 = arith.constant 1 : i32
      %scan3A_77 = scf.for %scan3A_93 = %scan3A_73 to %scan3A_75 step %scan3A_76 iter_args(%scan3A_94 = %scan3A_72) -> (i32)  : i32 {
        %mul3A_95 = arith.constant 2 : i32
        %mul3A_96 = arith.muli %mul3A_95, %scan3A_93 : i32
        %add3A_97 = arith.addi %mul3A_35, %mul3A_96 : i32
        %dma_wait3A_98 = arith.constant 0 : i32
        %dma_wait3A_99 = arith.constant 0 : i32
        %dma_wait3A_100 = tpu.memref_slice %arg5[%dma_wait3A_98, %dma_wait3A_99] : memref<10240x128xf32, #tpu.memory_space<hbm>> -> memref<10240x128xf32, #tpu.memory_space<hbm>>
        tpu.wait_indirect_dma semaphore(%arg15 : memref<!tpu.dma_semaphore, #tpu.memory_space<semaphore_mem>>) src(%dma_wait3A_100 : memref<10240x128xf32, #tpu.memory_space<hbm>>) dst(%arg11 : memref<128x128xf32, #tpu.memory_space<vmem>>)
        %add3A_101 = arith.constant 2 : i32
        %add3A_102 = arith.addi %add3A_97, %add3A_101 : i32
        %add3A_103 = arith.constant 0 : i32
        %add3A_104 = arith.addi %add3A_102, %add3A_103 : i32
        %mul3A_105 = arith.constant 128 : i32
        %mul3A_106 = arith.muli %add3A_104, %mul3A_105 : i32
        %dma_start3A_107 = tpu.memref_slice %arg2[%mul3A_106] : memref<327680xi32, #tpu.memory_space<hbm>> -> memref<128xi32, #tpu.memory_space<hbm>>
        %dma_start3A_108 = tpu.memref_slice %arg2[%mul3A_106] : memref<327680xi32, #tpu.memory_space<hbm>> -> memref<128xi32, #tpu.memory_space<hbm>>
        tpu.enqueue_dma source(%dma_start3A_108 : memref<128xi32, #tpu.memory_space<hbm>>) target(%arg7 : memref<128xi32, #tpu.memory_space<vmem>>) target_semaphore(%arg17 : memref<!tpu.dma_semaphore, #tpu.memory_space<semaphore_mem>>)
        %dma_wait3A_109 = arith.constant 0 : i32
        %dma_wait3A_110 = tpu.memref_slice %arg3[%dma_wait3A_109] : memref<327680xi32, #tpu.memory_space<hbm>> -> memref<128xi32, #tpu.memory_space<hbm>>
        %dma_wait3A_111 = arith.constant 0 : i32
        %dma_wait3A_112 = tpu.memref_slice %arg3[%dma_wait3A_111] : memref<327680xi32, #tpu.memory_space<hbm>> -> memref<128xi32, #tpu.memory_space<hbm>>
        tpu.wait_dma2 semaphore(%arg19 : memref<!tpu.dma_semaphore, #tpu.memory_space<semaphore_mem>>) src(%dma_wait3A_112 : memref<128xi32, #tpu.memory_space<hbm>>) dst(%arg9 : memref<128xi32, #tpu.memory_space<vmem>>)
        "tpu.region"() ({
          %run_scoped3A = tpu.sem_alloc : memref<!tpu.dma_semaphore, #tpu.memory_space<semaphore_mem>>
          %dma_start3A_159 = arith.constant 0 : i32
          %dma_start3A_160 = arith.constant 0 : i32
          %dma_start3A_161 = tpu.memref_slice %arg21[%dma_start3A_159, %dma_start3A_160] : memref<10240x128xf32, #tpu.memory_space<vmem_shared>> -> memref<10240x128xf32, #tpu.memory_space<vmem_shared>>
          tpu.enqueue_indirect_dma source(%arg11 : memref<128x128xf32, #tpu.memory_space<vmem>>) target(%dma_start3A_161 : memref<10240x128xf32, #tpu.memory_space<vmem_shared>>) offsets(%arg9 : memref<128xi32, #tpu.memory_space<vmem>>) semaphore(%run_scoped3A : memref<!tpu.dma_semaphore, #tpu.memory_space<semaphore_mem>>) {add = true}
          %dma_wait3A_162 = arith.constant 0 : i32
          %dma_wait3A_163 = arith.constant 0 : i32
          %dma_wait3A_164 = tpu.memref_slice %arg21[%dma_wait3A_162, %dma_wait3A_163] : memref<10240x128xf32, #tpu.memory_space<vmem_shared>> -> memref<10240x128xf32, #tpu.memory_space<vmem_shared>>
          tpu.wait_indirect_dma semaphore(%run_scoped3A : memref<!tpu.dma_semaphore, #tpu.memory_space<semaphore_mem>>) src(%arg11 : memref<128x128xf32, #tpu.memory_space<vmem>>) dst(%dma_wait3A_164 : memref<10240x128xf32, #tpu.memory_space<vmem_shared>>)
          tpu.yield
        }) : () -> ()
        %add3A_113 = arith.constant 2 : i32
        %add3A_114 = arith.addi %add3A_97, %add3A_113 : i32
        %add3A_115 = arith.constant 0 : i32
        %add3A_116 = arith.addi %add3A_114, %add3A_115 : i32
        %mul3A_117 = arith.constant 128 : i32
        %mul3A_118 = arith.muli %add3A_116, %mul3A_117 : i32
        %dma_start3A_119 = tpu.memref_slice %arg3[%mul3A_118] : memref<327680xi32, #tpu.memory_space<hbm>> -> memref<128xi32, #tpu.memory_space<hbm>>
        %dma_start3A_120 = tpu.memref_slice %arg3[%mul3A_118] : memref<327680xi32, #tpu.memory_space<hbm>> -> memref<128xi32, #tpu.memory_space<hbm>>
        tpu.enqueue_dma source(%dma_start3A_120 : memref<128xi32, #tpu.memory_space<hbm>>) target(%arg9 : memref<128xi32, #tpu.memory_space<vmem>>) target_semaphore(%arg19 : memref<!tpu.dma_semaphore, #tpu.memory_space<semaphore_mem>>)
        %dma_wait3A_121 = arith.constant 0 : i32
        %dma_wait3A_122 = tpu.memref_slice %arg2[%dma_wait3A_121] : memref<327680xi32, #tpu.memory_space<hbm>> -> memref<128xi32, #tpu.memory_space<hbm>>
        %dma_wait3A_123 = arith.constant 0 : i32
        %dma_wait3A_124 = tpu.memref_slice %arg2[%dma_wait3A_123] : memref<327680xi32, #tpu.memory_space<hbm>> -> memref<128xi32, #tpu.memory_space<hbm>>
        tpu.wait_dma2 semaphore(%arg17 : memref<!tpu.dma_semaphore, #tpu.memory_space<semaphore_mem>>) src(%dma_wait3A_124 : memref<128xi32, #tpu.memory_space<hbm>>) dst(%arg7 : memref<128xi32, #tpu.memory_space<vmem>>)
        %dma_start3A_125 = arith.constant 0 : i32
        %dma_start3A_126 = arith.constant 0 : i32
        %dma_start3A_127 = tpu.memref_slice %arg5[%dma_start3A_125, %dma_start3A_126] : memref<10240x128xf32, #tpu.memory_space<hbm>> -> memref<10240x128xf32, #tpu.memory_space<hbm>>
        tpu.enqueue_indirect_dma source(%dma_start3A_127 : memref<10240x128xf32, #tpu.memory_space<hbm>>) target(%arg11 : memref<128x128xf32, #tpu.memory_space<vmem>>) offsets(%arg7 : memref<128xi32, #tpu.memory_space<vmem>>) semaphore(%arg15 : memref<!tpu.dma_semaphore, #tpu.memory_space<semaphore_mem>>)
        %dma_wait3A_128 = arith.constant 0 : i32
        %dma_wait3A_129 = arith.constant 0 : i32
        %dma_wait3A_130 = tpu.memref_slice %arg5[%dma_wait3A_128, %dma_wait3A_129] : memref<10240x128xf32, #tpu.memory_space<hbm>> -> memref<10240x128xf32, #tpu.memory_space<hbm>>
        tpu.wait_indirect_dma semaphore(%arg16 : memref<!tpu.dma_semaphore, #tpu.memory_space<semaphore_mem>>) src(%dma_wait3A_130 : memref<10240x128xf32, #tpu.memory_space<hbm>>) dst(%arg12 : memref<128x128xf32, #tpu.memory_space<vmem>>)
        %add3A_131 = arith.constant 2 : i32
        %add3A_132 = arith.addi %add3A_97, %add3A_131 : i32
        %add3A_133 = arith.constant 1 : i32
        %add3A_134 = arith.addi %add3A_132, %add3A_133 : i32
        %mul3A_135 = arith.constant 128 : i32
        %mul3A_136 = arith.muli %add3A_134, %mul3A_135 : i32
        %dma_start3A_137 = tpu.memref_slice %arg2[%mul3A_136] : memref<327680xi32, #tpu.memory_space<hbm>> -> memref<128xi32, #tpu.memory_space<hbm>>
        %dma_start3A_138 = tpu.memref_slice %arg2[%mul3A_136] : memref<327680xi32, #tpu.memory_space<hbm>> -> memref<128xi32, #tpu.memory_space<hbm>>
        tpu.enqueue_dma source(%dma_start3A_138 : memref<128xi32, #tpu.memory_space<hbm>>) target(%arg8 : memref<128xi32, #tpu.memory_space<vmem>>) target_semaphore(%arg18 : memref<!tpu.dma_semaphore, #tpu.memory_space<semaphore_mem>>)
        %dma_wait3A_139 = arith.constant 0 : i32
        %dma_wait3A_140 = tpu.memref_slice %arg3[%dma_wait3A_139] : memref<327680xi32, #tpu.memory_space<hbm>> -> memref<128xi32, #tpu.memory_space<hbm>>
        %dma_wait3A_141 = arith.constant 0 : i32
        %dma_wait3A_142 = tpu.memref_slice %arg3[%dma_wait3A_141] : memref<327680xi32, #tpu.memory_space<hbm>> -> memref<128xi32, #tpu.memory_space<hbm>>
        tpu.wait_dma2 semaphore(%arg20 : memref<!tpu.dma_semaphore, #tpu.memory_space<semaphore_mem>>) src(%dma_wait3A_142 : memref<128xi32, #tpu.memory_space<hbm>>) dst(%arg10 : memref<128xi32, #tpu.memory_space<vmem>>)
        "tpu.region"() ({
          %run_scoped3A = tpu.sem_alloc : memref<!tpu.dma_semaphore, #tpu.memory_space<semaphore_mem>>
          %dma_start3A_159 = arith.constant 0 : i32
          %dma_start3A_160 = arith.constant 0 : i32
          %dma_start3A_161 = tpu.memref_slice %arg21[%dma_start3A_159, %dma_start3A_160] : memref<10240x128xf32, #tpu.memory_space<vmem_shared>> -> memref<10240x128xf32, #tpu.memory_space<vmem_shared>>
          tpu.enqueue_indirect_dma source(%arg12 : memref<128x128xf32, #tpu.memory_space<vmem>>) target(%dma_start3A_161 : memref<10240x128xf32, #tpu.memory_space<vmem_shared>>) offsets(%arg10 : memref<128xi32, #tpu.memory_space<vmem>>) semaphore(%run_scoped3A : memref<!tpu.dma_semaphore, #tpu.memory_space<semaphore_mem>>) {add = true}
          %dma_wait3A_162 = arith.constant 0 : i32
          %dma_wait3A_163 = arith.constant 0 : i32
          %dma_wait3A_164 = tpu.memref_slice %arg21[%dma_wait3A_162, %dma_wait3A_163] : memref<10240x128xf32, #tpu.memory_space<vmem_shared>> -> memref<10240x128xf32, #tpu.memory_space<vmem_shared>>
          tpu.wait_indirect_dma semaphore(%run_scoped3A : memref<!tpu.dma_semaphore, #tpu.memory_space<semaphore_mem>>) src(%arg12 : memref<128x128xf32, #tpu.memory_space<vmem>>) dst(%dma_wait3A_164 : memref<10240x128xf32, #tpu.memory_space<vmem_shared>>)
          tpu.yield
        }) : () -> ()
        %add3A_143 = arith.constant 2 : i32
        %add3A_144 = arith.addi %add3A_97, %add3A_143 : i32
        %add3A_145 = arith.constant 1 : i32
        %add3A_146 = arith.addi %add3A_144, %add3A_145 : i32
        %mul3A_147 = arith.constant 128 : i32
        %mul3A_148 = arith.muli %add3A_146, %mul3A_147 : i32
        %dma_start3A_149 = tpu.memref_slice %arg3[%mul3A_148] : memref<327680xi32, #tpu.memory_space<hbm>> -> memref<128xi32, #tpu.memory_space<hbm>>
        %dma_start3A_150 = tpu.memref_slice %arg3[%mul3A_148] : memref<327680xi32, #tpu.memory_space<hbm>> -> memref<128xi32, #tpu.memory_space<hbm>>
        tpu.enqueue_dma source(%dma_start3A_150 : memref<128xi32, #tpu.memory_space<hbm>>) target(%arg10 : memref<128xi32, #tpu.memory_space<vmem>>) target_semaphore(%arg20 : memref<!tpu.dma_semaphore, #tpu.memory_space<semaphore_mem>>)
        %dma_wait3A_151 = arith.constant 0 : i32
        %dma_wait3A_152 = tpu.memref_slice %arg2[%dma_wait3A_151] : memref<327680xi32, #tpu.memory_space<hbm>> -> memref<128xi32, #tpu.memory_space<hbm>>
        %dma_wait3A_153 = arith.constant 0 : i32
        %dma_wait3A_154 = tpu.memref_slice %arg2[%dma_wait3A_153] : memref<327680xi32, #tpu.memory_space<hbm>> -> memref<128xi32, #tpu.memory_space<hbm>>
        tpu.wait_dma2 semaphore(%arg18 : memref<!tpu.dma_semaphore, #tpu.memory_space<semaphore_mem>>) src(%dma_wait3A_154 : memref<128xi32, #tpu.memory_space<hbm>>) dst(%arg8 : memref<128xi32, #tpu.memory_space<vmem>>)
        %dma_start3A_155 = arith.constant 0 : i32
        %dma_start3A_156 = arith.constant 0 : i32
        %dma_start3A_157 = tpu.memref_slice %arg5[%dma_start3A_155, %dma_start3A_156] : memref<10240x128xf32, #tpu.memory_space<hbm>> -> memref<10240x128xf32, #tpu.memory_space<hbm>>
        tpu.enqueue_indirect_dma source(%dma_start3A_157 : memref<10240x128xf32, #tpu.memory_space<hbm>>) target(%arg12 : memref<128x128xf32, #tpu.memory_space<vmem>>) offsets(%arg8 : memref<128xi32, #tpu.memory_space<vmem>>) semaphore(%arg16 : memref<!tpu.dma_semaphore, #tpu.memory_space<semaphore_mem>>)
        %scan3A_158 = arith.constant 0 : i32
        scf.yield %scan3A_158 : i32
      }
      %scan3A_78 = arith.constant 59 : i32
      %dma_wait3A_79 = arith.constant 0 : i32
      %dma_wait3A_80 = arith.constant 0 : i32
      %dma_wait3A_81 = tpu.memref_slice %arg5[%dma_wait3A_79, %dma_wait3A_80] : memref<10240x128xf32, #tpu.memory_space<hbm>> -> memref<10240x128xf32, #tpu.memory_space<hbm>>
      tpu.wait_indirect_dma semaphore(%arg15 : memref<!tpu.dma_semaphore, #tpu.memory_space<semaphore_mem>>) src(%dma_wait3A_81 : memref<10240x128xf32, #tpu.memory_space<hbm>>) dst(%arg11 : memref<128x128xf32, #tpu.memory_space<vmem>>)
      %dma_wait3A_82 = arith.constant 0 : i32
      %dma_wait3A_83 = tpu.memref_slice %arg3[%dma_wait3A_82] : memref<327680xi32, #tpu.memory_space<hbm>> -> memref<128xi32, #tpu.memory_space<hbm>>
      %dma_wait3A_84 = arith.constant 0 : i32
      %dma_wait3A_85 = tpu.memref_slice %arg3[%dma_wait3A_84] : memref<327680xi32, #tpu.memory_space<hbm>> -> memref<128xi32, #tpu.memory_space<hbm>>
      tpu.wait_dma2 semaphore(%arg19 : memref<!tpu.dma_semaphore, #tpu.memory_space<semaphore_mem>>) src(%dma_wait3A_85 : memref<128xi32, #tpu.memory_space<hbm>>) dst(%arg9 : memref<128xi32, #tpu.memory_space<vmem>>)
      "tpu.region"() ({
        %run_scoped3A = tpu.sem_alloc : memref<!tpu.dma_semaphore, #tpu.memory_space<semaphore_mem>>
        %dma_start3A_93 = arith.constant 0 : i32
        %dma_start3A_94 = arith.constant 0 : i32
        %dma_start3A_95 = tpu.memref_slice %arg21[%dma_start3A_93, %dma_start3A_94] : memref<10240x128xf32, #tpu.memory_space<vmem_shared>> -> memref<10240x128xf32, #tpu.memory_space<vmem_shared>>
        tpu.enqueue_indirect_dma source(%arg11 : memref<128x128xf32, #tpu.memory_space<vmem>>) target(%dma_start3A_95 : memref<10240x128xf32, #tpu.memory_space<vmem_shared>>) offsets(%arg9 : memref<128xi32, #tpu.memory_space<vmem>>) semaphore(%run_scoped3A : memref<!tpu.dma_semaphore, #tpu.memory_space<semaphore_mem>>) {add = true}
        %dma_wait3A_96 = arith.constant 0 : i32
        %dma_wait3A_97 = arith.constant 0 : i32
        %dma_wait3A_98 = tpu.memref_slice %arg21[%dma_wait3A_96, %dma_wait3A_97] : memref<10240x128xf32, #tpu.memory_space<vmem_shared>> -> memref<10240x128xf32, #tpu.memory_space<vmem_shared>>
        tpu.wait_indirect_dma semaphore(%run_scoped3A : memref<!tpu.dma_semaphore, #tpu.memory_space<semaphore_mem>>) src(%arg11 : memref<128x128xf32, #tpu.memory_space<vmem>>) dst(%dma_wait3A_98 : memref<10240x128xf32, #tpu.memory_space<vmem_shared>>)
        tpu.yield
      }) : () -> ()
      %dma_wait3A_86 = arith.constant 0 : i32
      %dma_wait3A_87 = arith.constant 0 : i32
      %dma_wait3A_88 = tpu.memref_slice %arg5[%dma_wait3A_86, %dma_wait3A_87] : memref<10240x128xf32, #tpu.memory_space<hbm>> -> memref<10240x128xf32, #tpu.memory_space<hbm>>
      tpu.wait_indirect_dma semaphore(%arg16 : memref<!tpu.dma_semaphore, #tpu.memory_space<semaphore_mem>>) src(%dma_wait3A_88 : memref<10240x128xf32, #tpu.memory_space<hbm>>) dst(%arg12 : memref<128x128xf32, #tpu.memory_space<vmem>>)
      %dma_wait3A_89 = arith.constant 0 : i32
      %dma_wait3A_90 = tpu.memref_slice %arg3[%dma_wait3A_89] : memref<327680xi32, #tpu.memory_space<hbm>> -> memref<128xi32, #tpu.memory_space<hbm>>
      %dma_wait3A_91 = arith.constant 0 : i32
      %dma_wait3A_92 = tpu.memref_slice %arg3[%dma_wait3A_91] : memref<327680xi32, #tpu.memory_space<hbm>> -> memref<128xi32, #tpu.memory_space<hbm>>
      tpu.wait_dma2 semaphore(%arg20 : memref<!tpu.dma_semaphore, #tpu.memory_space<semaphore_mem>>) src(%dma_wait3A_92 : memref<128xi32, #tpu.memory_space<hbm>>) dst(%arg10 : memref<128xi32, #tpu.memory_space<vmem>>)
      "tpu.region"() ({
        %run_scoped3A = tpu.sem_alloc : memref<!tpu.dma_semaphore, #tpu.memory_space<semaphore_mem>>
        %dma_start3A_93 = arith.constant 0 : i32
        %dma_start3A_94 = arith.constant 0 : i32
        %dma_start3A_95 = tpu.memref_slice %arg21[%dma_start3A_93, %dma_start3A_94] : memref<10240x128xf32, #tpu.memory_space<vmem_shared>> -> memref<10240x128xf32, #tpu.memory_space<vmem_shared>>
        tpu.enqueue_indirect_dma source(%arg12 : memref<128x128xf32, #tpu.memory_space<vmem>>) target(%dma_start3A_95 : memref<10240x128xf32, #tpu.memory_space<vmem_shared>>) offsets(%arg10 : memref<128xi32, #tpu.memory_space<vmem>>) semaphore(%run_scoped3A : memref<!tpu.dma_semaphore, #tpu.memory_space<semaphore_mem>>) {add = true}
        %dma_wait3A_96 = arith.constant 0 : i32
        %dma_wait3A_97 = arith.constant 0 : i32
        %dma_wait3A_98 = tpu.memref_slice %arg21[%dma_wait3A_96, %dma_wait3A_97] : memref<10240x128xf32, #tpu.memory_space<vmem_shared>> -> memref<10240x128xf32, #tpu.memory_space<vmem_shared>>
        tpu.wait_indirect_dma semaphore(%run_scoped3A : memref<!tpu.dma_semaphore, #tpu.memory_space<semaphore_mem>>) src(%arg12 : memref<128x128xf32, #tpu.memory_space<vmem>>) dst(%dma_wait3A_98 : memref<10240x128xf32, #tpu.memory_space<vmem_shared>>)
        tpu.yield
      }) : () -> ()
    } else {
    }
    %eq3A_26 = arith.constant 1 : i32
    %eq3A_27 = arith.cmpi eq, %arg0, %eq3A_26 : i32
    %convert_element_type3A_28 = arith.extui %eq3A_27 : i1 to i32
    %cond3A_29 = arith.constant 0 : i32
    %cond3A_30 = arith.cmpi ne, %convert_element_type3A_28, %cond3A_29 : i32
    scf.if %cond3A_30 {
      %mul3A_34 = arith.constant 40 : i32
      %mul3A_35 = arith.muli %arg1, %mul3A_34 : i32
      %add3A_36 = arith.constant 1920 : i32
      %add3A_37 = arith.addi %add3A_36, %mul3A_35 : i32
      %mul3A_38 = arith.constant 128 : i32
      %mul3A_39 = arith.muli %add3A_37, %mul3A_38 : i32
      "tpu.region"() ({
        %run_scoped3A_66 = tpu.sem_alloc : memref<!tpu.dma_semaphore, #tpu.memory_space<semaphore_mem>>
        %dma_start3A_67 = tpu.memref_slice %arg2[%mul3A_39] : memref<327680xi32, #tpu.memory_space<hbm>> -> memref<5120xi32, #tpu.memory_space<hbm>>
        %dma_start3A_68 = tpu.memref_slice %arg2[%mul3A_39] : memref<327680xi32, #tpu.memory_space<hbm>> -> memref<5120xi32, #tpu.memory_space<hbm>>
        tpu.enqueue_dma source(%dma_start3A_68 : memref<5120xi32, #tpu.memory_space<hbm>>) target(%arg13 : memref<5120xi32, #tpu.memory_space<vmem>>) target_semaphore(%run_scoped3A_66 : memref<!tpu.dma_semaphore, #tpu.memory_space<semaphore_mem>>)
        %dma_wait3A_69 = tpu.memref_slice %arg2[%mul3A_39] : memref<327680xi32, #tpu.memory_space<hbm>> -> memref<5120xi32, #tpu.memory_space<hbm>>
        %dma_wait3A_70 = tpu.memref_slice %arg2[%mul3A_39] : memref<327680xi32, #tpu.memory_space<hbm>> -> memref<5120xi32, #tpu.memory_space<hbm>>
        tpu.wait_dma2 semaphore(%run_scoped3A_66 : memref<!tpu.dma_semaphore, #tpu.memory_space<semaphore_mem>>) src(%dma_wait3A_70 : memref<5120xi32, #tpu.memory_space<hbm>>) dst(%arg13 : memref<5120xi32, #tpu.memory_space<vmem>>)
        tpu.yield
      }) : () -> ()
      "tpu.region"() ({
        %run_scoped3A_66 = tpu.sem_alloc : memref<!tpu.dma_semaphore, #tpu.memory_space<semaphore_mem>>
        %dma_start3A_67 = arith.constant 0 : i32
        %dma_start3A_68 = tpu.memref_slice %arg4[%add3A_37, %dma_start3A_67] : memref<2560x128xi32, #tpu.memory_space<hbm>> -> memref<40x128xi32, #tpu.memory_space<hbm>>
        %dma_start3A_69 = arith.constant 0 : i32
        %dma_start3A_70 = tpu.memref_slice %arg4[%add3A_37, %dma_start3A_69] : memref<2560x128xi32, #tpu.memory_space<hbm>> -> memref<40x128xi32, #tpu.memory_space<hbm>>
        tpu.enqueue_dma source(%dma_start3A_70 : memref<40x128xi32, #tpu.memory_space<hbm>>) target(%arg14 : memref<40x128xi32, #tpu.memory_space<vmem>>) target_semaphore(%run_scoped3A_66 : memref<!tpu.dma_semaphore, #tpu.memory_space<semaphore_mem>>)
        %dma_wait3A_71 = arith.constant 0 : i32
        %dma_wait3A_72 = tpu.memref_slice %arg4[%add3A_37, %dma_wait3A_71] : memref<2560x128xi32, #tpu.memory_space<hbm>> -> memref<40x128xi32, #tpu.memory_space<hbm>>
        %dma_wait3A_73 = arith.constant 0 : i32
        %dma_wait3A_74 = tpu.memref_slice %arg4[%add3A_37, %dma_wait3A_73] : memref<2560x128xi32, #tpu.memory_space<hbm>> -> memref<40x128xi32, #tpu.memory_space<hbm>>
        tpu.wait_dma2 semaphore(%run_scoped3A_66 : memref<!tpu.dma_semaphore, #tpu.memory_space<semaphore_mem>>) src(%dma_wait3A_74 : memref<40x128xi32, #tpu.memory_space<hbm>>) dst(%arg14 : memref<40x128xi32, #tpu.memory_space<vmem>>)
        tpu.yield
      }) : () -> ()
      %dma_start3A = arith.constant 0 : i32
      %dma_start3A_40 = tpu.memref_slice %arg13[%dma_start3A] : memref<5120xi32, #tpu.memory_space<vmem>> -> memref<128xi32, #tpu.memory_space<vmem>>
      %dma_start3A_41 = arith.constant 0 : i32
      %dma_start3A_42 = arith.constant 0 : i32
      %dma_start3A_43 = tpu.memref_slice %arg5[%dma_start3A_41, %dma_start3A_42] : memref<10240x128xf32, #tpu.memory_space<hbm>> -> memref<10240x128xf32, #tpu.memory_space<hbm>>
      tpu.enqueue_indirect_dma source(%dma_start3A_43 : memref<10240x128xf32, #tpu.memory_space<hbm>>) target(%arg11 : memref<128x128xf32, #tpu.memory_space<vmem>>) offsets(%dma_start3A_40 : memref<128xi32, #tpu.memory_space<vmem>>) semaphore(%arg15 : memref<!tpu.dma_semaphore, #tpu.memory_space<semaphore_mem>>)
      %dma_start3A_44 = arith.constant 128 : i32
      %dma_start3A_45 = tpu.memref_slice %arg13[%dma_start3A_44] : memref<5120xi32, #tpu.memory_space<vmem>> -> memref<128xi32, #tpu.memory_space<vmem>>
      %dma_start3A_46 = arith.constant 0 : i32
      %dma_start3A_47 = arith.constant 0 : i32
      %dma_start3A_48 = tpu.memref_slice %arg5[%dma_start3A_46, %dma_start3A_47] : memref<10240x128xf32, #tpu.memory_space<hbm>> -> memref<10240x128xf32, #tpu.memory_space<hbm>>
      tpu.enqueue_indirect_dma source(%dma_start3A_48 : memref<10240x128xf32, #tpu.memory_space<hbm>>) target(%arg12 : memref<128x128xf32, #tpu.memory_space<vmem>>) offsets(%dma_start3A_45 : memref<128xi32, #tpu.memory_space<vmem>>) semaphore(%arg16 : memref<!tpu.dma_semaphore, #tpu.memory_space<semaphore_mem>>)
      %scan3A_49 = arith.constant 0 : i32
      %scan3A_50 = arith.constant 0 : i32
      %scan3A_51 = arith.constant 19 : i32
      %scan3A_52 = arith.addi %scan3A_50, %scan3A_51 : i32
      %scan3A_53 = arith.constant 1 : i32
      %scan3A_54 = scf.for %scan3A_66 = %scan3A_50 to %scan3A_52 step %scan3A_53 iter_args(%scan3A_67 = %scan3A_49) -> (i32)  : i32 {
        %dma_wait3A_68 = arith.constant 0 : i32
        %dma_wait3A_69 = tpu.memref_slice %arg13[%dma_wait3A_68] : memref<5120xi32, #tpu.memory_space<vmem>> -> memref<128xi32, #tpu.memory_space<vmem>>
        %dma_wait3A_70 = arith.constant 0 : i32
        %dma_wait3A_71 = arith.constant 0 : i32
        %dma_wait3A_72 = tpu.memref_slice %arg5[%dma_wait3A_70, %dma_wait3A_71] : memref<10240x128xf32, #tpu.memory_space<hbm>> -> memref<10240x128xf32, #tpu.memory_space<hbm>>
        tpu.wait_indirect_dma semaphore(%arg15 : memref<!tpu.dma_semaphore, #tpu.memory_space<semaphore_mem>>) src(%dma_wait3A_72 : memref<10240x128xf32, #tpu.memory_space<hbm>>) dst(%arg11 : memref<128x128xf32, #tpu.memory_space<vmem>>)
        %mul3A_73 = arith.constant 2 : i32
        %mul3A_74 = arith.muli %mul3A_73, %scan3A_66 : i32
        %add3A_75 = arith.constant 0 : i32
        %add3A_76 = arith.addi %mul3A_74, %add3A_75 : i32
        "tpu.region"() ({
          %run_scoped3A_111 = tpu.sem_alloc : memref<!tpu.dma_semaphore, #tpu.memory_space<semaphore_mem>>
          %dma_start3A_112 = arith.constant 0 : i32
          %dma_start3A_113 = tpu.memref_slice %arg14[%add3A_76, %dma_start3A_112] : memref<40x128xi32, #tpu.memory_space<vmem>> -> memref<1x128xi32, #tpu.memory_space<vmem>>
          %dma_start3A_114 = tpu.memref_squeeze %dma_start3A_113 : memref<1x128xi32, #tpu.memory_space<vmem>> -> memref<128xi32, #tpu.memory_space<vmem>>
          %dma_start3A_115 = arith.constant 0 : i32
          %dma_start3A_116 = arith.constant 0 : i32
          %dma_start3A_117 = tpu.memref_slice %arg21[%dma_start3A_115, %dma_start3A_116] : memref<10240x128xf32, #tpu.memory_space<vmem_shared>> -> memref<10240x128xf32, #tpu.memory_space<vmem_shared>>
          tpu.enqueue_indirect_dma source(%arg11 : memref<128x128xf32, #tpu.memory_space<vmem>>) target(%dma_start3A_117 : memref<10240x128xf32, #tpu.memory_space<vmem_shared>>) offsets(%dma_start3A_114 : memref<128xi32, #tpu.memory_space<vmem>>) semaphore(%run_scoped3A_111 : memref<!tpu.dma_semaphore, #tpu.memory_space<semaphore_mem>>) {add = true}
          %dma_wait3A_118 = arith.constant 0 : i32
          %dma_wait3A_119 = tpu.memref_slice %arg14[%add3A_76, %dma_wait3A_118] : memref<40x128xi32, #tpu.memory_space<vmem>> -> memref<1x128xi32, #tpu.memory_space<vmem>>
          %dma_wait3A_120 = tpu.memref_squeeze %dma_wait3A_119 : memref<1x128xi32, #tpu.memory_space<vmem>> -> memref<128xi32, #tpu.memory_space<vmem>>
          %dma_wait3A_121 = arith.constant 0 : i32
          %dma_wait3A_122 = arith.constant 0 : i32
          %dma_wait3A_123 = tpu.memref_slice %arg21[%dma_wait3A_121, %dma_wait3A_122] : memref<10240x128xf32, #tpu.memory_space<vmem_shared>> -> memref<10240x128xf32, #tpu.memory_space<vmem_shared>>
          tpu.wait_indirect_dma semaphore(%run_scoped3A_111 : memref<!tpu.dma_semaphore, #tpu.memory_space<semaphore_mem>>) src(%arg11 : memref<128x128xf32, #tpu.memory_space<vmem>>) dst(%dma_wait3A_123 : memref<10240x128xf32, #tpu.memory_space<vmem_shared>>)
          tpu.yield
        }) : () -> ()
        %mul3A_77 = arith.constant 2 : i32
        %mul3A_78 = arith.muli %mul3A_77, %scan3A_66 : i32
        %add3A_79 = arith.constant 2 : i32
        %add3A_80 = arith.addi %mul3A_78, %add3A_79 : i32
        %add3A_81 = arith.constant 0 : i32
        %add3A_82 = arith.addi %add3A_80, %add3A_81 : i32
        %mul3A_83 = arith.constant 128 : i32
        %mul3A_84 = arith.muli %add3A_82, %mul3A_83 : i32
        %dma_start3A_85 = tpu.memref_slice %arg13[%mul3A_84] : memref<5120xi32, #tpu.memory_space<vmem>> -> memref<128xi32, #tpu.memory_space<vmem>>
        %dma_start3A_86 = arith.constant 0 : i32
        %dma_start3A_87 = arith.constant 0 : i32
        %dma_start3A_88 = tpu.memref_slice %arg5[%dma_start3A_86, %dma_start3A_87] : memref<10240x128xf32, #tpu.memory_space<hbm>> -> memref<10240x128xf32, #tpu.memory_space<hbm>>
        tpu.enqueue_indirect_dma source(%dma_start3A_88 : memref<10240x128xf32, #tpu.memory_space<hbm>>) target(%arg11 : memref<128x128xf32, #tpu.memory_space<vmem>>) offsets(%dma_start3A_85 : memref<128xi32, #tpu.memory_space<vmem>>) semaphore(%arg15 : memref<!tpu.dma_semaphore, #tpu.memory_space<semaphore_mem>>)
        %dma_wait3A_89 = arith.constant 0 : i32
        %dma_wait3A_90 = tpu.memref_slice %arg13[%dma_wait3A_89] : memref<5120xi32, #tpu.memory_space<vmem>> -> memref<128xi32, #tpu.memory_space<vmem>>
        %dma_wait3A_91 = arith.constant 0 : i32
        %dma_wait3A_92 = arith.constant 0 : i32
        %dma_wait3A_93 = tpu.memref_slice %arg5[%dma_wait3A_91, %dma_wait3A_92] : memref<10240x128xf32, #tpu.memory_space<hbm>> -> memref<10240x128xf32, #tpu.memory_space<hbm>>
        tpu.wait_indirect_dma semaphore(%arg16 : memref<!tpu.dma_semaphore, #tpu.memory_space<semaphore_mem>>) src(%dma_wait3A_93 : memref<10240x128xf32, #tpu.memory_space<hbm>>) dst(%arg12 : memref<128x128xf32, #tpu.memory_space<vmem>>)
        %mul3A_94 = arith.constant 2 : i32
        %mul3A_95 = arith.muli %mul3A_94, %scan3A_66 : i32
        %add3A_96 = arith.constant 1 : i32
        %add3A_97 = arith.addi %mul3A_95, %add3A_96 : i32
        "tpu.region"() ({
          %run_scoped3A_111 = tpu.sem_alloc : memref<!tpu.dma_semaphore, #tpu.memory_space<semaphore_mem>>
          %dma_start3A_112 = arith.constant 0 : i32
          %dma_start3A_113 = tpu.memref_slice %arg14[%add3A_97, %dma_start3A_112] : memref<40x128xi32, #tpu.memory_space<vmem>> -> memref<1x128xi32, #tpu.memory_space<vmem>>
          %dma_start3A_114 = tpu.memref_squeeze %dma_start3A_113 : memref<1x128xi32, #tpu.memory_space<vmem>> -> memref<128xi32, #tpu.memory_space<vmem>>
          %dma_start3A_115 = arith.constant 0 : i32
          %dma_start3A_116 = arith.constant 0 : i32
          %dma_start3A_117 = tpu.memref_slice %arg21[%dma_start3A_115, %dma_start3A_116] : memref<10240x128xf32, #tpu.memory_space<vmem_shared>> -> memref<10240x128xf32, #tpu.memory_space<vmem_shared>>
          tpu.enqueue_indirect_dma source(%arg12 : memref<128x128xf32, #tpu.memory_space<vmem>>) target(%dma_start3A_117 : memref<10240x128xf32, #tpu.memory_space<vmem_shared>>) offsets(%dma_start3A_114 : memref<128xi32, #tpu.memory_space<vmem>>) semaphore(%run_scoped3A_111 : memref<!tpu.dma_semaphore, #tpu.memory_space<semaphore_mem>>) {add = true}
          %dma_wait3A_118 = arith.constant 0 : i32
          %dma_wait3A_119 = tpu.memref_slice %arg14[%add3A_97, %dma_wait3A_118] : memref<40x128xi32, #tpu.memory_space<vmem>> -> memref<1x128xi32, #tpu.memory_space<vmem>>
          %dma_wait3A_120 = tpu.memref_squeeze %dma_wait3A_119 : memref<1x128xi32, #tpu.memory_space<vmem>> -> memref<128xi32, #tpu.memory_space<vmem>>
          %dma_wait3A_121 = arith.constant 0 : i32
          %dma_wait3A_122 = arith.constant 0 : i32
          %dma_wait3A_123 = tpu.memref_slice %arg21[%dma_wait3A_121, %dma_wait3A_122] : memref<10240x128xf32, #tpu.memory_space<vmem_shared>> -> memref<10240x128xf32, #tpu.memory_space<vmem_shared>>
          tpu.wait_indirect_dma semaphore(%run_scoped3A_111 : memref<!tpu.dma_semaphore, #tpu.memory_space<semaphore_mem>>) src(%arg12 : memref<128x128xf32, #tpu.memory_space<vmem>>) dst(%dma_wait3A_123 : memref<10240x128xf32, #tpu.memory_space<vmem_shared>>)
          tpu.yield
        }) : () -> ()
        %mul3A_98 = arith.constant 2 : i32
        %mul3A_99 = arith.muli %mul3A_98, %scan3A_66 : i32
        %add3A_100 = arith.constant 2 : i32
        %add3A_101 = arith.addi %mul3A_99, %add3A_100 : i32
        %add3A_102 = arith.constant 1 : i32
        %add3A_103 = arith.addi %add3A_101, %add3A_102 : i32
        %mul3A_104 = arith.constant 128 : i32
        %mul3A_105 = arith.muli %add3A_103, %mul3A_104 : i32
        %dma_start3A_106 = tpu.memref_slice %arg13[%mul3A_105] : memref<5120xi32, #tpu.memory_space<vmem>> -> memref<128xi32, #tpu.memory_space<vmem>>
        %dma_start3A_107 = arith.constant 0 : i32
        %dma_start3A_108 = arith.constant 0 : i32
        %dma_start3A_109 = tpu.memref_slice %arg5[%dma_start3A_107, %dma_start3A_108] : memref<10240x128xf32, #tpu.memory_space<hbm>> -> memref<10240x128xf32, #tpu.memory_space<hbm>>
        tpu.enqueue_indirect_dma source(%dma_start3A_109 : memref<10240x128xf32, #tpu.memory_space<hbm>>) target(%arg12 : memref<128x128xf32, #tpu.memory_space<vmem>>) offsets(%dma_start3A_106 : memref<128xi32, #tpu.memory_space<vmem>>) semaphore(%arg16 : memref<!tpu.dma_semaphore, #tpu.memory_space<semaphore_mem>>)
        %scan3A_110 = arith.constant 0 : i32
        scf.yield %scan3A_110 : i32
      }
      %scan3A_55 = arith.constant 19 : i32
      %dma_wait3A = arith.constant 0 : i32
      %dma_wait3A_56 = tpu.memref_slice %arg13[%dma_wait3A] : memref<5120xi32, #tpu.memory_space<vmem>> -> memref<128xi32, #tpu.memory_space<vmem>>
      %dma_wait3A_57 = arith.constant 0 : i32
      %dma_wait3A_58 = arith.constant 0 : i32
      %dma_wait3A_59 = tpu.memref_slice %arg5[%dma_wait3A_57, %dma_wait3A_58] : memref<10240x128xf32, #tpu.memory_space<hbm>> -> memref<10240x128xf32, #tpu.memory_space<hbm>>
      tpu.wait_indirect_dma semaphore(%arg15 : memref<!tpu.dma_semaphore, #tpu.memory_space<semaphore_mem>>) src(%dma_wait3A_59 : memref<10240x128xf32, #tpu.memory_space<hbm>>) dst(%arg11 : memref<128x128xf32, #tpu.memory_space<vmem>>)
      %run_scoped3A = arith.constant 38 : i32
      "tpu.region"() ({
        %run_scoped3A_66 = tpu.sem_alloc : memref<!tpu.dma_semaphore, #tpu.memory_space<semaphore_mem>>
        %dma_start3A_67 = arith.constant 0 : i32
        %dma_start3A_68 = tpu.memref_slice %arg14[%run_scoped3A, %dma_start3A_67] : memref<40x128xi32, #tpu.memory_space<vmem>> -> memref<1x128xi32, #tpu.memory_space<vmem>>
        %dma_start3A_69 = tpu.memref_squeeze %dma_start3A_68 : memref<1x128xi32, #tpu.memory_space<vmem>> -> memref<128xi32, #tpu.memory_space<vmem>>
        %dma_start3A_70 = arith.constant 0 : i32
        %dma_start3A_71 = arith.constant 0 : i32
        %dma_start3A_72 = tpu.memref_slice %arg21[%dma_start3A_70, %dma_start3A_71] : memref<10240x128xf32, #tpu.memory_space<vmem_shared>> -> memref<10240x128xf32, #tpu.memory_space<vmem_shared>>
        tpu.enqueue_indirect_dma source(%arg11 : memref<128x128xf32, #tpu.memory_space<vmem>>) target(%dma_start3A_72 : memref<10240x128xf32, #tpu.memory_space<vmem_shared>>) offsets(%dma_start3A_69 : memref<128xi32, #tpu.memory_space<vmem>>) semaphore(%run_scoped3A_66 : memref<!tpu.dma_semaphore, #tpu.memory_space<semaphore_mem>>) {add = true}
        %dma_wait3A_73 = arith.constant 0 : i32
        %dma_wait3A_74 = tpu.memref_slice %arg14[%run_scoped3A, %dma_wait3A_73] : memref<40x128xi32, #tpu.memory_space<vmem>> -> memref<1x128xi32, #tpu.memory_space<vmem>>
        %dma_wait3A_75 = tpu.memref_squeeze %dma_wait3A_74 : memref<1x128xi32, #tpu.memory_space<vmem>> -> memref<128xi32, #tpu.memory_space<vmem>>
        %dma_wait3A_76 = arith.constant 0 : i32
        %dma_wait3A_77 = arith.constant 0 : i32
        %dma_wait3A_78 = tpu.memref_slice %arg21[%dma_wait3A_76, %dma_wait3A_77] : memref<10240x128xf32, #tpu.memory_space<vmem_shared>> -> memref<10240x128xf32, #tpu.memory_space<vmem_shared>>
        tpu.wait_indirect_dma semaphore(%run_scoped3A_66 : memref<!tpu.dma_semaphore, #tpu.memory_space<semaphore_mem>>) src(%arg11 : memref<128x128xf32, #tpu.memory_space<vmem>>) dst(%dma_wait3A_78 : memref<10240x128xf32, #tpu.memory_space<vmem_shared>>)
        tpu.yield
      }) : () -> ()
      %dma_wait3A_60 = arith.constant 0 : i32
      %dma_wait3A_61 = tpu.memref_slice %arg13[%dma_wait3A_60] : memref<5120xi32, #tpu.memory_space<vmem>> -> memref<128xi32, #tpu.memory_space<vmem>>
      %dma_wait3A_62 = arith.constant 0 : i32
      %dma_wait3A_63 = arith.constant 0 : i32
      %dma_wait3A_64 = tpu.memref_slice %arg5[%dma_wait3A_62, %dma_wait3A_63] : memref<10240x128xf32, #tpu.memory_space<hbm>> -> memref<10240x128xf32, #tpu.memory_space<hbm>>
      tpu.wait_indirect_dma semaphore(%arg16 : memref<!tpu.dma_semaphore, #tpu.memory_space<semaphore_mem>>) src(%dma_wait3A_64 : memref<10240x128xf32, #tpu.memory_space<hbm>>) dst(%arg12 : memref<128x128xf32, #tpu.memory_space<vmem>>)
      %run_scoped3A_65 = arith.constant 39 : i32
      "tpu.region"() ({
        %run_scoped3A_66 = tpu.sem_alloc : memref<!tpu.dma_semaphore, #tpu.memory_space<semaphore_mem>>
        %dma_start3A_67 = arith.constant 0 : i32
        %dma_start3A_68 = tpu.memref_slice %arg14[%run_scoped3A_65, %dma_start3A_67] : memref<40x128xi32, #tpu.memory_space<vmem>> -> memref<1x128xi32, #tpu.memory_space<vmem>>
        %dma_start3A_69 = tpu.memref_squeeze %dma_start3A_68 : memref<1x128xi32, #tpu.memory_space<vmem>> -> memref<128xi32, #tpu.memory_space<vmem>>
        %dma_start3A_70 = arith.constant 0 : i32
        %dma_start3A_71 = arith.constant 0 : i32
        %dma_start3A_72 = tpu.memref_slice %arg21[%dma_start3A_70, %dma_start3A_71] : memref<10240x128xf32, #tpu.memory_space<vmem_shared>> -> memref<10240x128xf32, #tpu.memory_space<vmem_shared>>
        tpu.enqueue_indirect_dma source(%arg12 : memref<128x128xf32, #tpu.memory_space<vmem>>) target(%dma_start3A_72 : memref<10240x128xf32, #tpu.memory_space<vmem_shared>>) offsets(%dma_start3A_69 : memref<128xi32, #tpu.memory_space<vmem>>) semaphore(%run_scoped3A_66 : memref<!tpu.dma_semaphore, #tpu.memory_space<semaphore_mem>>) {add = true}
        %dma_wait3A_73 = arith.constant 0 : i32
        %dma_wait3A_74 = tpu.memref_slice %arg14[%run_scoped3A_65, %dma_wait3A_73] : memref<40x128xi32, #tpu.memory_space<vmem>> -> memref<1x128xi32, #tpu.memory_space<vmem>>
        %dma_wait3A_75 = tpu.memref_squeeze %dma_wait3A_74 : memref<1x128xi32, #tpu.memory_space<vmem>> -> memref<128xi32, #tpu.memory_space<vmem>>
        %dma_wait3A_76 = arith.constant 0 : i32
        %dma_wait3A_77 = arith.constant 0 : i32
        %dma_wait3A_78 = tpu.memref_slice %arg21[%dma_wait3A_76, %dma_wait3A_77] : memref<10240x128xf32, #tpu.memory_space<vmem_shared>> -> memref<10240x128xf32, #tpu.memory_space<vmem_shared>>
        tpu.wait_indirect_dma semaphore(%run_scoped3A_66 : memref<!tpu.dma_semaphore, #tpu.memory_space<semaphore_mem>>) src(%arg12 : memref<128x128xf32, #tpu.memory_space<vmem>>) dst(%dma_wait3A_78 : memref<10240x128xf32, #tpu.memory_space<vmem_shared>>)
        tpu.yield
      }) : () -> ()
    } else {
    }
    %barrier3A_31 = arith.constant 0 : index
    tpu.barrier barrier_id(%barrier3A_31)
    %mul3A_32 = arith.constant 640 : i32
    %mul3A_33 = arith.muli %arg1, %mul3A_32 : i32
    "tpu.region"() ({
      %run_scoped3A = tpu.sem_alloc : memref<!tpu.dma_semaphore, #tpu.memory_space<semaphore_mem>>
      %dma_start3A = arith.constant 0 : i32
      %dma_start3A_34 = tpu.memref_slice %arg6[%arg0, %mul3A_33, %dma_start3A] : memref<2x10240x128xf32, #tpu.memory_space<hbm>> -> memref<1x640x128xf32, #tpu.memory_space<hbm>>
      %dma_start3A_35 = tpu.memref_squeeze %dma_start3A_34 : memref<1x640x128xf32, #tpu.memory_space<hbm>> -> memref<640x128xf32, #tpu.memory_space<hbm>>
      %dma_start3A_36 = arith.constant 0 : i32
      %dma_start3A_37 = tpu.memref_slice %arg21[%mul3A_33, %dma_start3A_36] : memref<10240x128xf32, #tpu.memory_space<vmem_shared>> -> memref<640x128xf32, #tpu.memory_space<vmem_shared>>
      tpu.enqueue_dma source(%dma_start3A_37 : memref<640x128xf32, #tpu.memory_space<vmem_shared>>) target(%dma_start3A_35 : memref<640x128xf32, #tpu.memory_space<hbm>>) target_semaphore(%run_scoped3A : memref<!tpu.dma_semaphore, #tpu.memory_space<semaphore_mem>>)
      %dma_wait3A = arith.constant 0 : i32
      %dma_wait3A_38 = tpu.memref_slice %arg6[%arg0, %mul3A_33, %dma_wait3A] : memref<2x10240x128xf32, #tpu.memory_space<hbm>> -> memref<1x640x128xf32, #tpu.memory_space<hbm>>
      %dma_wait3A_39 = tpu.memref_squeeze %dma_wait3A_38 : memref<1x640x128xf32, #tpu.memory_space<hbm>> -> memref<640x128xf32, #tpu.memory_space<hbm>>
      %dma_wait3A_40 = arith.constant 0 : i32
      %dma_wait3A_41 = tpu.memref_slice %arg21[%mul3A_33, %dma_wait3A_40] : memref<10240x128xf32, #tpu.memory_space<vmem_shared>> -> memref<640x128xf32, #tpu.memory_space<vmem_shared>>
      tpu.wait_dma2 semaphore(%run_scoped3A : memref<!tpu.dma_semaphore, #tpu.memory_space<semaphore_mem>>) src(%dma_wait3A_41 : memref<640x128xf32, #tpu.memory_space<vmem_shared>>) dst(%dma_wait3A_39 : memref<640x128xf32, #tpu.memory_space<hbm>>)
      tpu.yield
    }) : () -> ()
    return
  }
}

#map = affine_map<(d0, d1) -> (0)>
#map1 = affine_map<(d0, d1) -> (0, 0)>
module attributes {stable_mosaic.version = 14 : i64} {
  func.func @_l2_body(%arg0: i32, %arg1: i32, %arg2: memref<327680xi32, #tpu.memory_space<hbm>>, %arg3: memref<2560x128xi32, #tpu.memory_space<hbm>>, %arg4: memref<10240xf32, #tpu.memory_space<hbm>>, %arg5: memref<10240xf32, #tpu.memory_space<hbm>>, %arg6: memref<16xf32, #tpu.memory_space<hbm>>, %arg7: memref<10240xf32, #tpu.memory_space<hbm>>, %arg8: memref<20480xi32, #tpu.memory_space<vmem>>, %arg9: memref<160x128xi32, #tpu.memory_space<vmem>>, %arg10: memref<128xf32, #tpu.memory_space<vmem>>, %arg11: memref<128xf32, #tpu.memory_space<vmem>>, %arg12: memref<128xf32, #tpu.memory_space<vmem>>, %arg13: memref<128xf32, #tpu.memory_space<vmem>>, %arg14: memref<128xf32, #tpu.memory_space<vmem>>, %arg15: memref<128xf32, #tpu.memory_space<vmem>>, %arg16: memref<128xf32, #tpu.memory_space<vmem>>, %arg17: memref<128xf32, #tpu.memory_space<vmem>>, %arg18: memref<640xf32, #tpu.memory_space<vmem>>, %arg19: memref<640xf32, #tpu.memory_space<vmem>>, %arg20: memref<640xf32, #tpu.memory_space<vmem>>, %arg21: memref<16xf32, #tpu.memory_space<vmem>>, %arg22: memref<640xf32, #tpu.memory_space<vmem>>, %arg23: memref<10240xf32, #tpu.memory_space<vmem_shared>>, %arg24: memref<!tpu.dma_semaphore, #tpu.memory_space<semaphore_mem>>, %arg25: memref<!tpu.dma_semaphore, #tpu.memory_space<semaphore_mem>>, %arg26: memref<!tpu.dma_semaphore, #tpu.memory_space<semaphore_mem>>, %arg27: memref<!tpu.dma_semaphore, #tpu.memory_space<semaphore_mem>>, %arg28: memref<!tpu.dma_semaphore, #tpu.memory_space<semaphore_mem>>, %arg29: memref<!tpu.dma_semaphore, #tpu.memory_space<semaphore_mem>>, %arg30: memref<!tpu.dma_semaphore, #tpu.memory_space<semaphore_mem>>, %arg31: memref<!tpu.dma_semaphore, #tpu.memory_space<semaphore_mem>>, %arg32: memref<!tpu.dma_semaphore, #tpu.memory_space<semaphore_mem>>, %arg33: memref<!tpu.dma_semaphore, #tpu.memory_space<semaphore_mem>>, %arg34: memref<!tpu.dma_semaphore, #tpu.memory_space<semaphore_mem>>, %arg35: memref<!tpu.dma_semaphore, #tpu.memory_space<semaphore_mem>>, %arg36: memref<!tpu.dma_semaphore, #tpu.memory_space<semaphore_mem>>, %arg37: memref<!tpu.dma_semaphore, #tpu.memory_space<semaphore_mem>>, %arg38: memref<!tpu.dma_semaphore, #tpu.memory_space<semaphore_mem>>, %arg39: memref<!tpu.dma_semaphore, #tpu.memory_space<semaphore_mem>>) attributes {dimension_semantics = [#tpu.dimension_semantics<core_parallel>, #tpu.dimension_semantics<subcore_parallel>], iteration_bounds = array<i64: 2, 16>, scalar_prefetch = 0 : i64, scratch_operands = 32 : i64, tpu.core_type = #tpu.core_type<sc_vector_subcore>, window_params = [{transform_indices = #map}, {transform_indices = #map1}, {transform_indices = #map}, {transform_indices = #map}, {transform_indices = #map}, {transform_indices = #map}]} {
    %eq3A = arith.constant 0 : i32
    %eq3A_0 = arith.cmpi eq, %arg0, %eq3A : i32
    %convert_element_type3A = arith.extui %eq3A_0 : i1 to i32
    %cond3A = arith.constant 0 : i32
    %cond3A_1 = arith.cmpi ne, %convert_element_type3A, %cond3A : i32
    scf.if %cond3A_1 {
      %scan3A = arith.constant 0 : i32
      %scan3A_2 = arith.constant 0 : i32
      %scan3A_3 = arith.constant 40 : i32
      %scan3A_4 = arith.addi %scan3A_2, %scan3A_3 : i32
      %scan3A_5 = arith.constant 1 : i32
      %scan3A_6 = scf.for %scan3A_350 = %scan3A_2 to %scan3A_4 step %scan3A_5 iter_args(%scan3A_351 = %scan3A) -> (i32)  : i32 {
        %broadcast_in_dim3A = arith.constant 0.000000e+00 : f32
        %broadcast_in_dim3A_352 = vector.broadcast %broadcast_in_dim3A : f32 to vector<16xf32>
        %mul3A_353 = arith.constant 16 : i32
        %mul3A_354 = arith.muli %scan3A_350, %mul3A_353 : i32
        %swap3A = arith.index_cast %mul3A_354 : i32 to index
        %swap3A_355 = tpu.vector_load %arg22[%swap3A] {strides = array<i32>} : memref<640xf32, #tpu.memory_space<vmem>>, vector<16xf32>,
        %swap3A_356 = vector.shape_cast %swap3A_355 : vector<16xf32> to vector<16xf32>
        %swap3A_357 = vector.shape_cast %broadcast_in_dim3A_352 : vector<16xf32> to vector<16xf32>
        tpu.vector_store %arg22[%swap3A], %swap3A_357 {strides = array<i32>} : memref<640xf32, #tpu.memory_space<vmem>>, vector<16xf32>,
        %scan3A_358 = arith.constant 0 : i32
        scf.yield %scan3A_358 : i32
      }
      %scan3A_7 = arith.constant 40 : i32
      %mul3A = arith.constant 640 : i32
      %mul3A_8 = arith.muli %arg1, %mul3A : i32
      "tpu.region"() ({
        %run_scoped3A = tpu.sem_alloc : memref<!tpu.dma_semaphore, #tpu.memory_space<semaphore_mem>>
        %dma_start3A_350 = tpu.memref_slice %arg23[%mul3A_8] : memref<10240xf32, #tpu.memory_space<vmem_shared>> -> memref<640xf32, #tpu.memory_space<vmem_shared>>
        %dma_start3A_351 = tpu.memref_slice %arg23[%mul3A_8] : memref<10240xf32, #tpu.memory_space<vmem_shared>> -> memref<640xf32, #tpu.memory_space<vmem_shared>>
        tpu.enqueue_dma source(%arg22 : memref<640xf32, #tpu.memory_space<vmem>>) target(%dma_start3A_351 : memref<640xf32, #tpu.memory_space<vmem_shared>>) target_semaphore(%run_scoped3A : memref<!tpu.dma_semaphore, #tpu.memory_space<semaphore_mem>>)
        %dma_wait3A_352 = tpu.memref_slice %arg23[%mul3A_8] : memref<10240xf32, #tpu.memory_space<vmem_shared>> -> memref<640xf32, #tpu.memory_space<vmem_shared>>
        %dma_wait3A_353 = tpu.memref_slice %arg23[%mul3A_8] : memref<10240xf32, #tpu.memory_space<vmem_shared>> -> memref<640xf32, #tpu.memory_space<vmem_shared>>
        tpu.wait_dma2 semaphore(%run_scoped3A : memref<!tpu.dma_semaphore, #tpu.memory_space<semaphore_mem>>) src(%arg22 : memref<640xf32, #tpu.memory_space<vmem>>) dst(%dma_wait3A_353 : memref<640xf32, #tpu.memory_space<vmem_shared>>)
        tpu.yield
      }) : () -> ()
      %barrier3A = arith.constant 0 : index
      tpu.barrier barrier_id(%barrier3A)
      %mul3A_9 = arith.constant 160 : i32
      %mul3A_10 = arith.muli %arg1, %mul3A_9 : i32
      %mul3A_11 = arith.constant 20480 : i32
      %mul3A_12 = arith.muli %arg1, %mul3A_11 : i32
      "tpu.region"() ({
        %run_scoped3A = tpu.sem_alloc : memref<!tpu.dma_semaphore, #tpu.memory_space<semaphore_mem>>
        %dma_start3A_350 = tpu.memref_slice %arg2[%mul3A_12] : memref<327680xi32, #tpu.memory_space<hbm>> -> memref<20480xi32, #tpu.memory_space<hbm>>
        %dma_start3A_351 = tpu.memref_slice %arg2[%mul3A_12] : memref<327680xi32, #tpu.memory_space<hbm>> -> memref<20480xi32, #tpu.memory_space<hbm>>
        tpu.enqueue_dma source(%dma_start3A_351 : memref<20480xi32, #tpu.memory_space<hbm>>) target(%arg8 : memref<20480xi32, #tpu.memory_space<vmem>>) target_semaphore(%run_scoped3A : memref<!tpu.dma_semaphore, #tpu.memory_space<semaphore_mem>>)
        %dma_wait3A_352 = tpu.memref_slice %arg2[%mul3A_12] : memref<327680xi32, #tpu.memory_space<hbm>> -> memref<20480xi32, #tpu.memory_space<hbm>>
        %dma_wait3A_353 = tpu.memref_slice %arg2[%mul3A_12] : memref<327680xi32, #tpu.memory_space<hbm>> -> memref<20480xi32, #tpu.memory_space<hbm>>
        tpu.wait_dma2 semaphore(%run_scoped3A : memref<!tpu.dma_semaphore, #tpu.memory_space<semaphore_mem>>) src(%dma_wait3A_353 : memref<20480xi32, #tpu.memory_space<hbm>>) dst(%arg8 : memref<20480xi32, #tpu.memory_space<vmem>>)
        tpu.yield
      }) : () -> ()
      "tpu.region"() ({
        %run_scoped3A = tpu.sem_alloc : memref<!tpu.dma_semaphore, #tpu.memory_space<semaphore_mem>>
        %dma_start3A_350 = arith.constant 0 : i32
        %dma_start3A_351 = tpu.memref_slice %arg3[%mul3A_10, %dma_start3A_350] : memref<2560x128xi32, #tpu.memory_space<hbm>> -> memref<160x128xi32, #tpu.memory_space<hbm>>
        %dma_start3A_352 = arith.constant 0 : i32
        %dma_start3A_353 = tpu.memref_slice %arg3[%mul3A_10, %dma_start3A_352] : memref<2560x128xi32, #tpu.memory_space<hbm>> -> memref<160x128xi32, #tpu.memory_space<hbm>>
        tpu.enqueue_dma source(%dma_start3A_353 : memref<160x128xi32, #tpu.memory_space<hbm>>) target(%arg9 : memref<160x128xi32, #tpu.memory_space<vmem>>) target_semaphore(%run_scoped3A : memref<!tpu.dma_semaphore, #tpu.memory_space<semaphore_mem>>)
        %dma_wait3A_354 = arith.constant 0 : i32
        %dma_wait3A_355 = tpu.memref_slice %arg3[%mul3A_10, %dma_wait3A_354] : memref<2560x128xi32, #tpu.memory_space<hbm>> -> memref<160x128xi32, #tpu.memory_space<hbm>>
        %dma_wait3A_356 = arith.constant 0 : i32
        %dma_wait3A_357 = tpu.memref_slice %arg3[%mul3A_10, %dma_wait3A_356] : memref<2560x128xi32, #tpu.memory_space<hbm>> -> memref<160x128xi32, #tpu.memory_space<hbm>>
        tpu.wait_dma2 semaphore(%run_scoped3A : memref<!tpu.dma_semaphore, #tpu.memory_space<semaphore_mem>>) src(%dma_wait3A_357 : memref<160x128xi32, #tpu.memory_space<hbm>>) dst(%arg9 : memref<160x128xi32, #tpu.memory_space<vmem>>)
        tpu.yield
      }) : () -> ()
      %dma_start3A = arith.constant 0 : i32
      %dma_start3A_13 = tpu.memref_slice %arg8[%dma_start3A] : memref<20480xi32, #tpu.memory_space<vmem>> -> memref<128xi32, #tpu.memory_space<vmem>>
      %dma_start3A_14 = arith.constant 0 : i32
      %dma_start3A_15 = tpu.memref_slice %arg4[%dma_start3A_14] : memref<10240xf32, #tpu.memory_space<hbm>> -> memref<10240xf32, #tpu.memory_space<hbm>>
      tpu.enqueue_indirect_dma source(%dma_start3A_15 : memref<10240xf32, #tpu.memory_space<hbm>>) target(%arg10 : memref<128xf32, #tpu.memory_space<vmem>>) offsets(%dma_start3A_13 : memref<128xi32, #tpu.memory_space<vmem>>) semaphore(%arg24 : memref<!tpu.dma_semaphore, #tpu.memory_space<semaphore_mem>>)
      %dma_start3A_16 = arith.constant 128 : i32
      %dma_start3A_17 = tpu.memref_slice %arg8[%dma_start3A_16] : memref<20480xi32, #tpu.memory_space<vmem>> -> memref<128xi32, #tpu.memory_space<vmem>>
      %dma_start3A_18 = arith.constant 0 : i32
      %dma_start3A_19 = tpu.memref_slice %arg4[%dma_start3A_18] : memref<10240xf32, #tpu.memory_space<hbm>> -> memref<10240xf32, #tpu.memory_space<hbm>>
      tpu.enqueue_indirect_dma source(%dma_start3A_19 : memref<10240xf32, #tpu.memory_space<hbm>>) target(%arg11 : memref<128xf32, #tpu.memory_space<vmem>>) offsets(%dma_start3A_17 : memref<128xi32, #tpu.memory_space<vmem>>) semaphore(%arg25 : memref<!tpu.dma_semaphore, #tpu.memory_space<semaphore_mem>>)
      %dma_start3A_20 = arith.constant 256 : i32
      %dma_start3A_21 = tpu.memref_slice %arg8[%dma_start3A_20] : memref<20480xi32, #tpu.memory_space<vmem>> -> memref<128xi32, #tpu.memory_space<vmem>>
      %dma_start3A_22 = arith.constant 0 : i32
      %dma_start3A_23 = tpu.memref_slice %arg4[%dma_start3A_22] : memref<10240xf32, #tpu.memory_space<hbm>> -> memref<10240xf32, #tpu.memory_space<hbm>>
      tpu.enqueue_indirect_dma source(%dma_start3A_23 : memref<10240xf32, #tpu.memory_space<hbm>>) target(%arg12 : memref<128xf32, #tpu.memory_space<vmem>>) offsets(%dma_start3A_21 : memref<128xi32, #tpu.memory_space<vmem>>) semaphore(%arg26 : memref<!tpu.dma_semaphore, #tpu.memory_space<semaphore_mem>>)
      %dma_start3A_24 = arith.constant 384 : i32
      %dma_start3A_25 = tpu.memref_slice %arg8[%dma_start3A_24] : memref<20480xi32, #tpu.memory_space<vmem>> -> memref<128xi32, #tpu.memory_space<vmem>>
      %dma_start3A_26 = arith.constant 0 : i32
      %dma_start3A_27 = tpu.memref_slice %arg4[%dma_start3A_26] : memref<10240xf32, #tpu.memory_space<hbm>> -> memref<10240xf32, #tpu.memory_space<hbm>>
      tpu.enqueue_indirect_dma source(%dma_start3A_27 : memref<10240xf32, #tpu.memory_space<hbm>>) target(%arg13 : memref<128xf32, #tpu.memory_space<vmem>>) offsets(%dma_start3A_25 : memref<128xi32, #tpu.memory_space<vmem>>) semaphore(%arg27 : memref<!tpu.dma_semaphore, #tpu.memory_space<semaphore_mem>>)
      %dma_start3A_28 = arith.constant 512 : i32
      %dma_start3A_29 = tpu.memref_slice %arg8[%dma_start3A_28] : memref<20480xi32, #tpu.memory_space<vmem>> -> memref<128xi32, #tpu.memory_space<vmem>>
      %dma_start3A_30 = arith.constant 0 : i32
      %dma_start3A_31 = tpu.memref_slice %arg4[%dma_start3A_30] : memref<10240xf32, #tpu.memory_space<hbm>> -> memref<10240xf32, #tpu.memory_space<hbm>>
      tpu.enqueue_indirect_dma source(%dma_start3A_31 : memref<10240xf32, #tpu.memory_space<hbm>>) target(%arg14 : memref<128xf32, #tpu.memory_space<vmem>>) offsets(%dma_start3A_29 : memref<128xi32, #tpu.memory_space<vmem>>) semaphore(%arg28 : memref<!tpu.dma_semaphore, #tpu.memory_space<semaphore_mem>>)
      %dma_start3A_32 = arith.constant 640 : i32
      %dma_start3A_33 = tpu.memref_slice %arg8[%dma_start3A_32] : memref<20480xi32, #tpu.memory_space<vmem>> -> memref<128xi32, #tpu.memory_space<vmem>>
      %dma_start3A_34 = arith.constant 0 : i32
      %dma_start3A_35 = tpu.memref_slice %arg4[%dma_start3A_34] : memref<10240xf32, #tpu.memory_space<hbm>> -> memref<10240xf32, #tpu.memory_space<hbm>>
      tpu.enqueue_indirect_dma source(%dma_start3A_35 : memref<10240xf32, #tpu.memory_space<hbm>>) target(%arg15 : memref<128xf32, #tpu.memory_space<vmem>>) offsets(%dma_start3A_33 : memref<128xi32, #tpu.memory_space<vmem>>) semaphore(%arg29 : memref<!tpu.dma_semaphore, #tpu.memory_space<semaphore_mem>>)
      %dma_start3A_36 = arith.constant 768 : i32
      %dma_start3A_37 = tpu.memref_slice %arg8[%dma_start3A_36] : memref<20480xi32, #tpu.memory_space<vmem>> -> memref<128xi32, #tpu.memory_space<vmem>>
      %dma_start3A_38 = arith.constant 0 : i32
      %dma_start3A_39 = tpu.memref_slice %arg4[%dma_start3A_38] : memref<10240xf32, #tpu.memory_space<hbm>> -> memref<10240xf32, #tpu.memory_space<hbm>>
      tpu.enqueue_indirect_dma source(%dma_start3A_39 : memref<10240xf32, #tpu.memory_space<hbm>>) target(%arg16 : memref<128xf32, #tpu.memory_space<vmem>>) offsets(%dma_start3A_37 : memref<128xi32, #tpu.memory_space<vmem>>) semaphore(%arg30 : memref<!tpu.dma_semaphore, #tpu.memory_space<semaphore_mem>>)
      %dma_start3A_40 = arith.constant 896 : i32
      %dma_start3A_41 = tpu.memref_slice %arg8[%dma_start3A_40] : memref<20480xi32, #tpu.memory_space<vmem>> -> memref<128xi32, #tpu.memory_space<vmem>>
      %dma_start3A_42 = arith.constant 0 : i32
      %dma_start3A_43 = tpu.memref_slice %arg4[%dma_start3A_42] : memref<10240xf32, #tpu.memory_space<hbm>> -> memref<10240xf32, #tpu.memory_space<hbm>>
      tpu.enqueue_indirect_dma source(%dma_start3A_43 : memref<10240xf32, #tpu.memory_space<hbm>>) target(%arg17 : memref<128xf32, #tpu.memory_space<vmem>>) offsets(%dma_start3A_41 : memref<128xi32, #tpu.memory_space<vmem>>) semaphore(%arg31 : memref<!tpu.dma_semaphore, #tpu.memory_space<semaphore_mem>>)
      %scan3A_44 = arith.constant 0 : i32
      %scan3A_45 = arith.constant 0 : i32
      %scan3A_46 = arith.constant 18 : i32
      %scan3A_47 = arith.addi %scan3A_45, %scan3A_46 : i32
      %scan3A_48 = arith.constant 1 : i32
      %scan3A_49 = scf.for %scan3A_350 = %scan3A_45 to %scan3A_47 step %scan3A_48 iter_args(%scan3A_351 = %scan3A_44) -> (i32)  : i32 {
        %mul3A_352 = arith.constant 8 : i32
        %mul3A_353 = arith.muli %mul3A_352, %scan3A_350 : i32
        %dma_wait3A_354 = arith.constant 0 : i32
        %dma_wait3A_355 = tpu.memref_slice %arg8[%dma_wait3A_354] : memref<20480xi32, #tpu.memory_space<vmem>> -> memref<128xi32, #tpu.memory_space<vmem>>
        %dma_wait3A_356 = arith.constant 0 : i32
        %dma_wait3A_357 = tpu.memref_slice %arg4[%dma_wait3A_356] : memref<10240xf32, #tpu.memory_space<hbm>> -> memref<10240xf32, #tpu.memory_space<hbm>>
        tpu.wait_indirect_dma semaphore(%arg24 : memref<!tpu.dma_semaphore, #tpu.memory_space<semaphore_mem>>) src(%dma_wait3A_357 : memref<10240xf32, #tpu.memory_space<hbm>>) dst(%arg10 : memref<128xf32, #tpu.memory_space<vmem>>)
        %add3A = arith.constant 0 : i32
        %add3A_358 = arith.addi %mul3A_353, %add3A : i32
        %dma_start3A_359 = arith.constant 0 : i32
        %dma_start3A_360 = tpu.memref_slice %arg9[%add3A_358, %dma_start3A_359] : memref<160x128xi32, #tpu.memory_space<vmem>> -> memref<1x128xi32, #tpu.memory_space<vmem>>
        %dma_start3A_361 = tpu.memref_squeeze %dma_start3A_360 : memref<1x128xi32, #tpu.memory_space<vmem>> -> memref<128xi32, #tpu.memory_space<vmem>>
        %dma_start3A_362 = arith.constant 0 : i32
        %dma_start3A_363 = tpu.memref_slice %arg23[%dma_start3A_362] : memref<10240xf32, #tpu.memory_space<vmem_shared>> -> memref<10240xf32, #tpu.memory_space<vmem_shared>>
        tpu.enqueue_indirect_dma source(%arg10 : memref<128xf32, #tpu.memory_space<vmem>>) target(%dma_start3A_363 : memref<10240xf32, #tpu.memory_space<vmem_shared>>) offsets(%dma_start3A_361 : memref<128xi32, #tpu.memory_space<vmem>>) semaphore(%arg32 : memref<!tpu.dma_semaphore, #tpu.memory_space<semaphore_mem>>) {add = true}
        %dma_wait3A_364 = arith.constant 0 : i32
        %dma_wait3A_365 = tpu.memref_slice %arg8[%dma_wait3A_364] : memref<20480xi32, #tpu.memory_space<vmem>> -> memref<128xi32, #tpu.memory_space<vmem>>
        %dma_wait3A_366 = arith.constant 0 : i32
        %dma_wait3A_367 = tpu.memref_slice %arg4[%dma_wait3A_366] : memref<10240xf32, #tpu.memory_space<hbm>> -> memref<10240xf32, #tpu.memory_space<hbm>>
        tpu.wait_indirect_dma semaphore(%arg25 : memref<!tpu.dma_semaphore, #tpu.memory_space<semaphore_mem>>) src(%dma_wait3A_367 : memref<10240xf32, #tpu.memory_space<hbm>>) dst(%arg11 : memref<128xf32, #tpu.memory_space<vmem>>)
        %add3A_368 = arith.constant 1 : i32
        %add3A_369 = arith.addi %mul3A_353, %add3A_368 : i32
        %dma_start3A_370 = arith.constant 0 : i32
        %dma_start3A_371 = tpu.memref_slice %arg9[%add3A_369, %dma_start3A_370] : memref<160x128xi32, #tpu.memory_space<vmem>> -> memref<1x128xi32, #tpu.memory_space<vmem>>
        %dma_start3A_372 = tpu.memref_squeeze %dma_start3A_371 : memref<1x128xi32, #tpu.memory_space<vmem>> -> memref<128xi32, #tpu.memory_space<vmem>>
        %dma_start3A_373 = arith.constant 0 : i32
        %dma_start3A_374 = tpu.memref_slice %arg23[%dma_start3A_373] : memref<10240xf32, #tpu.memory_space<vmem_shared>> -> memref<10240xf32, #tpu.memory_space<vmem_shared>>
        tpu.enqueue_indirect_dma source(%arg11 : memref<128xf32, #tpu.memory_space<vmem>>) target(%dma_start3A_374 : memref<10240xf32, #tpu.memory_space<vmem_shared>>) offsets(%dma_start3A_372 : memref<128xi32, #tpu.memory_space<vmem>>) semaphore(%arg33 : memref<!tpu.dma_semaphore, #tpu.memory_space<semaphore_mem>>) {add = true}
        %dma_wait3A_375 = arith.constant 0 : i32
        %dma_wait3A_376 = tpu.memref_slice %arg8[%dma_wait3A_375] : memref<20480xi32, #tpu.memory_space<vmem>> -> memref<128xi32, #tpu.memory_space<vmem>>
        %dma_wait3A_377 = arith.constant 0 : i32
        %dma_wait3A_378 = tpu.memref_slice %arg4[%dma_wait3A_377] : memref<10240xf32, #tpu.memory_space<hbm>> -> memref<10240xf32, #tpu.memory_space<hbm>>
        tpu.wait_indirect_dma semaphore(%arg26 : memref<!tpu.dma_semaphore, #tpu.memory_space<semaphore_mem>>) src(%dma_wait3A_378 : memref<10240xf32, #tpu.memory_space<hbm>>) dst(%arg12 : memref<128xf32, #tpu.memory_space<vmem>>)
        %add3A_379 = arith.constant 2 : i32
        %add3A_380 = arith.addi %mul3A_353, %add3A_379 : i32
        %dma_start3A_381 = arith.constant 0 : i32
        %dma_start3A_382 = tpu.memref_slice %arg9[%add3A_380, %dma_start3A_381] : memref<160x128xi32, #tpu.memory_space<vmem>> -> memref<1x128xi32, #tpu.memory_space<vmem>>
        %dma_start3A_383 = tpu.memref_squeeze %dma_start3A_382 : memref<1x128xi32, #tpu.memory_space<vmem>> -> memref<128xi32, #tpu.memory_space<vmem>>
        %dma_start3A_384 = arith.constant 0 : i32
        %dma_start3A_385 = tpu.memref_slice %arg23[%dma_start3A_384] : memref<10240xf32, #tpu.memory_space<vmem_shared>> -> memref<10240xf32, #tpu.memory_space<vmem_shared>>
        tpu.enqueue_indirect_dma source(%arg12 : memref<128xf32, #tpu.memory_space<vmem>>) target(%dma_start3A_385 : memref<10240xf32, #tpu.memory_space<vmem_shared>>) offsets(%dma_start3A_383 : memref<128xi32, #tpu.memory_space<vmem>>) semaphore(%arg34 : memref<!tpu.dma_semaphore, #tpu.memory_space<semaphore_mem>>) {add = true}
        %dma_wait3A_386 = arith.constant 0 : i32
        %dma_wait3A_387 = tpu.memref_slice %arg8[%dma_wait3A_386] : memref<20480xi32, #tpu.memory_space<vmem>> -> memref<128xi32, #tpu.memory_space<vmem>>
        %dma_wait3A_388 = arith.constant 0 : i32
        %dma_wait3A_389 = tpu.memref_slice %arg4[%dma_wait3A_388] : memref<10240xf32, #tpu.memory_space<hbm>> -> memref<10240xf32, #tpu.memory_space<hbm>>
        tpu.wait_indirect_dma semaphore(%arg27 : memref<!tpu.dma_semaphore, #tpu.memory_space<semaphore_mem>>) src(%dma_wait3A_389 : memref<10240xf32, #tpu.memory_space<hbm>>) dst(%arg13 : memref<128xf32, #tpu.memory_space<vmem>>)
        %add3A_390 = arith.constant 3 : i32
        %add3A_391 = arith.addi %mul3A_353, %add3A_390 : i32
        %dma_start3A_392 = arith.constant 0 : i32
        %dma_start3A_393 = tpu.memref_slice %arg9[%add3A_391, %dma_start3A_392] : memref<160x128xi32, #tpu.memory_space<vmem>> -> memref<1x128xi32, #tpu.memory_space<vmem>>
        %dma_start3A_394 = tpu.memref_squeeze %dma_start3A_393 : memref<1x128xi32, #tpu.memory_space<vmem>> -> memref<128xi32, #tpu.memory_space<vmem>>
        %dma_start3A_395 = arith.constant 0 : i32
        %dma_start3A_396 = tpu.memref_slice %arg23[%dma_start3A_395] : memref<10240xf32, #tpu.memory_space<vmem_shared>> -> memref<10240xf32, #tpu.memory_space<vmem_shared>>
        tpu.enqueue_indirect_dma source(%arg13 : memref<128xf32, #tpu.memory_space<vmem>>) target(%dma_start3A_396 : memref<10240xf32, #tpu.memory_space<vmem_shared>>) offsets(%dma_start3A_394 : memref<128xi32, #tpu.memory_space<vmem>>) semaphore(%arg35 : memref<!tpu.dma_semaphore, #tpu.memory_space<semaphore_mem>>) {add = true}
        %dma_wait3A_397 = arith.constant 0 : i32
        %dma_wait3A_398 = tpu.memref_slice %arg8[%dma_wait3A_397] : memref<20480xi32, #tpu.memory_space<vmem>> -> memref<128xi32, #tpu.memory_space<vmem>>
        %dma_wait3A_399 = arith.constant 0 : i32
        %dma_wait3A_400 = tpu.memref_slice %arg4[%dma_wait3A_399] : memref<10240xf32, #tpu.memory_space<hbm>> -> memref<10240xf32, #tpu.memory_space<hbm>>
        tpu.wait_indirect_dma semaphore(%arg28 : memref<!tpu.dma_semaphore, #tpu.memory_space<semaphore_mem>>) src(%dma_wait3A_400 : memref<10240xf32, #tpu.memory_space<hbm>>) dst(%arg14 : memref<128xf32, #tpu.memory_space<vmem>>)
        %add3A_401 = arith.constant 4 : i32
        %add3A_402 = arith.addi %mul3A_353, %add3A_401 : i32
        %dma_start3A_403 = arith.constant 0 : i32
        %dma_start3A_404 = tpu.memref_slice %arg9[%add3A_402, %dma_start3A_403] : memref<160x128xi32, #tpu.memory_space<vmem>> -> memref<1x128xi32, #tpu.memory_space<vmem>>
        %dma_start3A_405 = tpu.memref_squeeze %dma_start3A_404 : memref<1x128xi32, #tpu.memory_space<vmem>> -> memref<128xi32, #tpu.memory_space<vmem>>
        %dma_start3A_406 = arith.constant 0 : i32
        %dma_start3A_407 = tpu.memref_slice %arg23[%dma_start3A_406] : memref<10240xf32, #tpu.memory_space<vmem_shared>> -> memref<10240xf32, #tpu.memory_space<vmem_shared>>
        tpu.enqueue_indirect_dma source(%arg14 : memref<128xf32, #tpu.memory_space<vmem>>) target(%dma_start3A_407 : memref<10240xf32, #tpu.memory_space<vmem_shared>>) offsets(%dma_start3A_405 : memref<128xi32, #tpu.memory_space<vmem>>) semaphore(%arg36 : memref<!tpu.dma_semaphore, #tpu.memory_space<semaphore_mem>>) {add = true}
        %dma_wait3A_408 = arith.constant 0 : i32
        %dma_wait3A_409 = tpu.memref_slice %arg8[%dma_wait3A_408] : memref<20480xi32, #tpu.memory_space<vmem>> -> memref<128xi32, #tpu.memory_space<vmem>>
        %dma_wait3A_410 = arith.constant 0 : i32
        %dma_wait3A_411 = tpu.memref_slice %arg4[%dma_wait3A_410] : memref<10240xf32, #tpu.memory_space<hbm>> -> memref<10240xf32, #tpu.memory_space<hbm>>
        tpu.wait_indirect_dma semaphore(%arg29 : memref<!tpu.dma_semaphore, #tpu.memory_space<semaphore_mem>>) src(%dma_wait3A_411 : memref<10240xf32, #tpu.memory_space<hbm>>) dst(%arg15 : memref<128xf32, #tpu.memory_space<vmem>>)
        %add3A_412 = arith.constant 5 : i32
        %add3A_413 = arith.addi %mul3A_353, %add3A_412 : i32
        %dma_start3A_414 = arith.constant 0 : i32
        %dma_start3A_415 = tpu.memref_slice %arg9[%add3A_413, %dma_start3A_414] : memref<160x128xi32, #tpu.memory_space<vmem>> -> memref<1x128xi32, #tpu.memory_space<vmem>>
        %dma_start3A_416 = tpu.memref_squeeze %dma_start3A_415 : memref<1x128xi32, #tpu.memory_space<vmem>> -> memref<128xi32, #tpu.memory_space<vmem>>
        %dma_start3A_417 = arith.constant 0 : i32
        %dma_start3A_418 = tpu.memref_slice %arg23[%dma_start3A_417] : memref<10240xf32, #tpu.memory_space<vmem_shared>> -> memref<10240xf32, #tpu.memory_space<vmem_shared>>
        tpu.enqueue_indirect_dma source(%arg15 : memref<128xf32, #tpu.memory_space<vmem>>) target(%dma_start3A_418 : memref<10240xf32, #tpu.memory_space<vmem_shared>>) offsets(%dma_start3A_416 : memref<128xi32, #tpu.memory_space<vmem>>) semaphore(%arg37 : memref<!tpu.dma_semaphore, #tpu.memory_space<semaphore_mem>>) {add = true}
        %dma_wait3A_419 = arith.constant 0 : i32
        %dma_wait3A_420 = tpu.memref_slice %arg8[%dma_wait3A_419] : memref<20480xi32, #tpu.memory_space<vmem>> -> memref<128xi32, #tpu.memory_space<vmem>>
        %dma_wait3A_421 = arith.constant 0 : i32
        %dma_wait3A_422 = tpu.memref_slice %arg4[%dma_wait3A_421] : memref<10240xf32, #tpu.memory_space<hbm>> -> memref<10240xf32, #tpu.memory_space<hbm>>
        tpu.wait_indirect_dma semaphore(%arg30 : memref<!tpu.dma_semaphore, #tpu.memory_space<semaphore_mem>>) src(%dma_wait3A_422 : memref<10240xf32, #tpu.memory_space<hbm>>) dst(%arg16 : memref<128xf32, #tpu.memory_space<vmem>>)
        %add3A_423 = arith.constant 6 : i32
        %add3A_424 = arith.addi %mul3A_353, %add3A_423 : i32
        %dma_start3A_425 = arith.constant 0 : i32
        %dma_start3A_426 = tpu.memref_slice %arg9[%add3A_424, %dma_start3A_425] : memref<160x128xi32, #tpu.memory_space<vmem>> -> memref<1x128xi32, #tpu.memory_space<vmem>>
        %dma_start3A_427 = tpu.memref_squeeze %dma_start3A_426 : memref<1x128xi32, #tpu.memory_space<vmem>> -> memref<128xi32, #tpu.memory_space<vmem>>
        %dma_start3A_428 = arith.constant 0 : i32
        %dma_start3A_429 = tpu.memref_slice %arg23[%dma_start3A_428] : memref<10240xf32, #tpu.memory_space<vmem_shared>> -> memref<10240xf32, #tpu.memory_space<vmem_shared>>
        tpu.enqueue_indirect_dma source(%arg16 : memref<128xf32, #tpu.memory_space<vmem>>) target(%dma_start3A_429 : memref<10240xf32, #tpu.memory_space<vmem_shared>>) offsets(%dma_start3A_427 : memref<128xi32, #tpu.memory_space<vmem>>) semaphore(%arg38 : memref<!tpu.dma_semaphore, #tpu.memory_space<semaphore_mem>>) {add = true}
        %dma_wait3A_430 = arith.constant 0 : i32
        %dma_wait3A_431 = tpu.memref_slice %arg8[%dma_wait3A_430] : memref<20480xi32, #tpu.memory_space<vmem>> -> memref<128xi32, #tpu.memory_space<vmem>>
        %dma_wait3A_432 = arith.constant 0 : i32
        %dma_wait3A_433 = tpu.memref_slice %arg4[%dma_wait3A_432] : memref<10240xf32, #tpu.memory_space<hbm>> -> memref<10240xf32, #tpu.memory_space<hbm>>
        tpu.wait_indirect_dma semaphore(%arg31 : memref<!tpu.dma_semaphore, #tpu.memory_space<semaphore_mem>>) src(%dma_wait3A_433 : memref<10240xf32, #tpu.memory_space<hbm>>) dst(%arg17 : memref<128xf32, #tpu.memory_space<vmem>>)
        %add3A_434 = arith.constant 7 : i32
        %add3A_435 = arith.addi %mul3A_353, %add3A_434 : i32
        %dma_start3A_436 = arith.constant 0 : i32
        %dma_start3A_437 = tpu.memref_slice %arg9[%add3A_435, %dma_start3A_436] : memref<160x128xi32, #tpu.memory_space<vmem>> -> memref<1x128xi32, #tpu.memory_space<vmem>>
        %dma_start3A_438 = tpu.memref_squeeze %dma_start3A_437 : memref<1x128xi32, #tpu.memory_space<vmem>> -> memref<128xi32, #tpu.memory_space<vmem>>
        %dma_start3A_439 = arith.constant 0 : i32
        %dma_start3A_440 = tpu.memref_slice %arg23[%dma_start3A_439] : memref<10240xf32, #tpu.memory_space<vmem_shared>> -> memref<10240xf32, #tpu.memory_space<vmem_shared>>
        tpu.enqueue_indirect_dma source(%arg17 : memref<128xf32, #tpu.memory_space<vmem>>) target(%dma_start3A_440 : memref<10240xf32, #tpu.memory_space<vmem_shared>>) offsets(%dma_start3A_438 : memref<128xi32, #tpu.memory_space<vmem>>) semaphore(%arg39 : memref<!tpu.dma_semaphore, #tpu.memory_space<semaphore_mem>>) {add = true}
        %dma_wait3A_441 = arith.constant 0 : i32
        %dma_wait3A_442 = arith.constant 0 : i32
        %dma_wait3A_443 = tpu.memref_slice %arg9[%dma_wait3A_441, %dma_wait3A_442] : memref<160x128xi32, #tpu.memory_space<vmem>> -> memref<1x128xi32, #tpu.memory_space<vmem>>
        %dma_wait3A_444 = tpu.memref_squeeze %dma_wait3A_443 : memref<1x128xi32, #tpu.memory_space<vmem>> -> memref<128xi32, #tpu.memory_space<vmem>>
        %dma_wait3A_445 = arith.constant 0 : i32
        %dma_wait3A_446 = tpu.memref_slice %arg23[%dma_wait3A_445] : memref<10240xf32, #tpu.memory_space<vmem_shared>> -> memref<10240xf32, #tpu.memory_space<vmem_shared>>
        tpu.wait_indirect_dma semaphore(%arg32 : memref<!tpu.dma_semaphore, #tpu.memory_space<semaphore_mem>>) src(%arg10 : memref<128xf32, #tpu.memory_space<vmem>>) dst(%dma_wait3A_446 : memref<10240xf32, #tpu.memory_space<vmem_shared>>)
        %add3A_447 = arith.constant 8 : i32
        %add3A_448 = arith.addi %mul3A_353, %add3A_447 : i32
        %add3A_449 = arith.constant 0 : i32
        %add3A_450 = arith.addi %add3A_448, %add3A_449 : i32
        %mul3A_451 = arith.constant 128 : i32
        %mul3A_452 = arith.muli %add3A_450, %mul3A_451 : i32
        %dma_start3A_453 = tpu.memref_slice %arg8[%mul3A_452] : memref<20480xi32, #tpu.memory_space<vmem>> -> memref<128xi32, #tpu.memory_space<vmem>>
        %dma_start3A_454 = arith.constant 0 : i32
        %dma_start3A_455 = tpu.memref_slice %arg4[%dma_start3A_454] : memref<10240xf32, #tpu.memory_space<hbm>> -> memref<10240xf32, #tpu.memory_space<hbm>>
        tpu.enqueue_indirect_dma source(%dma_start3A_455 : memref<10240xf32, #tpu.memory_space<hbm>>) target(%arg10 : memref<128xf32, #tpu.memory_space<vmem>>) offsets(%dma_start3A_453 : memref<128xi32, #tpu.memory_space<vmem>>) semaphore(%arg24 : memref<!tpu.dma_semaphore, #tpu.memory_space<semaphore_mem>>)
        %dma_wait3A_456 = arith.constant 0 : i32
        %dma_wait3A_457 = arith.constant 0 : i32
        %dma_wait3A_458 = tpu.memref_slice %arg9[%dma_wait3A_456, %dma_wait3A_457] : memref<160x128xi32, #tpu.memory_space<vmem>> -> memref<1x128xi32, #tpu.memory_space<vmem>>
        %dma_wait3A_459 = tpu.memref_squeeze %dma_wait3A_458 : memref<1x128xi32, #tpu.memory_space<vmem>> -> memref<128xi32, #tpu.memory_space<vmem>>
        %dma_wait3A_460 = arith.constant 0 : i32
        %dma_wait3A_461 = tpu.memref_slice %arg23[%dma_wait3A_460] : memref<10240xf32, #tpu.memory_space<vmem_shared>> -> memref<10240xf32, #tpu.memory_space<vmem_shared>>
        tpu.wait_indirect_dma semaphore(%arg33 : memref<!tpu.dma_semaphore, #tpu.memory_space<semaphore_mem>>) src(%arg11 : memref<128xf32, #tpu.memory_space<vmem>>) dst(%dma_wait3A_461 : memref<10240xf32, #tpu.memory_space<vmem_shared>>)
        %add3A_462 = arith.constant 8 : i32
        %add3A_463 = arith.addi %mul3A_353, %add3A_462 : i32
        %add3A_464 = arith.constant 1 : i32
        %add3A_465 = arith.addi %add3A_463, %add3A_464 : i32
        %mul3A_466 = arith.constant 128 : i32
        %mul3A_467 = arith.muli %add3A_465, %mul3A_466 : i32
        %dma_start3A_468 = tpu.memref_slice %arg8[%mul3A_467] : memref<20480xi32, #tpu.memory_space<vmem>> -> memref<128xi32, #tpu.memory_space<vmem>>
        %dma_start3A_469 = arith.constant 0 : i32
        %dma_start3A_470 = tpu.memref_slice %arg4[%dma_start3A_469] : memref<10240xf32, #tpu.memory_space<hbm>> -> memref<10240xf32, #tpu.memory_space<hbm>>
        tpu.enqueue_indirect_dma source(%dma_start3A_470 : memref<10240xf32, #tpu.memory_space<hbm>>) target(%arg11 : memref<128xf32, #tpu.memory_space<vmem>>) offsets(%dma_start3A_468 : memref<128xi32, #tpu.memory_space<vmem>>) semaphore(%arg25 : memref<!tpu.dma_semaphore, #tpu.memory_space<semaphore_mem>>)
        %dma_wait3A_471 = arith.constant 0 : i32
        %dma_wait3A_472 = arith.constant 0 : i32
        %dma_wait3A_473 = tpu.memref_slice %arg9[%dma_wait3A_471, %dma_wait3A_472] : memref<160x128xi32, #tpu.memory_space<vmem>> -> memref<1x128xi32, #tpu.memory_space<vmem>>
        %dma_wait3A_474 = tpu.memref_squeeze %dma_wait3A_473 : memref<1x128xi32, #tpu.memory_space<vmem>> -> memref<128xi32, #tpu.memory_space<vmem>>
        %dma_wait3A_475 = arith.constant 0 : i32
        %dma_wait3A_476 = tpu.memref_slice %arg23[%dma_wait3A_475] : memref<10240xf32, #tpu.memory_space<vmem_shared>> -> memref<10240xf32, #tpu.memory_space<vmem_shared>>
        tpu.wait_indirect_dma semaphore(%arg34 : memref<!tpu.dma_semaphore, #tpu.memory_space<semaphore_mem>>) src(%arg12 : memref<128xf32, #tpu.memory_space<vmem>>) dst(%dma_wait3A_476 : memref<10240xf32, #tpu.memory_space<vmem_shared>>)
        %add3A_477 = arith.constant 8 : i32
        %add3A_478 = arith.addi %mul3A_353, %add3A_477 : i32
        %add3A_479 = arith.constant 2 : i32
        %add3A_480 = arith.addi %add3A_478, %add3A_479 : i32
        %mul3A_481 = arith.constant 128 : i32
        %mul3A_482 = arith.muli %add3A_480, %mul3A_481 : i32
        %dma_start3A_483 = tpu.memref_slice %arg8[%mul3A_482] : memref<20480xi32, #tpu.memory_space<vmem>> -> memref<128xi32, #tpu.memory_space<vmem>>
        %dma_start3A_484 = arith.constant 0 : i32
        %dma_start3A_485 = tpu.memref_slice %arg4[%dma_start3A_484] : memref<10240xf32, #tpu.memory_space<hbm>> -> memref<10240xf32, #tpu.memory_space<hbm>>
        tpu.enqueue_indirect_dma source(%dma_start3A_485 : memref<10240xf32, #tpu.memory_space<hbm>>) target(%arg12 : memref<128xf32, #tpu.memory_space<vmem>>) offsets(%dma_start3A_483 : memref<128xi32, #tpu.memory_space<vmem>>) semaphore(%arg26 : memref<!tpu.dma_semaphore, #tpu.memory_space<semaphore_mem>>)
        %dma_wait3A_486 = arith.constant 0 : i32
        %dma_wait3A_487 = arith.constant 0 : i32
        %dma_wait3A_488 = tpu.memref_slice %arg9[%dma_wait3A_486, %dma_wait3A_487] : memref<160x128xi32, #tpu.memory_space<vmem>> -> memref<1x128xi32, #tpu.memory_space<vmem>>
        %dma_wait3A_489 = tpu.memref_squeeze %dma_wait3A_488 : memref<1x128xi32, #tpu.memory_space<vmem>> -> memref<128xi32, #tpu.memory_space<vmem>>
        %dma_wait3A_490 = arith.constant 0 : i32
        %dma_wait3A_491 = tpu.memref_slice %arg23[%dma_wait3A_490] : memref<10240xf32, #tpu.memory_space<vmem_shared>> -> memref<10240xf32, #tpu.memory_space<vmem_shared>>
        tpu.wait_indirect_dma semaphore(%arg35 : memref<!tpu.dma_semaphore, #tpu.memory_space<semaphore_mem>>) src(%arg13 : memref<128xf32, #tpu.memory_space<vmem>>) dst(%dma_wait3A_491 : memref<10240xf32, #tpu.memory_space<vmem_shared>>)
        %add3A_492 = arith.constant 8 : i32
        %add3A_493 = arith.addi %mul3A_353, %add3A_492 : i32
        %add3A_494 = arith.constant 3 : i32
        %add3A_495 = arith.addi %add3A_493, %add3A_494 : i32
        %mul3A_496 = arith.constant 128 : i32
        %mul3A_497 = arith.muli %add3A_495, %mul3A_496 : i32
        %dma_start3A_498 = tpu.memref_slice %arg8[%mul3A_497] : memref<20480xi32, #tpu.memory_space<vmem>> -> memref<128xi32, #tpu.memory_space<vmem>>
        %dma_start3A_499 = arith.constant 0 : i32
        %dma_start3A_500 = tpu.memref_slice %arg4[%dma_start3A_499] : memref<10240xf32, #tpu.memory_space<hbm>> -> memref<10240xf32, #tpu.memory_space<hbm>>
        tpu.enqueue_indirect_dma source(%dma_start3A_500 : memref<10240xf32, #tpu.memory_space<hbm>>) target(%arg13 : memref<128xf32, #tpu.memory_space<vmem>>) offsets(%dma_start3A_498 : memref<128xi32, #tpu.memory_space<vmem>>) semaphore(%arg27 : memref<!tpu.dma_semaphore, #tpu.memory_space<semaphore_mem>>)
        %dma_wait3A_501 = arith.constant 0 : i32
        %dma_wait3A_502 = arith.constant 0 : i32
        %dma_wait3A_503 = tpu.memref_slice %arg9[%dma_wait3A_501, %dma_wait3A_502] : memref<160x128xi32, #tpu.memory_space<vmem>> -> memref<1x128xi32, #tpu.memory_space<vmem>>
        %dma_wait3A_504 = tpu.memref_squeeze %dma_wait3A_503 : memref<1x128xi32, #tpu.memory_space<vmem>> -> memref<128xi32, #tpu.memory_space<vmem>>
        %dma_wait3A_505 = arith.constant 0 : i32
        %dma_wait3A_506 = tpu.memref_slice %arg23[%dma_wait3A_505] : memref<10240xf32, #tpu.memory_space<vmem_shared>> -> memref<10240xf32, #tpu.memory_space<vmem_shared>>
        tpu.wait_indirect_dma semaphore(%arg36 : memref<!tpu.dma_semaphore, #tpu.memory_space<semaphore_mem>>) src(%arg14 : memref<128xf32, #tpu.memory_space<vmem>>) dst(%dma_wait3A_506 : memref<10240xf32, #tpu.memory_space<vmem_shared>>)
        %add3A_507 = arith.constant 8 : i32
        %add3A_508 = arith.addi %mul3A_353, %add3A_507 : i32
        %add3A_509 = arith.constant 4 : i32
        %add3A_510 = arith.addi %add3A_508, %add3A_509 : i32
        %mul3A_511 = arith.constant 128 : i32
        %mul3A_512 = arith.muli %add3A_510, %mul3A_511 : i32
        %dma_start3A_513 = tpu.memref_slice %arg8[%mul3A_512] : memref<20480xi32, #tpu.memory_space<vmem>> -> memref<128xi32, #tpu.memory_space<vmem>>
        %dma_start3A_514 = arith.constant 0 : i32
        %dma_start3A_515 = tpu.memref_slice %arg4[%dma_start3A_514] : memref<10240xf32, #tpu.memory_space<hbm>> -> memref<10240xf32, #tpu.memory_space<hbm>>
        tpu.enqueue_indirect_dma source(%dma_start3A_515 : memref<10240xf32, #tpu.memory_space<hbm>>) target(%arg14 : memref<128xf32, #tpu.memory_space<vmem>>) offsets(%dma_start3A_513 : memref<128xi32, #tpu.memory_space<vmem>>) semaphore(%arg28 : memref<!tpu.dma_semaphore, #tpu.memory_space<semaphore_mem>>)
        %dma_wait3A_516 = arith.constant 0 : i32
        %dma_wait3A_517 = arith.constant 0 : i32
        %dma_wait3A_518 = tpu.memref_slice %arg9[%dma_wait3A_516, %dma_wait3A_517] : memref<160x128xi32, #tpu.memory_space<vmem>> -> memref<1x128xi32, #tpu.memory_space<vmem>>
        %dma_wait3A_519 = tpu.memref_squeeze %dma_wait3A_518 : memref<1x128xi32, #tpu.memory_space<vmem>> -> memref<128xi32, #tpu.memory_space<vmem>>
        %dma_wait3A_520 = arith.constant 0 : i32
        %dma_wait3A_521 = tpu.memref_slice %arg23[%dma_wait3A_520] : memref<10240xf32, #tpu.memory_space<vmem_shared>> -> memref<10240xf32, #tpu.memory_space<vmem_shared>>
        tpu.wait_indirect_dma semaphore(%arg37 : memref<!tpu.dma_semaphore, #tpu.memory_space<semaphore_mem>>) src(%arg15 : memref<128xf32, #tpu.memory_space<vmem>>) dst(%dma_wait3A_521 : memref<10240xf32, #tpu.memory_space<vmem_shared>>)
        %add3A_522 = arith.constant 8 : i32
        %add3A_523 = arith.addi %mul3A_353, %add3A_522 : i32
        %add3A_524 = arith.constant 5 : i32
        %add3A_525 = arith.addi %add3A_523, %add3A_524 : i32
        %mul3A_526 = arith.constant 128 : i32
        %mul3A_527 = arith.muli %add3A_525, %mul3A_526 : i32
        %dma_start3A_528 = tpu.memref_slice %arg8[%mul3A_527] : memref<20480xi32, #tpu.memory_space<vmem>> -> memref<128xi32, #tpu.memory_space<vmem>>
        %dma_start3A_529 = arith.constant 0 : i32
        %dma_start3A_530 = tpu.memref_slice %arg4[%dma_start3A_529] : memref<10240xf32, #tpu.memory_space<hbm>> -> memref<10240xf32, #tpu.memory_space<hbm>>
        tpu.enqueue_indirect_dma source(%dma_start3A_530 : memref<10240xf32, #tpu.memory_space<hbm>>) target(%arg15 : memref<128xf32, #tpu.memory_space<vmem>>) offsets(%dma_start3A_528 : memref<128xi32, #tpu.memory_space<vmem>>) semaphore(%arg29 : memref<!tpu.dma_semaphore, #tpu.memory_space<semaphore_mem>>)
        %dma_wait3A_531 = arith.constant 0 : i32
        %dma_wait3A_532 = arith.constant 0 : i32
        %dma_wait3A_533 = tpu.memref_slice %arg9[%dma_wait3A_531, %dma_wait3A_532] : memref<160x128xi32, #tpu.memory_space<vmem>> -> memref<1x128xi32, #tpu.memory_space<vmem>>
        %dma_wait3A_534 = tpu.memref_squeeze %dma_wait3A_533 : memref<1x128xi32, #tpu.memory_space<vmem>> -> memref<128xi32, #tpu.memory_space<vmem>>
        %dma_wait3A_535 = arith.constant 0 : i32
        %dma_wait3A_536 = tpu.memref_slice %arg23[%dma_wait3A_535] : memref<10240xf32, #tpu.memory_space<vmem_shared>> -> memref<10240xf32, #tpu.memory_space<vmem_shared>>
        tpu.wait_indirect_dma semaphore(%arg38 : memref<!tpu.dma_semaphore, #tpu.memory_space<semaphore_mem>>) src(%arg16 : memref<128xf32, #tpu.memory_space<vmem>>) dst(%dma_wait3A_536 : memref<10240xf32, #tpu.memory_space<vmem_shared>>)
        %add3A_537 = arith.constant 8 : i32
        %add3A_538 = arith.addi %mul3A_353, %add3A_537 : i32
        %add3A_539 = arith.constant 6 : i32
        %add3A_540 = arith.addi %add3A_538, %add3A_539 : i32
        %mul3A_541 = arith.constant 128 : i32
        %mul3A_542 = arith.muli %add3A_540, %mul3A_541 : i32
        %dma_start3A_543 = tpu.memref_slice %arg8[%mul3A_542] : memref<20480xi32, #tpu.memory_space<vmem>> -> memref<128xi32, #tpu.memory_space<vmem>>
        %dma_start3A_544 = arith.constant 0 : i32
        %dma_start3A_545 = tpu.memref_slice %arg4[%dma_start3A_544] : memref<10240xf32, #tpu.memory_space<hbm>> -> memref<10240xf32, #tpu.memory_space<hbm>>
        tpu.enqueue_indirect_dma source(%dma_start3A_545 : memref<10240xf32, #tpu.memory_space<hbm>>) target(%arg16 : memref<128xf32, #tpu.memory_space<vmem>>) offsets(%dma_start3A_543 : memref<128xi32, #tpu.memory_space<vmem>>) semaphore(%arg30 : memref<!tpu.dma_semaphore, #tpu.memory_space<semaphore_mem>>)
        %dma_wait3A_546 = arith.constant 0 : i32
        %dma_wait3A_547 = arith.constant 0 : i32
        %dma_wait3A_548 = tpu.memref_slice %arg9[%dma_wait3A_546, %dma_wait3A_547] : memref<160x128xi32, #tpu.memory_space<vmem>> -> memref<1x128xi32, #tpu.memory_space<vmem>>
        %dma_wait3A_549 = tpu.memref_squeeze %dma_wait3A_548 : memref<1x128xi32, #tpu.memory_space<vmem>> -> memref<128xi32, #tpu.memory_space<vmem>>
        %dma_wait3A_550 = arith.constant 0 : i32
        %dma_wait3A_551 = tpu.memref_slice %arg23[%dma_wait3A_550] : memref<10240xf32, #tpu.memory_space<vmem_shared>> -> memref<10240xf32, #tpu.memory_space<vmem_shared>>
        tpu.wait_indirect_dma semaphore(%arg39 : memref<!tpu.dma_semaphore, #tpu.memory_space<semaphore_mem>>) src(%arg17 : memref<128xf32, #tpu.memory_space<vmem>>) dst(%dma_wait3A_551 : memref<10240xf32, #tpu.memory_space<vmem_shared>>)
        %add3A_552 = arith.constant 8 : i32
        %add3A_553 = arith.addi %mul3A_353, %add3A_552 : i32
        %add3A_554 = arith.constant 7 : i32
        %add3A_555 = arith.addi %add3A_553, %add3A_554 : i32
        %mul3A_556 = arith.constant 128 : i32
        %mul3A_557 = arith.muli %add3A_555, %mul3A_556 : i32
        %dma_start3A_558 = tpu.memref_slice %arg8[%mul3A_557] : memref<20480xi32, #tpu.memory_space<vmem>> -> memref<128xi32, #tpu.memory_space<vmem>>
        %dma_start3A_559 = arith.constant 0 : i32
        %dma_start3A_560 = tpu.memref_slice %arg4[%dma_start3A_559] : memref<10240xf32, #tpu.memory_space<hbm>> -> memref<10240xf32, #tpu.memory_space<hbm>>
        tpu.enqueue_indirect_dma source(%dma_start3A_560 : memref<10240xf32, #tpu.memory_space<hbm>>) target(%arg17 : memref<128xf32, #tpu.memory_space<vmem>>) offsets(%dma_start3A_558 : memref<128xi32, #tpu.memory_space<vmem>>) semaphore(%arg31 : memref<!tpu.dma_semaphore, #tpu.memory_space<semaphore_mem>>)
        %scan3A_561 = arith.constant 0 : i32
        scf.yield %scan3A_561 : i32
      }
      %scan3A_50 = arith.constant 18 : i32
      %dma_wait3A = arith.constant 0 : i32
      %dma_wait3A_51 = tpu.memref_slice %arg8[%dma_wait3A] : memref<20480xi32, #tpu.memory_space<vmem>> -> memref<128xi32, #tpu.memory_space<vmem>>
      %dma_wait3A_52 = arith.constant 0 : i32
      %dma_wait3A_53 = tpu.memref_slice %arg4[%dma_wait3A_52] : memref<10240xf32, #tpu.memory_space<hbm>> -> memref<10240xf32, #tpu.memory_space<hbm>>
      tpu.wait_indirect_dma semaphore(%arg24 : memref<!tpu.dma_semaphore, #tpu.memory_space<semaphore_mem>>) src(%dma_wait3A_53 : memref<10240xf32, #tpu.memory_space<hbm>>) dst(%arg10 : memref<128xf32, #tpu.memory_space<vmem>>)
      %dma_start3A_54 = arith.constant 144 : i32
      %dma_start3A_55 = arith.constant 0 : i32
      %dma_start3A_56 = tpu.memref_slice %arg9[%dma_start3A_54, %dma_start3A_55] : memref<160x128xi32, #tpu.memory_space<vmem>> -> memref<1x128xi32, #tpu.memory_space<vmem>>
      %dma_start3A_57 = tpu.memref_squeeze %dma_start3A_56 : memref<1x128xi32, #tpu.memory_space<vmem>> -> memref<128xi32, #tpu.memory_space<vmem>>
      %dma_start3A_58 = arith.constant 0 : i32
      %dma_start3A_59 = tpu.memref_slice %arg23[%dma_start3A_58] : memref<10240xf32, #tpu.memory_space<vmem_shared>> -> memref<10240xf32, #tpu.memory_space<vmem_shared>>
      tpu.enqueue_indirect_dma source(%arg10 : memref<128xf32, #tpu.memory_space<vmem>>) target(%dma_start3A_59 : memref<10240xf32, #tpu.memory_space<vmem_shared>>) offsets(%dma_start3A_57 : memref<128xi32, #tpu.memory_space<vmem>>) semaphore(%arg32 : memref<!tpu.dma_semaphore, #tpu.memory_space<semaphore_mem>>) {add = true}
      %dma_wait3A_60 = arith.constant 0 : i32
      %dma_wait3A_61 = tpu.memref_slice %arg8[%dma_wait3A_60] : memref<20480xi32, #tpu.memory_space<vmem>> -> memref<128xi32, #tpu.memory_space<vmem>>
      %dma_wait3A_62 = arith.constant 0 : i32
      %dma_wait3A_63 = tpu.memref_slice %arg4[%dma_wait3A_62] : memref<10240xf32, #tpu.memory_space<hbm>> -> memref<10240xf32, #tpu.memory_space<hbm>>
      tpu.wait_indirect_dma semaphore(%arg25 : memref<!tpu.dma_semaphore, #tpu.memory_space<semaphore_mem>>) src(%dma_wait3A_63 : memref<10240xf32, #tpu.memory_space<hbm>>) dst(%arg11 : memref<128xf32, #tpu.memory_space<vmem>>)
      %dma_start3A_64 = arith.constant 145 : i32
      %dma_start3A_65 = arith.constant 0 : i32
      %dma_start3A_66 = tpu.memref_slice %arg9[%dma_start3A_64, %dma_start3A_65] : memref<160x128xi32, #tpu.memory_space<vmem>> -> memref<1x128xi32, #tpu.memory_space<vmem>>
      %dma_start3A_67 = tpu.memref_squeeze %dma_start3A_66 : memref<1x128xi32, #tpu.memory_space<vmem>> -> memref<128xi32, #tpu.memory_space<vmem>>
      %dma_start3A_68 = arith.constant 0 : i32
      %dma_start3A_69 = tpu.memref_slice %arg23[%dma_start3A_68] : memref<10240xf32, #tpu.memory_space<vmem_shared>> -> memref<10240xf32, #tpu.memory_space<vmem_shared>>
      tpu.enqueue_indirect_dma source(%arg11 : memref<128xf32, #tpu.memory_space<vmem>>) target(%dma_start3A_69 : memref<10240xf32, #tpu.memory_space<vmem_shared>>) offsets(%dma_start3A_67 : memref<128xi32, #tpu.memory_space<vmem>>) semaphore(%arg33 : memref<!tpu.dma_semaphore, #tpu.memory_space<semaphore_mem>>) {add = true}
      %dma_wait3A_70 = arith.constant 0 : i32
      %dma_wait3A_71 = tpu.memref_slice %arg8[%dma_wait3A_70] : memref<20480xi32, #tpu.memory_space<vmem>> -> memref<128xi32, #tpu.memory_space<vmem>>
      %dma_wait3A_72 = arith.constant 0 : i32
      %dma_wait3A_73 = tpu.memref_slice %arg4[%dma_wait3A_72] : memref<10240xf32, #tpu.memory_space<hbm>> -> memref<10240xf32, #tpu.memory_space<hbm>>
      tpu.wait_indirect_dma semaphore(%arg26 : memref<!tpu.dma_semaphore, #tpu.memory_space<semaphore_mem>>) src(%dma_wait3A_73 : memref<10240xf32, #tpu.memory_space<hbm>>) dst(%arg12 : memref<128xf32, #tpu.memory_space<vmem>>)
      %dma_start3A_74 = arith.constant 146 : i32
      %dma_start3A_75 = arith.constant 0 : i32
      %dma_start3A_76 = tpu.memref_slice %arg9[%dma_start3A_74, %dma_start3A_75] : memref<160x128xi32, #tpu.memory_space<vmem>> -> memref<1x128xi32, #tpu.memory_space<vmem>>
      %dma_start3A_77 = tpu.memref_squeeze %dma_start3A_76 : memref<1x128xi32, #tpu.memory_space<vmem>> -> memref<128xi32, #tpu.memory_space<vmem>>
      %dma_start3A_78 = arith.constant 0 : i32
      %dma_start3A_79 = tpu.memref_slice %arg23[%dma_start3A_78] : memref<10240xf32, #tpu.memory_space<vmem_shared>> -> memref<10240xf32, #tpu.memory_space<vmem_shared>>
      tpu.enqueue_indirect_dma source(%arg12 : memref<128xf32, #tpu.memory_space<vmem>>) target(%dma_start3A_79 : memref<10240xf32, #tpu.memory_space<vmem_shared>>) offsets(%dma_start3A_77 : memref<128xi32, #tpu.memory_space<vmem>>) semaphore(%arg34 : memref<!tpu.dma_semaphore, #tpu.memory_space<semaphore_mem>>) {add = true}
      %dma_wait3A_80 = arith.constant 0 : i32
      %dma_wait3A_81 = tpu.memref_slice %arg8[%dma_wait3A_80] : memref<20480xi32, #tpu.memory_space<vmem>> -> memref<128xi32, #tpu.memory_space<vmem>>
      %dma_wait3A_82 = arith.constant 0 : i32
      %dma_wait3A_83 = tpu.memref_slice %arg4[%dma_wait3A_82] : memref<10240xf32, #tpu.memory_space<hbm>> -> memref<10240xf32, #tpu.memory_space<hbm>>
      tpu.wait_indirect_dma semaphore(%arg27 : memref<!tpu.dma_semaphore, #tpu.memory_space<semaphore_mem>>) src(%dma_wait3A_83 : memref<10240xf32, #tpu.memory_space<hbm>>) dst(%arg13 : memref<128xf32, #tpu.memory_space<vmem>>)
      %dma_start3A_84 = arith.constant 147 : i32
      %dma_start3A_85 = arith.constant 0 : i32
      %dma_start3A_86 = tpu.memref_slice %arg9[%dma_start3A_84, %dma_start3A_85] : memref<160x128xi32, #tpu.memory_space<vmem>> -> memref<1x128xi32, #tpu.memory_space<vmem>>
      %dma_start3A_87 = tpu.memref_squeeze %dma_start3A_86 : memref<1x128xi32, #tpu.memory_space<vmem>> -> memref<128xi32, #tpu.memory_space<vmem>>
      %dma_start3A_88 = arith.constant 0 : i32
      %dma_start3A_89 = tpu.memref_slice %arg23[%dma_start3A_88] : memref<10240xf32, #tpu.memory_space<vmem_shared>> -> memref<10240xf32, #tpu.memory_space<vmem_shared>>
      tpu.enqueue_indirect_dma source(%arg13 : memref<128xf32, #tpu.memory_space<vmem>>) target(%dma_start3A_89 : memref<10240xf32, #tpu.memory_space<vmem_shared>>) offsets(%dma_start3A_87 : memref<128xi32, #tpu.memory_space<vmem>>) semaphore(%arg35 : memref<!tpu.dma_semaphore, #tpu.memory_space<semaphore_mem>>) {add = true}
      %dma_wait3A_90 = arith.constant 0 : i32
      %dma_wait3A_91 = tpu.memref_slice %arg8[%dma_wait3A_90] : memref<20480xi32, #tpu.memory_space<vmem>> -> memref<128xi32, #tpu.memory_space<vmem>>
      %dma_wait3A_92 = arith.constant 0 : i32
      %dma_wait3A_93 = tpu.memref_slice %arg4[%dma_wait3A_92] : memref<10240xf32, #tpu.memory_space<hbm>> -> memref<10240xf32, #tpu.memory_space<hbm>>
      tpu.wait_indirect_dma semaphore(%arg28 : memref<!tpu.dma_semaphore, #tpu.memory_space<semaphore_mem>>) src(%dma_wait3A_93 : memref<10240xf32, #tpu.memory_space<hbm>>) dst(%arg14 : memref<128xf32, #tpu.memory_space<vmem>>)
      %dma_start3A_94 = arith.constant 148 : i32
      %dma_start3A_95 = arith.constant 0 : i32
      %dma_start3A_96 = tpu.memref_slice %arg9[%dma_start3A_94, %dma_start3A_95] : memref<160x128xi32, #tpu.memory_space<vmem>> -> memref<1x128xi32, #tpu.memory_space<vmem>>
      %dma_start3A_97 = tpu.memref_squeeze %dma_start3A_96 : memref<1x128xi32, #tpu.memory_space<vmem>> -> memref<128xi32, #tpu.memory_space<vmem>>
      %dma_start3A_98 = arith.constant 0 : i32
      %dma_start3A_99 = tpu.memref_slice %arg23[%dma_start3A_98] : memref<10240xf32, #tpu.memory_space<vmem_shared>> -> memref<10240xf32, #tpu.memory_space<vmem_shared>>
      tpu.enqueue_indirect_dma source(%arg14 : memref<128xf32, #tpu.memory_space<vmem>>) target(%dma_start3A_99 : memref<10240xf32, #tpu.memory_space<vmem_shared>>) offsets(%dma_start3A_97 : memref<128xi32, #tpu.memory_space<vmem>>) semaphore(%arg36 : memref<!tpu.dma_semaphore, #tpu.memory_space<semaphore_mem>>) {add = true}
      %dma_wait3A_100 = arith.constant 0 : i32
      %dma_wait3A_101 = tpu.memref_slice %arg8[%dma_wait3A_100] : memref<20480xi32, #tpu.memory_space<vmem>> -> memref<128xi32, #tpu.memory_space<vmem>>
      %dma_wait3A_102 = arith.constant 0 : i32
      %dma_wait3A_103 = tpu.memref_slice %arg4[%dma_wait3A_102] : memref<10240xf32, #tpu.memory_space<hbm>> -> memref<10240xf32, #tpu.memory_space<hbm>>
      tpu.wait_indirect_dma semaphore(%arg29 : memref<!tpu.dma_semaphore, #tpu.memory_space<semaphore_mem>>) src(%dma_wait3A_103 : memref<10240xf32, #tpu.memory_space<hbm>>) dst(%arg15 : memref<128xf32, #tpu.memory_space<vmem>>)
      %dma_start3A_104 = arith.constant 149 : i32
      %dma_start3A_105 = arith.constant 0 : i32
      %dma_start3A_106 = tpu.memref_slice %arg9[%dma_start3A_104, %dma_start3A_105] : memref<160x128xi32, #tpu.memory_space<vmem>> -> memref<1x128xi32, #tpu.memory_space<vmem>>
      %dma_start3A_107 = tpu.memref_squeeze %dma_start3A_106 : memref<1x128xi32, #tpu.memory_space<vmem>> -> memref<128xi32, #tpu.memory_space<vmem>>
      %dma_start3A_108 = arith.constant 0 : i32
      %dma_start3A_109 = tpu.memref_slice %arg23[%dma_start3A_108] : memref<10240xf32, #tpu.memory_space<vmem_shared>> -> memref<10240xf32, #tpu.memory_space<vmem_shared>>
      tpu.enqueue_indirect_dma source(%arg15 : memref<128xf32, #tpu.memory_space<vmem>>) target(%dma_start3A_109 : memref<10240xf32, #tpu.memory_space<vmem_shared>>) offsets(%dma_start3A_107 : memref<128xi32, #tpu.memory_space<vmem>>) semaphore(%arg37 : memref<!tpu.dma_semaphore, #tpu.memory_space<semaphore_mem>>) {add = true}
      %dma_wait3A_110 = arith.constant 0 : i32
      %dma_wait3A_111 = tpu.memref_slice %arg8[%dma_wait3A_110] : memref<20480xi32, #tpu.memory_space<vmem>> -> memref<128xi32, #tpu.memory_space<vmem>>
      %dma_wait3A_112 = arith.constant 0 : i32
      %dma_wait3A_113 = tpu.memref_slice %arg4[%dma_wait3A_112] : memref<10240xf32, #tpu.memory_space<hbm>> -> memref<10240xf32, #tpu.memory_space<hbm>>
      tpu.wait_indirect_dma semaphore(%arg30 : memref<!tpu.dma_semaphore, #tpu.memory_space<semaphore_mem>>) src(%dma_wait3A_113 : memref<10240xf32, #tpu.memory_space<hbm>>) dst(%arg16 : memref<128xf32, #tpu.memory_space<vmem>>)
      %dma_start3A_114 = arith.constant 150 : i32
      %dma_start3A_115 = arith.constant 0 : i32
      %dma_start3A_116 = tpu.memref_slice %arg9[%dma_start3A_114, %dma_start3A_115] : memref<160x128xi32, #tpu.memory_space<vmem>> -> memref<1x128xi32, #tpu.memory_space<vmem>>
      %dma_start3A_117 = tpu.memref_squeeze %dma_start3A_116 : memref<1x128xi32, #tpu.memory_space<vmem>> -> memref<128xi32, #tpu.memory_space<vmem>>
      %dma_start3A_118 = arith.constant 0 : i32
      %dma_start3A_119 = tpu.memref_slice %arg23[%dma_start3A_118] : memref<10240xf32, #tpu.memory_space<vmem_shared>> -> memref<10240xf32, #tpu.memory_space<vmem_shared>>
      tpu.enqueue_indirect_dma source(%arg16 : memref<128xf32, #tpu.memory_space<vmem>>) target(%dma_start3A_119 : memref<10240xf32, #tpu.memory_space<vmem_shared>>) offsets(%dma_start3A_117 : memref<128xi32, #tpu.memory_space<vmem>>) semaphore(%arg38 : memref<!tpu.dma_semaphore, #tpu.memory_space<semaphore_mem>>) {add = true}
      %dma_wait3A_120 = arith.constant 0 : i32
      %dma_wait3A_121 = tpu.memref_slice %arg8[%dma_wait3A_120] : memref<20480xi32, #tpu.memory_space<vmem>> -> memref<128xi32, #tpu.memory_space<vmem>>
      %dma_wait3A_122 = arith.constant 0 : i32
      %dma_wait3A_123 = tpu.memref_slice %arg4[%dma_wait3A_122] : memref<10240xf32, #tpu.memory_space<hbm>> -> memref<10240xf32, #tpu.memory_space<hbm>>
      tpu.wait_indirect_dma semaphore(%arg31 : memref<!tpu.dma_semaphore, #tpu.memory_space<semaphore_mem>>) src(%dma_wait3A_123 : memref<10240xf32, #tpu.memory_space<hbm>>) dst(%arg17 : memref<128xf32, #tpu.memory_space<vmem>>)
      %dma_start3A_124 = arith.constant 151 : i32
      %dma_start3A_125 = arith.constant 0 : i32
      %dma_start3A_126 = tpu.memref_slice %arg9[%dma_start3A_124, %dma_start3A_125] : memref<160x128xi32, #tpu.memory_space<vmem>> -> memref<1x128xi32, #tpu.memory_space<vmem>>
      %dma_start3A_127 = tpu.memref_squeeze %dma_start3A_126 : memref<1x128xi32, #tpu.memory_space<vmem>> -> memref<128xi32, #tpu.memory_space<vmem>>
      %dma_start3A_128 = arith.constant 0 : i32
      %dma_start3A_129 = tpu.memref_slice %arg23[%dma_start3A_128] : memref<10240xf32, #tpu.memory_space<vmem_shared>> -> memref<10240xf32, #tpu.memory_space<vmem_shared>>
      tpu.enqueue_indirect_dma source(%arg17 : memref<128xf32, #tpu.memory_space<vmem>>) target(%dma_start3A_129 : memref<10240xf32, #tpu.memory_space<vmem_shared>>) offsets(%dma_start3A_127 : memref<128xi32, #tpu.memory_space<vmem>>) semaphore(%arg39 : memref<!tpu.dma_semaphore, #tpu.memory_space<semaphore_mem>>) {add = true}
      %dma_wait3A_130 = arith.constant 0 : i32
      %dma_wait3A_131 = arith.constant 0 : i32
      %dma_wait3A_132 = tpu.memref_slice %arg9[%dma_wait3A_130, %dma_wait3A_131] : memref<160x128xi32, #tpu.memory_space<vmem>> -> memref<1x128xi32, #tpu.memory_space<vmem>>
      %dma_wait3A_133 = tpu.memref_squeeze %dma_wait3A_132 : memref<1x128xi32, #tpu.memory_space<vmem>> -> memref<128xi32, #tpu.memory_space<vmem>>
      %dma_wait3A_134 = arith.constant 0 : i32
      %dma_wait3A_135 = tpu.memref_slice %arg23[%dma_wait3A_134] : memref<10240xf32, #tpu.memory_space<vmem_shared>> -> memref<10240xf32, #tpu.memory_space<vmem_shared>>
      tpu.wait_indirect_dma semaphore(%arg32 : memref<!tpu.dma_semaphore, #tpu.memory_space<semaphore_mem>>) src(%arg10 : memref<128xf32, #tpu.memory_space<vmem>>) dst(%dma_wait3A_135 : memref<10240xf32, #tpu.memory_space<vmem_shared>>)
      %dma_start3A_136 = arith.constant 19456 : i32
      %dma_start3A_137 = tpu.memref_slice %arg8[%dma_start3A_136] : memref<20480xi32, #tpu.memory_space<vmem>> -> memref<128xi32, #tpu.memory_space<vmem>>
      %dma_start3A_138 = arith.constant 0 : i32
      %dma_start3A_139 = tpu.memref_slice %arg4[%dma_start3A_138] : memref<10240xf32, #tpu.memory_space<hbm>> -> memref<10240xf32, #tpu.memory_space<hbm>>
      tpu.enqueue_indirect_dma source(%dma_start3A_139 : memref<10240xf32, #tpu.memory_space<hbm>>) target(%arg10 : memref<128xf32, #tpu.memory_space<vmem>>) offsets(%dma_start3A_137 : memref<128xi32, #tpu.memory_space<vmem>>) semaphore(%arg24 : memref<!tpu.dma_semaphore, #tpu.memory_space<semaphore_mem>>)
      %dma_wait3A_140 = arith.constant 0 : i32
      %dma_wait3A_141 = arith.constant 0 : i32
      %dma_wait3A_142 = tpu.memref_slice %arg9[%dma_wait3A_140, %dma_wait3A_141] : memref<160x128xi32, #tpu.memory_space<vmem>> -> memref<1x128xi32, #tpu.memory_space<vmem>>
      %dma_wait3A_143 = tpu.memref_squeeze %dma_wait3A_142 : memref<1x128xi32, #tpu.memory_space<vmem>> -> memref<128xi32, #tpu.memory_space<vmem>>
      %dma_wait3A_144 = arith.constant 0 : i32
      %dma_wait3A_145 = tpu.memref_slice %arg23[%dma_wait3A_144] : memref<10240xf32, #tpu.memory_space<vmem_shared>> -> memref<10240xf32, #tpu.memory_space<vmem_shared>>
      tpu.wait_indirect_dma semaphore(%arg33 : memref<!tpu.dma_semaphore, #tpu.memory_space<semaphore_mem>>) src(%arg11 : memref<128xf32, #tpu.memory_space<vmem>>) dst(%dma_wait3A_145 : memref<10240xf32, #tpu.memory_space<vmem_shared>>)
      %dma_start3A_146 = arith.constant 19584 : i32
      %dma_start3A_147 = tpu.memref_slice %arg8[%dma_start3A_146] : memref<20480xi32, #tpu.memory_space<vmem>> -> memref<128xi32, #tpu.memory_space<vmem>>
      %dma_start3A_148 = arith.constant 0 : i32
      %dma_start3A_149 = tpu.memref_slice %arg4[%dma_start3A_148] : memref<10240xf32, #tpu.memory_space<hbm>> -> memref<10240xf32, #tpu.memory_space<hbm>>
      tpu.enqueue_indirect_dma source(%dma_start3A_149 : memref<10240xf32, #tpu.memory_space<hbm>>) target(%arg11 : memref<128xf32, #tpu.memory_space<vmem>>) offsets(%dma_start3A_147 : memref<128xi32, #tpu.memory_space<vmem>>) semaphore(%arg25 : memref<!tpu.dma_semaphore, #tpu.memory_space<semaphore_mem>>)
      %dma_wait3A_150 = arith.constant 0 : i32
      %dma_wait3A_151 = arith.constant 0 : i32
      %dma_wait3A_152 = tpu.memref_slice %arg9[%dma_wait3A_150, %dma_wait3A_151] : memref<160x128xi32, #tpu.memory_space<vmem>> -> memref<1x128xi32, #tpu.memory_space<vmem>>
      %dma_wait3A_153 = tpu.memref_squeeze %dma_wait3A_152 : memref<1x128xi32, #tpu.memory_space<vmem>> -> memref<128xi32, #tpu.memory_space<vmem>>
      %dma_wait3A_154 = arith.constant 0 : i32
      %dma_wait3A_155 = tpu.memref_slice %arg23[%dma_wait3A_154] : memref<10240xf32, #tpu.memory_space<vmem_shared>> -> memref<10240xf32, #tpu.memory_space<vmem_shared>>
      tpu.wait_indirect_dma semaphore(%arg34 : memref<!tpu.dma_semaphore, #tpu.memory_space<semaphore_mem>>) src(%arg12 : memref<128xf32, #tpu.memory_space<vmem>>) dst(%dma_wait3A_155 : memref<10240xf32, #tpu.memory_space<vmem_shared>>)
      %dma_start3A_156 = arith.constant 19712 : i32
      %dma_start3A_157 = tpu.memref_slice %arg8[%dma_start3A_156] : memref<20480xi32, #tpu.memory_space<vmem>> -> memref<128xi32, #tpu.memory_space<vmem>>
      %dma_start3A_158 = arith.constant 0 : i32
      %dma_start3A_159 = tpu.memref_slice %arg4[%dma_start3A_158] : memref<10240xf32, #tpu.memory_space<hbm>> -> memref<10240xf32, #tpu.memory_space<hbm>>
      tpu.enqueue_indirect_dma source(%dma_start3A_159 : memref<10240xf32, #tpu.memory_space<hbm>>) target(%arg12 : memref<128xf32, #tpu.memory_space<vmem>>) offsets(%dma_start3A_157 : memref<128xi32, #tpu.memory_space<vmem>>) semaphore(%arg26 : memref<!tpu.dma_semaphore, #tpu.memory_space<semaphore_mem>>)
      %dma_wait3A_160 = arith.constant 0 : i32
      %dma_wait3A_161 = arith.constant 0 : i32
      %dma_wait3A_162 = tpu.memref_slice %arg9[%dma_wait3A_160, %dma_wait3A_161] : memref<160x128xi32, #tpu.memory_space<vmem>> -> memref<1x128xi32, #tpu.memory_space<vmem>>
      %dma_wait3A_163 = tpu.memref_squeeze %dma_wait3A_162 : memref<1x128xi32, #tpu.memory_space<vmem>> -> memref<128xi32, #tpu.memory_space<vmem>>
      %dma_wait3A_164 = arith.constant 0 : i32
      %dma_wait3A_165 = tpu.memref_slice %arg23[%dma_wait3A_164] : memref<10240xf32, #tpu.memory_space<vmem_shared>> -> memref<10240xf32, #tpu.memory_space<vmem_shared>>
      tpu.wait_indirect_dma semaphore(%arg35 : memref<!tpu.dma_semaphore, #tpu.memory_space<semaphore_mem>>) src(%arg13 : memref<128xf32, #tpu.memory_space<vmem>>) dst(%dma_wait3A_165 : memref<10240xf32, #tpu.memory_space<vmem_shared>>)
      %dma_start3A_166 = arith.constant 19840 : i32
      %dma_start3A_167 = tpu.memref_slice %arg8[%dma_start3A_166] : memref<20480xi32, #tpu.memory_space<vmem>> -> memref<128xi32, #tpu.memory_space<vmem>>
      %dma_start3A_168 = arith.constant 0 : i32
      %dma_start3A_169 = tpu.memref_slice %arg4[%dma_start3A_168] : memref<10240xf32, #tpu.memory_space<hbm>> -> memref<10240xf32, #tpu.memory_space<hbm>>
      tpu.enqueue_indirect_dma source(%dma_start3A_169 : memref<10240xf32, #tpu.memory_space<hbm>>) target(%arg13 : memref<128xf32, #tpu.memory_space<vmem>>) offsets(%dma_start3A_167 : memref<128xi32, #tpu.memory_space<vmem>>) semaphore(%arg27 : memref<!tpu.dma_semaphore, #tpu.memory_space<semaphore_mem>>)
      %dma_wait3A_170 = arith.constant 0 : i32
      %dma_wait3A_171 = arith.constant 0 : i32
      %dma_wait3A_172 = tpu.memref_slice %arg9[%dma_wait3A_170, %dma_wait3A_171] : memref<160x128xi32, #tpu.memory_space<vmem>> -> memref<1x128xi32, #tpu.memory_space<vmem>>
      %dma_wait3A_173 = tpu.memref_squeeze %dma_wait3A_172 : memref<1x128xi32, #tpu.memory_space<vmem>> -> memref<128xi32, #tpu.memory_space<vmem>>
      %dma_wait3A_174 = arith.constant 0 : i32
      %dma_wait3A_175 = tpu.memref_slice %arg23[%dma_wait3A_174] : memref<10240xf32, #tpu.memory_space<vmem_shared>> -> memref<10240xf32, #tpu.memory_space<vmem_shared>>
      tpu.wait_indirect_dma semaphore(%arg36 : memref<!tpu.dma_semaphore, #tpu.memory_space<semaphore_mem>>) src(%arg14 : memref<128xf32, #tpu.memory_space<vmem>>) dst(%dma_wait3A_175 : memref<10240xf32, #tpu.memory_space<vmem_shared>>)
      %dma_start3A_176 = arith.constant 19968 : i32
      %dma_start3A_177 = tpu.memref_slice %arg8[%dma_start3A_176] : memref<20480xi32, #tpu.memory_space<vmem>> -> memref<128xi32, #tpu.memory_space<vmem>>
      %dma_start3A_178 = arith.constant 0 : i32
      %dma_start3A_179 = tpu.memref_slice %arg4[%dma_start3A_178] : memref<10240xf32, #tpu.memory_space<hbm>> -> memref<10240xf32, #tpu.memory_space<hbm>>
      tpu.enqueue_indirect_dma source(%dma_start3A_179 : memref<10240xf32, #tpu.memory_space<hbm>>) target(%arg14 : memref<128xf32, #tpu.memory_space<vmem>>) offsets(%dma_start3A_177 : memref<128xi32, #tpu.memory_space<vmem>>) semaphore(%arg28 : memref<!tpu.dma_semaphore, #tpu.memory_space<semaphore_mem>>)
      %dma_wait3A_180 = arith.constant 0 : i32
      %dma_wait3A_181 = arith.constant 0 : i32
      %dma_wait3A_182 = tpu.memref_slice %arg9[%dma_wait3A_180, %dma_wait3A_181] : memref<160x128xi32, #tpu.memory_space<vmem>> -> memref<1x128xi32, #tpu.memory_space<vmem>>
      %dma_wait3A_183 = tpu.memref_squeeze %dma_wait3A_182 : memref<1x128xi32, #tpu.memory_space<vmem>> -> memref<128xi32, #tpu.memory_space<vmem>>
      %dma_wait3A_184 = arith.constant 0 : i32
      %dma_wait3A_185 = tpu.memref_slice %arg23[%dma_wait3A_184] : memref<10240xf32, #tpu.memory_space<vmem_shared>> -> memref<10240xf32, #tpu.memory_space<vmem_shared>>
      tpu.wait_indirect_dma semaphore(%arg37 : memref<!tpu.dma_semaphore, #tpu.memory_space<semaphore_mem>>) src(%arg15 : memref<128xf32, #tpu.memory_space<vmem>>) dst(%dma_wait3A_185 : memref<10240xf32, #tpu.memory_space<vmem_shared>>)
      %dma_start3A_186 = arith.constant 20096 : i32
      %dma_start3A_187 = tpu.memref_slice %arg8[%dma_start3A_186] : memref<20480xi32, #tpu.memory_space<vmem>> -> memref<128xi32, #tpu.memory_space<vmem>>
      %dma_start3A_188 = arith.constant 0 : i32
      %dma_start3A_189 = tpu.memref_slice %arg4[%dma_start3A_188] : memref<10240xf32, #tpu.memory_space<hbm>> -> memref<10240xf32, #tpu.memory_space<hbm>>
      tpu.enqueue_indirect_dma source(%dma_start3A_189 : memref<10240xf32, #tpu.memory_space<hbm>>) target(%arg15 : memref<128xf32, #tpu.memory_space<vmem>>) offsets(%dma_start3A_187 : memref<128xi32, #tpu.memory_space<vmem>>) semaphore(%arg29 : memref<!tpu.dma_semaphore, #tpu.memory_space<semaphore_mem>>)
      %dma_wait3A_190 = arith.constant 0 : i32
      %dma_wait3A_191 = arith.constant 0 : i32
      %dma_wait3A_192 = tpu.memref_slice %arg9[%dma_wait3A_190, %dma_wait3A_191] : memref<160x128xi32, #tpu.memory_space<vmem>> -> memref<1x128xi32, #tpu.memory_space<vmem>>
      %dma_wait3A_193 = tpu.memref_squeeze %dma_wait3A_192 : memref<1x128xi32, #tpu.memory_space<vmem>> -> memref<128xi32, #tpu.memory_space<vmem>>
      %dma_wait3A_194 = arith.constant 0 : i32
      %dma_wait3A_195 = tpu.memref_slice %arg23[%dma_wait3A_194] : memref<10240xf32, #tpu.memory_space<vmem_shared>> -> memref<10240xf32, #tpu.memory_space<vmem_shared>>
      tpu.wait_indirect_dma semaphore(%arg38 : memref<!tpu.dma_semaphore, #tpu.memory_space<semaphore_mem>>) src(%arg16 : memref<128xf32, #tpu.memory_space<vmem>>) dst(%dma_wait3A_195 : memref<10240xf32, #tpu.memory_space<vmem_shared>>)
      %dma_start3A_196 = arith.constant 20224 : i32
      %dma_start3A_197 = tpu.memref_slice %arg8[%dma_start3A_196] : memref<20480xi32, #tpu.memory_space<vmem>> -> memref<128xi32, #tpu.memory_space<vmem>>
      %dma_start3A_198 = arith.constant 0 : i32
      %dma_start3A_199 = tpu.memref_slice %arg4[%dma_start3A_198] : memref<10240xf32, #tpu.memory_space<hbm>> -> memref<10240xf32, #tpu.memory_space<hbm>>
      tpu.enqueue_indirect_dma source(%dma_start3A_199 : memref<10240xf32, #tpu.memory_space<hbm>>) target(%arg16 : memref<128xf32, #tpu.memory_space<vmem>>) offsets(%dma_start3A_197 : memref<128xi32, #tpu.memory_space<vmem>>) semaphore(%arg30 : memref<!tpu.dma_semaphore, #tpu.memory_space<semaphore_mem>>)
      %dma_wait3A_200 = arith.constant 0 : i32
      %dma_wait3A_201 = arith.constant 0 : i32
      %dma_wait3A_202 = tpu.memref_slice %arg9[%dma_wait3A_200, %dma_wait3A_201] : memref<160x128xi32, #tpu.memory_space<vmem>> -> memref<1x128xi32, #tpu.memory_space<vmem>>
      %dma_wait3A_203 = tpu.memref_squeeze %dma_wait3A_202 : memref<1x128xi32, #tpu.memory_space<vmem>> -> memref<128xi32, #tpu.memory_space<vmem>>
      %dma_wait3A_204 = arith.constant 0 : i32
      %dma_wait3A_205 = tpu.memref_slice %arg23[%dma_wait3A_204] : memref<10240xf32, #tpu.memory_space<vmem_shared>> -> memref<10240xf32, #tpu.memory_space<vmem_shared>>
      tpu.wait_indirect_dma semaphore(%arg39 : memref<!tpu.dma_semaphore, #tpu.memory_space<semaphore_mem>>) src(%arg17 : memref<128xf32, #tpu.memory_space<vmem>>) dst(%dma_wait3A_205 : memref<10240xf32, #tpu.memory_space<vmem_shared>>)
      %dma_start3A_206 = arith.constant 20352 : i32
      %dma_start3A_207 = tpu.memref_slice %arg8[%dma_start3A_206] : memref<20480xi32, #tpu.memory_space<vmem>> -> memref<128xi32, #tpu.memory_space<vmem>>
      %dma_start3A_208 = arith.constant 0 : i32
      %dma_start3A_209 = tpu.memref_slice %arg4[%dma_start3A_208] : memref<10240xf32, #tpu.memory_space<hbm>> -> memref<10240xf32, #tpu.memory_space<hbm>>
      tpu.enqueue_indirect_dma source(%dma_start3A_209 : memref<10240xf32, #tpu.memory_space<hbm>>) target(%arg17 : memref<128xf32, #tpu.memory_space<vmem>>) offsets(%dma_start3A_207 : memref<128xi32, #tpu.memory_space<vmem>>) semaphore(%arg31 : memref<!tpu.dma_semaphore, #tpu.memory_space<semaphore_mem>>)
      %dma_wait3A_210 = arith.constant 0 : i32
      %dma_wait3A_211 = tpu.memref_slice %arg8[%dma_wait3A_210] : memref<20480xi32, #tpu.memory_space<vmem>> -> memref<128xi32, #tpu.memory_space<vmem>>
      %dma_wait3A_212 = arith.constant 0 : i32
      %dma_wait3A_213 = tpu.memref_slice %arg4[%dma_wait3A_212] : memref<10240xf32, #tpu.memory_space<hbm>> -> memref<10240xf32, #tpu.memory_space<hbm>>
      tpu.wait_indirect_dma semaphore(%arg24 : memref<!tpu.dma_semaphore, #tpu.memory_space<semaphore_mem>>) src(%dma_wait3A_213 : memref<10240xf32, #tpu.memory_space<hbm>>) dst(%arg10 : memref<128xf32, #tpu.memory_space<vmem>>)
      %dma_start3A_214 = arith.constant 152 : i32
      %dma_start3A_215 = arith.constant 0 : i32
      %dma_start3A_216 = tpu.memref_slice %arg9[%dma_start3A_214, %dma_start3A_215] : memref<160x128xi32, #tpu.memory_space<vmem>> -> memref<1x128xi32, #tpu.memory_space<vmem>>
      %dma_start3A_217 = tpu.memref_squeeze %dma_start3A_216 : memref<1x128xi32, #tpu.memory_space<vmem>> -> memref<128xi32, #tpu.memory_space<vmem>>
      %dma_start3A_218 = arith.constant 0 : i32
      %dma_start3A_219 = tpu.memref_slice %arg23[%dma_start3A_218] : memref<10240xf32, #tpu.memory_space<vmem_shared>> -> memref<10240xf32, #tpu.memory_space<vmem_shared>>
      tpu.enqueue_indirect_dma source(%arg10 : memref<128xf32, #tpu.memory_space<vmem>>) target(%dma_start3A_219 : memref<10240xf32, #tpu.memory_space<vmem_shared>>) offsets(%dma_start3A_217 : memref<128xi32, #tpu.memory_space<vmem>>) semaphore(%arg32 : memref<!tpu.dma_semaphore, #tpu.memory_space<semaphore_mem>>) {add = true}
      %dma_wait3A_220 = arith.constant 0 : i32
      %dma_wait3A_221 = tpu.memref_slice %arg8[%dma_wait3A_220] : memref<20480xi32, #tpu.memory_space<vmem>> -> memref<128xi32, #tpu.memory_space<vmem>>
      %dma_wait3A_222 = arith.constant 0 : i32
      %dma_wait3A_223 = tpu.memref_slice %arg4[%dma_wait3A_222] : memref<10240xf32, #tpu.memory_space<hbm>> -> memref<10240xf32, #tpu.memory_space<hbm>>
      tpu.wait_indirect_dma semaphore(%arg25 : memref<!tpu.dma_semaphore, #tpu.memory_space<semaphore_mem>>) src(%dma_wait3A_223 : memref<10240xf32, #tpu.memory_space<hbm>>) dst(%arg11 : memref<128xf32, #tpu.memory_space<vmem>>)
      %dma_start3A_224 = arith.constant 153 : i32
      %dma_start3A_225 = arith.constant 0 : i32
      %dma_start3A_226 = tpu.memref_slice %arg9[%dma_start3A_224, %dma_start3A_225] : memref<160x128xi32, #tpu.memory_space<vmem>> -> memref<1x128xi32, #tpu.memory_space<vmem>>
      %dma_start3A_227 = tpu.memref_squeeze %dma_start3A_226 : memref<1x128xi32, #tpu.memory_space<vmem>> -> memref<128xi32, #tpu.memory_space<vmem>>
      %dma_start3A_228 = arith.constant 0 : i32
      %dma_start3A_229 = tpu.memref_slice %arg23[%dma_start3A_228] : memref<10240xf32, #tpu.memory_space<vmem_shared>> -> memref<10240xf32, #tpu.memory_space<vmem_shared>>
      tpu.enqueue_indirect_dma source(%arg11 : memref<128xf32, #tpu.memory_space<vmem>>) target(%dma_start3A_229 : memref<10240xf32, #tpu.memory_space<vmem_shared>>) offsets(%dma_start3A_227 : memref<128xi32, #tpu.memory_space<vmem>>) semaphore(%arg33 : memref<!tpu.dma_semaphore, #tpu.memory_space<semaphore_mem>>) {add = true}
      %dma_wait3A_230 = arith.constant 0 : i32
      %dma_wait3A_231 = tpu.memref_slice %arg8[%dma_wait3A_230] : memref<20480xi32, #tpu.memory_space<vmem>> -> memref<128xi32, #tpu.memory_space<vmem>>
      %dma_wait3A_232 = arith.constant 0 : i32
      %dma_wait3A_233 = tpu.memref_slice %arg4[%dma_wait3A_232] : memref<10240xf32, #tpu.memory_space<hbm>> -> memref<10240xf32, #tpu.memory_space<hbm>>
      tpu.wait_indirect_dma semaphore(%arg26 : memref<!tpu.dma_semaphore, #tpu.memory_space<semaphore_mem>>) src(%dma_wait3A_233 : memref<10240xf32, #tpu.memory_space<hbm>>) dst(%arg12 : memref<128xf32, #tpu.memory_space<vmem>>)
      %dma_start3A_234 = arith.constant 154 : i32
      %dma_start3A_235 = arith.constant 0 : i32
      %dma_start3A_236 = tpu.memref_slice %arg9[%dma_start3A_234, %dma_start3A_235] : memref<160x128xi32, #tpu.memory_space<vmem>> -> memref<1x128xi32, #tpu.memory_space<vmem>>
      %dma_start3A_237 = tpu.memref_squeeze %dma_start3A_236 : memref<1x128xi32, #tpu.memory_space<vmem>> -> memref<128xi32, #tpu.memory_space<vmem>>
      %dma_start3A_238 = arith.constant 0 : i32
      %dma_start3A_239 = tpu.memref_slice %arg23[%dma_start3A_238] : memref<10240xf32, #tpu.memory_space<vmem_shared>> -> memref<10240xf32, #tpu.memory_space<vmem_shared>>
      tpu.enqueue_indirect_dma source(%arg12 : memref<128xf32, #tpu.memory_space<vmem>>) target(%dma_start3A_239 : memref<10240xf32, #tpu.memory_space<vmem_shared>>) offsets(%dma_start3A_237 : memref<128xi32, #tpu.memory_space<vmem>>) semaphore(%arg34 : memref<!tpu.dma_semaphore, #tpu.memory_space<semaphore_mem>>) {add = true}
      %dma_wait3A_240 = arith.constant 0 : i32
      %dma_wait3A_241 = tpu.memref_slice %arg8[%dma_wait3A_240] : memref<20480xi32, #tpu.memory_space<vmem>> -> memref<128xi32, #tpu.memory_space<vmem>>
      %dma_wait3A_242 = arith.constant 0 : i32
      %dma_wait3A_243 = tpu.memref_slice %arg4[%dma_wait3A_242] : memref<10240xf32, #tpu.memory_space<hbm>> -> memref<10240xf32, #tpu.memory_space<hbm>>
      tpu.wait_indirect_dma semaphore(%arg27 : memref<!tpu.dma_semaphore, #tpu.memory_space<semaphore_mem>>) src(%dma_wait3A_243 : memref<10240xf32, #tpu.memory_space<hbm>>) dst(%arg13 : memref<128xf32, #tpu.memory_space<vmem>>)
      %dma_start3A_244 = arith.constant 155 : i32
      %dma_start3A_245 = arith.constant 0 : i32
      %dma_start3A_246 = tpu.memref_slice %arg9[%dma_start3A_244, %dma_start3A_245] : memref<160x128xi32, #tpu.memory_space<vmem>> -> memref<1x128xi32, #tpu.memory_space<vmem>>
      %dma_start3A_247 = tpu.memref_squeeze %dma_start3A_246 : memref<1x128xi32, #tpu.memory_space<vmem>> -> memref<128xi32, #tpu.memory_space<vmem>>
      %dma_start3A_248 = arith.constant 0 : i32
      %dma_start3A_249 = tpu.memref_slice %arg23[%dma_start3A_248] : memref<10240xf32, #tpu.memory_space<vmem_shared>> -> memref<10240xf32, #tpu.memory_space<vmem_shared>>
      tpu.enqueue_indirect_dma source(%arg13 : memref<128xf32, #tpu.memory_space<vmem>>) target(%dma_start3A_249 : memref<10240xf32, #tpu.memory_space<vmem_shared>>) offsets(%dma_start3A_247 : memref<128xi32, #tpu.memory_space<vmem>>) semaphore(%arg35 : memref<!tpu.dma_semaphore, #tpu.memory_space<semaphore_mem>>) {add = true}
      %dma_wait3A_250 = arith.constant 0 : i32
      %dma_wait3A_251 = tpu.memref_slice %arg8[%dma_wait3A_250] : memref<20480xi32, #tpu.memory_space<vmem>> -> memref<128xi32, #tpu.memory_space<vmem>>
      %dma_wait3A_252 = arith.constant 0 : i32
      %dma_wait3A_253 = tpu.memref_slice %arg4[%dma_wait3A_252] : memref<10240xf32, #tpu.memory_space<hbm>> -> memref<10240xf32, #tpu.memory_space<hbm>>
      tpu.wait_indirect_dma semaphore(%arg28 : memref<!tpu.dma_semaphore, #tpu.memory_space<semaphore_mem>>) src(%dma_wait3A_253 : memref<10240xf32, #tpu.memory_space<hbm>>) dst(%arg14 : memref<128xf32, #tpu.memory_space<vmem>>)
      %dma_start3A_254 = arith.constant 156 : i32
      %dma_start3A_255 = arith.constant 0 : i32
      %dma_start3A_256 = tpu.memref_slice %arg9[%dma_start3A_254, %dma_start3A_255] : memref<160x128xi32, #tpu.memory_space<vmem>> -> memref<1x128xi32, #tpu.memory_space<vmem>>
      %dma_start3A_257 = tpu.memref_squeeze %dma_start3A_256 : memref<1x128xi32, #tpu.memory_space<vmem>> -> memref<128xi32, #tpu.memory_space<vmem>>
      %dma_start3A_258 = arith.constant 0 : i32
      %dma_start3A_259 = tpu.memref_slice %arg23[%dma_start3A_258] : memref<10240xf32, #tpu.memory_space<vmem_shared>> -> memref<10240xf32, #tpu.memory_space<vmem_shared>>
      tpu.enqueue_indirect_dma source(%arg14 : memref<128xf32, #tpu.memory_space<vmem>>) target(%dma_start3A_259 : memref<10240xf32, #tpu.memory_space<vmem_shared>>) offsets(%dma_start3A_257 : memref<128xi32, #tpu.memory_space<vmem>>) semaphore(%arg36 : memref<!tpu.dma_semaphore, #tpu.memory_space<semaphore_mem>>) {add = true}
      %dma_wait3A_260 = arith.constant 0 : i32
      %dma_wait3A_261 = tpu.memref_slice %arg8[%dma_wait3A_260] : memref<20480xi32, #tpu.memory_space<vmem>> -> memref<128xi32, #tpu.memory_space<vmem>>
      %dma_wait3A_262 = arith.constant 0 : i32
      %dma_wait3A_263 = tpu.memref_slice %arg4[%dma_wait3A_262] : memref<10240xf32, #tpu.memory_space<hbm>> -> memref<10240xf32, #tpu.memory_space<hbm>>
      tpu.wait_indirect_dma semaphore(%arg29 : memref<!tpu.dma_semaphore, #tpu.memory_space<semaphore_mem>>) src(%dma_wait3A_263 : memref<10240xf32, #tpu.memory_space<hbm>>) dst(%arg15 : memref<128xf32, #tpu.memory_space<vmem>>)
      %dma_start3A_264 = arith.constant 157 : i32
      %dma_start3A_265 = arith.constant 0 : i32
      %dma_start3A_266 = tpu.memref_slice %arg9[%dma_start3A_264, %dma_start3A_265] : memref<160x128xi32, #tpu.memory_space<vmem>> -> memref<1x128xi32, #tpu.memory_space<vmem>>
      %dma_start3A_267 = tpu.memref_squeeze %dma_start3A_266 : memref<1x128xi32, #tpu.memory_space<vmem>> -> memref<128xi32, #tpu.memory_space<vmem>>
      %dma_start3A_268 = arith.constant 0 : i32
      %dma_start3A_269 = tpu.memref_slice %arg23[%dma_start3A_268] : memref<10240xf32, #tpu.memory_space<vmem_shared>> -> memref<10240xf32, #tpu.memory_space<vmem_shared>>
      tpu.enqueue_indirect_dma source(%arg15 : memref<128xf32, #tpu.memory_space<vmem>>) target(%dma_start3A_269 : memref<10240xf32, #tpu.memory_space<vmem_shared>>) offsets(%dma_start3A_267 : memref<128xi32, #tpu.memory_space<vmem>>) semaphore(%arg37 : memref<!tpu.dma_semaphore, #tpu.memory_space<semaphore_mem>>) {add = true}
      %dma_wait3A_270 = arith.constant 0 : i32
      %dma_wait3A_271 = tpu.memref_slice %arg8[%dma_wait3A_270] : memref<20480xi32, #tpu.memory_space<vmem>> -> memref<128xi32, #tpu.memory_space<vmem>>
      %dma_wait3A_272 = arith.constant 0 : i32
      %dma_wait3A_273 = tpu.memref_slice %arg4[%dma_wait3A_272] : memref<10240xf32, #tpu.memory_space<hbm>> -> memref<10240xf32, #tpu.memory_space<hbm>>
      tpu.wait_indirect_dma semaphore(%arg30 : memref<!tpu.dma_semaphore, #tpu.memory_space<semaphore_mem>>) src(%dma_wait3A_273 : memref<10240xf32, #tpu.memory_space<hbm>>) dst(%arg16 : memref<128xf32, #tpu.memory_space<vmem>>)
      %dma_start3A_274 = arith.constant 158 : i32
      %dma_start3A_275 = arith.constant 0 : i32
      %dma_start3A_276 = tpu.memref_slice %arg9[%dma_start3A_274, %dma_start3A_275] : memref<160x128xi32, #tpu.memory_space<vmem>> -> memref<1x128xi32, #tpu.memory_space<vmem>>
      %dma_start3A_277 = tpu.memref_squeeze %dma_start3A_276 : memref<1x128xi32, #tpu.memory_space<vmem>> -> memref<128xi32, #tpu.memory_space<vmem>>
      %dma_start3A_278 = arith.constant 0 : i32
      %dma_start3A_279 = tpu.memref_slice %arg23[%dma_start3A_278] : memref<10240xf32, #tpu.memory_space<vmem_shared>> -> memref<10240xf32, #tpu.memory_space<vmem_shared>>
      tpu.enqueue_indirect_dma source(%arg16 : memref<128xf32, #tpu.memory_space<vmem>>) target(%dma_start3A_279 : memref<10240xf32, #tpu.memory_space<vmem_shared>>) offsets(%dma_start3A_277 : memref<128xi32, #tpu.memory_space<vmem>>) semaphore(%arg38 : memref<!tpu.dma_semaphore, #tpu.memory_space<semaphore_mem>>) {add = true}
      %dma_wait3A_280 = arith.constant 0 : i32
      %dma_wait3A_281 = tpu.memref_slice %arg8[%dma_wait3A_280] : memref<20480xi32, #tpu.memory_space<vmem>> -> memref<128xi32, #tpu.memory_space<vmem>>
      %dma_wait3A_282 = arith.constant 0 : i32
      %dma_wait3A_283 = tpu.memref_slice %arg4[%dma_wait3A_282] : memref<10240xf32, #tpu.memory_space<hbm>> -> memref<10240xf32, #tpu.memory_space<hbm>>
      tpu.wait_indirect_dma semaphore(%arg31 : memref<!tpu.dma_semaphore, #tpu.memory_space<semaphore_mem>>) src(%dma_wait3A_283 : memref<10240xf32, #tpu.memory_space<hbm>>) dst(%arg17 : memref<128xf32, #tpu.memory_space<vmem>>)
      %dma_start3A_284 = arith.constant 159 : i32
      %dma_start3A_285 = arith.constant 0 : i32
      %dma_start3A_286 = tpu.memref_slice %arg9[%dma_start3A_284, %dma_start3A_285] : memref<160x128xi32, #tpu.memory_space<vmem>> -> memref<1x128xi32, #tpu.memory_space<vmem>>
      %dma_start3A_287 = tpu.memref_squeeze %dma_start3A_286 : memref<1x128xi32, #tpu.memory_space<vmem>> -> memref<128xi32, #tpu.memory_space<vmem>>
      %dma_start3A_288 = arith.constant 0 : i32
      %dma_start3A_289 = tpu.memref_slice %arg23[%dma_start3A_288] : memref<10240xf32, #tpu.memory_space<vmem_shared>> -> memref<10240xf32, #tpu.memory_space<vmem_shared>>
      tpu.enqueue_indirect_dma source(%arg17 : memref<128xf32, #tpu.memory_space<vmem>>) target(%dma_start3A_289 : memref<10240xf32, #tpu.memory_space<vmem_shared>>) offsets(%dma_start3A_287 : memref<128xi32, #tpu.memory_space<vmem>>) semaphore(%arg39 : memref<!tpu.dma_semaphore, #tpu.memory_space<semaphore_mem>>) {add = true}
      %dma_wait3A_290 = arith.constant 0 : i32
      %dma_wait3A_291 = arith.constant 0 : i32
      %dma_wait3A_292 = tpu.memref_slice %arg9[%dma_wait3A_290, %dma_wait3A_291] : memref<160x128xi32, #tpu.memory_space<vmem>> -> memref<1x128xi32, #tpu.memory_space<vmem>>
      %dma_wait3A_293 = tpu.memref_squeeze %dma_wait3A_292 : memref<1x128xi32, #tpu.memory_space<vmem>> -> memref<128xi32, #tpu.memory_space<vmem>>
      %dma_wait3A_294 = arith.constant 0 : i32
      %dma_wait3A_295 = tpu.memref_slice %arg23[%dma_wait3A_294] : memref<10240xf32, #tpu.memory_space<vmem_shared>> -> memref<10240xf32, #tpu.memory_space<vmem_shared>>
      tpu.wait_indirect_dma semaphore(%arg32 : memref<!tpu.dma_semaphore, #tpu.memory_space<semaphore_mem>>) src(%arg10 : memref<128xf32, #tpu.memory_space<vmem>>) dst(%dma_wait3A_295 : memref<10240xf32, #tpu.memory_space<vmem_shared>>)
      %dma_wait3A_296 = arith.constant 0 : i32
      %dma_wait3A_297 = arith.constant 0 : i32
      %dma_wait3A_298 = tpu.memref_slice %arg9[%dma_wait3A_296, %dma_wait3A_297] : memref<160x128xi32, #tpu.memory_space<vmem>> -> memref<1x128xi32, #tpu.memory_space<vmem>>
      %dma_wait3A_299 = tpu.memref_squeeze %dma_wait3A_298 : memref<1x128xi32, #tpu.memory_space<vmem>> -> memref<128xi32, #tpu.memory_space<vmem>>
      %dma_wait3A_300 = arith.constant 0 : i32
      %dma_wait3A_301 = tpu.memref_slice %arg23[%dma_wait3A_300] : memref<10240xf32, #tpu.memory_space<vmem_shared>> -> memref<10240xf32, #tpu.memory_space<vmem_shared>>
      tpu.wait_indirect_dma semaphore(%arg33 : memref<!tpu.dma_semaphore, #tpu.memory_space<semaphore_mem>>) src(%arg11 : memref<128xf32, #tpu.memory_space<vmem>>) dst(%dma_wait3A_301 : memref<10240xf32, #tpu.memory_space<vmem_shared>>)
      %dma_wait3A_302 = arith.constant 0 : i32
      %dma_wait3A_303 = arith.constant 0 : i32
      %dma_wait3A_304 = tpu.memref_slice %arg9[%dma_wait3A_302, %dma_wait3A_303] : memref<160x128xi32, #tpu.memory_space<vmem>> -> memref<1x128xi32, #tpu.memory_space<vmem>>
      %dma_wait3A_305 = tpu.memref_squeeze %dma_wait3A_304 : memref<1x128xi32, #tpu.memory_space<vmem>> -> memref<128xi32, #tpu.memory_space<vmem>>
      %dma_wait3A_306 = arith.constant 0 : i32
      %dma_wait3A_307 = tpu.memref_slice %arg23[%dma_wait3A_306] : memref<10240xf32, #tpu.memory_space<vmem_shared>> -> memref<10240xf32, #tpu.memory_space<vmem_shared>>
      tpu.wait_indirect_dma semaphore(%arg34 : memref<!tpu.dma_semaphore, #tpu.memory_space<semaphore_mem>>) src(%arg12 : memref<128xf32, #tpu.memory_space<vmem>>) dst(%dma_wait3A_307 : memref<10240xf32, #tpu.memory_space<vmem_shared>>)
      %dma_wait3A_308 = arith.constant 0 : i32
      %dma_wait3A_309 = arith.constant 0 : i32
      %dma_wait3A_310 = tpu.memref_slice %arg9[%dma_wait3A_308, %dma_wait3A_309] : memref<160x128xi32, #tpu.memory_space<vmem>> -> memref<1x128xi32, #tpu.memory_space<vmem>>
      %dma_wait3A_311 = tpu.memref_squeeze %dma_wait3A_310 : memref<1x128xi32, #tpu.memory_space<vmem>> -> memref<128xi32, #tpu.memory_space<vmem>>
      %dma_wait3A_312 = arith.constant 0 : i32
      %dma_wait3A_313 = tpu.memref_slice %arg23[%dma_wait3A_312] : memref<10240xf32, #tpu.memory_space<vmem_shared>> -> memref<10240xf32, #tpu.memory_space<vmem_shared>>
      tpu.wait_indirect_dma semaphore(%arg35 : memref<!tpu.dma_semaphore, #tpu.memory_space<semaphore_mem>>) src(%arg13 : memref<128xf32, #tpu.memory_space<vmem>>) dst(%dma_wait3A_313 : memref<10240xf32, #tpu.memory_space<vmem_shared>>)
      %dma_wait3A_314 = arith.constant 0 : i32
      %dma_wait3A_315 = arith.constant 0 : i32
      %dma_wait3A_316 = tpu.memref_slice %arg9[%dma_wait3A_314, %dma_wait3A_315] : memref<160x128xi32, #tpu.memory_space<vmem>> -> memref<1x128xi32, #tpu.memory_space<vmem>>
      %dma_wait3A_317 = tpu.memref_squeeze %dma_wait3A_316 : memref<1x128xi32, #tpu.memory_space<vmem>> -> memref<128xi32, #tpu.memory_space<vmem>>
      %dma_wait3A_318 = arith.constant 0 : i32
      %dma_wait3A_319 = tpu.memref_slice %arg23[%dma_wait3A_318] : memref<10240xf32, #tpu.memory_space<vmem_shared>> -> memref<10240xf32, #tpu.memory_space<vmem_shared>>
      tpu.wait_indirect_dma semaphore(%arg36 : memref<!tpu.dma_semaphore, #tpu.memory_space<semaphore_mem>>) src(%arg14 : memref<128xf32, #tpu.memory_space<vmem>>) dst(%dma_wait3A_319 : memref<10240xf32, #tpu.memory_space<vmem_shared>>)
      %dma_wait3A_320 = arith.constant 0 : i32
      %dma_wait3A_321 = arith.constant 0 : i32
      %dma_wait3A_322 = tpu.memref_slice %arg9[%dma_wait3A_320, %dma_wait3A_321] : memref<160x128xi32, #tpu.memory_space<vmem>> -> memref<1x128xi32, #tpu.memory_space<vmem>>
      %dma_wait3A_323 = tpu.memref_squeeze %dma_wait3A_322 : memref<1x128xi32, #tpu.memory_space<vmem>> -> memref<128xi32, #tpu.memory_space<vmem>>
      %dma_wait3A_324 = arith.constant 0 : i32
      %dma_wait3A_325 = tpu.memref_slice %arg23[%dma_wait3A_324] : memref<10240xf32, #tpu.memory_space<vmem_shared>> -> memref<10240xf32, #tpu.memory_space<vmem_shared>>
      tpu.wait_indirect_dma semaphore(%arg37 : memref<!tpu.dma_semaphore, #tpu.memory_space<semaphore_mem>>) src(%arg15 : memref<128xf32, #tpu.memory_space<vmem>>) dst(%dma_wait3A_325 : memref<10240xf32, #tpu.memory_space<vmem_shared>>)
      %dma_wait3A_326 = arith.constant 0 : i32
      %dma_wait3A_327 = arith.constant 0 : i32
      %dma_wait3A_328 = tpu.memref_slice %arg9[%dma_wait3A_326, %dma_wait3A_327] : memref<160x128xi32, #tpu.memory_space<vmem>> -> memref<1x128xi32, #tpu.memory_space<vmem>>
      %dma_wait3A_329 = tpu.memref_squeeze %dma_wait3A_328 : memref<1x128xi32, #tpu.memory_space<vmem>> -> memref<128xi32, #tpu.memory_space<vmem>>
      %dma_wait3A_330 = arith.constant 0 : i32
      %dma_wait3A_331 = tpu.memref_slice %arg23[%dma_wait3A_330] : memref<10240xf32, #tpu.memory_space<vmem_shared>> -> memref<10240xf32, #tpu.memory_space<vmem_shared>>
      tpu.wait_indirect_dma semaphore(%arg38 : memref<!tpu.dma_semaphore, #tpu.memory_space<semaphore_mem>>) src(%arg16 : memref<128xf32, #tpu.memory_space<vmem>>) dst(%dma_wait3A_331 : memref<10240xf32, #tpu.memory_space<vmem_shared>>)
      %dma_wait3A_332 = arith.constant 0 : i32
      %dma_wait3A_333 = arith.constant 0 : i32
      %dma_wait3A_334 = tpu.memref_slice %arg9[%dma_wait3A_332, %dma_wait3A_333] : memref<160x128xi32, #tpu.memory_space<vmem>> -> memref<1x128xi32, #tpu.memory_space<vmem>>
      %dma_wait3A_335 = tpu.memref_squeeze %dma_wait3A_334 : memref<1x128xi32, #tpu.memory_space<vmem>> -> memref<128xi32, #tpu.memory_space<vmem>>
      %dma_wait3A_336 = arith.constant 0 : i32
      %dma_wait3A_337 = tpu.memref_slice %arg23[%dma_wait3A_336] : memref<10240xf32, #tpu.memory_space<vmem_shared>> -> memref<10240xf32, #tpu.memory_space<vmem_shared>>
      tpu.wait_indirect_dma semaphore(%arg39 : memref<!tpu.dma_semaphore, #tpu.memory_space<semaphore_mem>>) src(%arg17 : memref<128xf32, #tpu.memory_space<vmem>>) dst(%dma_wait3A_337 : memref<10240xf32, #tpu.memory_space<vmem_shared>>)
      %barrier3A_338 = arith.constant 0 : index
      tpu.barrier barrier_id(%barrier3A_338)
      %mul3A_339 = arith.constant 640 : i32
      %mul3A_340 = arith.muli %arg1, %mul3A_339 : i32
      "tpu.region"() ({
        %run_scoped3A = tpu.sem_alloc : memref<!tpu.dma_semaphore, #tpu.memory_space<semaphore_mem>>
        %dma_start3A_350 = tpu.memref_slice %arg23[%mul3A_340] : memref<10240xf32, #tpu.memory_space<vmem_shared>> -> memref<640xf32, #tpu.memory_space<vmem_shared>>
        %dma_start3A_351 = tpu.memref_slice %arg23[%mul3A_340] : memref<10240xf32, #tpu.memory_space<vmem_shared>> -> memref<640xf32, #tpu.memory_space<vmem_shared>>
        tpu.enqueue_dma source(%dma_start3A_351 : memref<640xf32, #tpu.memory_space<vmem_shared>>) target(%arg18 : memref<640xf32, #tpu.memory_space<vmem>>) target_semaphore(%run_scoped3A : memref<!tpu.dma_semaphore, #tpu.memory_space<semaphore_mem>>)
        %dma_wait3A_352 = tpu.memref_slice %arg23[%mul3A_340] : memref<10240xf32, #tpu.memory_space<vmem_shared>> -> memref<640xf32, #tpu.memory_space<vmem_shared>>
        %dma_wait3A_353 = tpu.memref_slice %arg23[%mul3A_340] : memref<10240xf32, #tpu.memory_space<vmem_shared>> -> memref<640xf32, #tpu.memory_space<vmem_shared>>
        tpu.wait_dma2 semaphore(%run_scoped3A : memref<!tpu.dma_semaphore, #tpu.memory_space<semaphore_mem>>) src(%dma_wait3A_353 : memref<640xf32, #tpu.memory_space<vmem_shared>>) dst(%arg18 : memref<640xf32, #tpu.memory_space<vmem>>)
        tpu.yield
      }) : () -> ()
      "tpu.region"() ({
        %run_scoped3A = tpu.sem_alloc : memref<!tpu.dma_semaphore, #tpu.memory_space<semaphore_mem>>
        %dma_start3A_350 = tpu.memref_slice %arg5[%mul3A_340] : memref<10240xf32, #tpu.memory_space<hbm>> -> memref<640xf32, #tpu.memory_space<hbm>>
        %dma_start3A_351 = tpu.memref_slice %arg5[%mul3A_340] : memref<10240xf32, #tpu.memory_space<hbm>> -> memref<640xf32, #tpu.memory_space<hbm>>
        tpu.enqueue_dma source(%dma_start3A_351 : memref<640xf32, #tpu.memory_space<hbm>>) target(%arg19 : memref<640xf32, #tpu.memory_space<vmem>>) target_semaphore(%run_scoped3A : memref<!tpu.dma_semaphore, #tpu.memory_space<semaphore_mem>>)
        %dma_wait3A_352 = tpu.memref_slice %arg5[%mul3A_340] : memref<10240xf32, #tpu.memory_space<hbm>> -> memref<640xf32, #tpu.memory_space<hbm>>
        %dma_wait3A_353 = tpu.memref_slice %arg5[%mul3A_340] : memref<10240xf32, #tpu.memory_space<hbm>> -> memref<640xf32, #tpu.memory_space<hbm>>
        tpu.wait_dma2 semaphore(%run_scoped3A : memref<!tpu.dma_semaphore, #tpu.memory_space<semaphore_mem>>) src(%dma_wait3A_353 : memref<640xf32, #tpu.memory_space<hbm>>) dst(%arg19 : memref<640xf32, #tpu.memory_space<vmem>>)
        tpu.yield
      }) : () -> ()
      "tpu.region"() ({
        %run_scoped3A = tpu.sem_alloc : memref<!tpu.dma_semaphore, #tpu.memory_space<semaphore_mem>>
        tpu.enqueue_dma source(%arg6 : memref<16xf32, #tpu.memory_space<hbm>>) target(%arg21 : memref<16xf32, #tpu.memory_space<vmem>>) target_semaphore(%run_scoped3A : memref<!tpu.dma_semaphore, #tpu.memory_space<semaphore_mem>>)
        tpu.wait_dma2 semaphore(%run_scoped3A : memref<!tpu.dma_semaphore, #tpu.memory_space<semaphore_mem>>) src(%arg6 : memref<16xf32, #tpu.memory_space<hbm>>) dst(%arg21 : memref<16xf32, #tpu.memory_space<vmem>>)
        tpu.yield
      }) : () -> ()
      %get3A = arith.constant 0 : index
      %get3A_341 = tpu.vector_load %arg21[%get3A] {strides = array<i32>} : memref<16xf32, #tpu.memory_space<vmem>>, vector<16xf32>,
      %get3A_342 = vector.shape_cast %get3A_341 : vector<16xf32> to vector<16xf32>
      %scan3A_343 = arith.constant 0 : i32
      %scan3A_344 = arith.constant 0 : i32
      %scan3A_345 = arith.constant 40 : i32
      %scan3A_346 = arith.addi %scan3A_344, %scan3A_345 : i32
      %scan3A_347 = arith.constant 1 : i32
      %scan3A_348 = scf.for %scan3A_350 = %scan3A_344 to %scan3A_346 step %scan3A_347 iter_args(%scan3A_351 = %scan3A_343) -> (i32)  : i32 {
        %mul3A_352 = arith.constant 16 : i32
        %mul3A_353 = arith.muli %scan3A_350, %mul3A_352 : i32
        %get3A_354 = arith.index_cast %mul3A_353 : i32 to index
        %get3A_355 = tpu.vector_load %arg18[%get3A_354] {strides = array<i32>} : memref<640xf32, #tpu.memory_space<vmem>>, vector<16xf32>,
        %get3A_356 = vector.shape_cast %get3A_355 : vector<16xf32> to vector<16xf32>
        %mul3A_357 = arith.constant 16 : i32
        %mul3A_358 = arith.muli %scan3A_350, %mul3A_357 : i32
        %get3A_359 = arith.index_cast %mul3A_358 : i32 to index
        %get3A_360 = tpu.vector_load %arg19[%get3A_359] {strides = array<i32>} : memref<640xf32, #tpu.memory_space<vmem>>, vector<16xf32>,
        %get3A_361 = vector.shape_cast %get3A_360 : vector<16xf32> to vector<16xf32>
        %mul3A_362 = arith.mulf %get3A_356, %get3A_361 : vector<16xf32>
        %add3A = arith.addf %mul3A_362, %get3A_342 : vector<16xf32>
        %mul3A_363 = arith.constant 16 : i32
        %mul3A_364 = arith.muli %scan3A_350, %mul3A_363 : i32
        %swap3A = arith.index_cast %mul3A_364 : i32 to index
        %swap3A_365 = tpu.vector_load %arg20[%swap3A] {strides = array<i32>} : memref<640xf32, #tpu.memory_space<vmem>>, vector<16xf32>,
        %swap3A_366 = vector.shape_cast %swap3A_365 : vector<16xf32> to vector<16xf32>
        %swap3A_367 = vector.shape_cast %add3A : vector<16xf32> to vector<16xf32>
        tpu.vector_store %arg20[%swap3A], %swap3A_367 {strides = array<i32>} : memref<640xf32, #tpu.memory_space<vmem>>, vector<16xf32>,
        %scan3A_368 = arith.constant 0 : i32
        scf.yield %scan3A_368 : i32
      }
      %scan3A_349 = arith.constant 40 : i32
      "tpu.region"() ({
        %run_scoped3A = tpu.sem_alloc : memref<!tpu.dma_semaphore, #tpu.memory_space<semaphore_mem>>
        %dma_start3A_350 = tpu.memref_slice %arg7[%mul3A_340] : memref<10240xf32, #tpu.memory_space<hbm>> -> memref<640xf32, #tpu.memory_space<hbm>>
        %dma_start3A_351 = tpu.memref_slice %arg7[%mul3A_340] : memref<10240xf32, #tpu.memory_space<hbm>> -> memref<640xf32, #tpu.memory_space<hbm>>
        tpu.enqueue_dma source(%arg20 : memref<640xf32, #tpu.memory_space<vmem>>) target(%dma_start3A_351 : memref<640xf32, #tpu.memory_space<hbm>>) target_semaphore(%run_scoped3A : memref<!tpu.dma_semaphore, #tpu.memory_space<semaphore_mem>>)
        %dma_wait3A_352 = tpu.memref_slice %arg7[%mul3A_340] : memref<10240xf32, #tpu.memory_space<hbm>> -> memref<640xf32, #tpu.memory_space<hbm>>
        %dma_wait3A_353 = tpu.memref_slice %arg7[%mul3A_340] : memref<10240xf32, #tpu.memory_space<hbm>> -> memref<640xf32, #tpu.memory_space<hbm>>
        tpu.wait_dma2 semaphore(%run_scoped3A : memref<!tpu.dma_semaphore, #tpu.memory_space<semaphore_mem>>) src(%arg20 : memref<640xf32, #tpu.memory_space<vmem>>) dst(%dma_wait3A_353 : memref<640xf32, #tpu.memory_space<hbm>>)
        tpu.yield
      }) : () -> ()
    } else {
    }
    return
  }
}

module attributes {stable_mosaic.version = 14 : i64} {
  func.func @_xw_body(%arg0: i32, %arg1: memref<512x200xf32, #tpu.memory_space<vmem>>, %arg2: memref<200x128xf32, #tpu.memory_space<vmem>>, %arg3: memref<512x2xf32, #tpu.memory_space<vmem>>, %arg4: memref<512x128xf32, #tpu.memory_space<vmem>>, %arg5: memref<512x1xf32, #tpu.memory_space<vmem>>, %arg6: memref<512x1xf32, #tpu.memory_space<vmem>>) attributes {dimension_semantics = [#tpu.dimension_semantics<arbitrary>], iteration_bounds = array<i64: 20>, scalar_prefetch = 0 : i64, scratch_operands = 0 : i64, tpu.core_type = #tpu.core_type<tc>, window_params = [{transform_indices = @transform_0, window_bounds = array<i64: 512, 200>}, {pipeline_mode = #tpu.pipeline_mode<synchronous>, transform_indices = @transform_1, window_bounds = array<i64: 200, 128>}, {transform_indices = @transform_2, window_bounds = array<i64: 512, 2>}, {transform_indices = @transform_3, window_bounds = array<i64: 512, 128>}, {transform_indices = @transform_4, window_bounds = array<i64: 512, 1>}, {transform_indices = @transform_5, window_bounds = array<i64: 512, 1>}]} {
    %get3A = arith.constant 0 : index
    %get3A_0 = arith.constant 0 : index
    %get3A_1 = vector.load %arg3[%get3A, %get3A_0] : memref<512x2xf32, #tpu.memory_space<vmem>>, vector<512x2xf32>
    %gt3A = arith.constant 0.000000e+00 : f32
    %gt3A_2 = vector.broadcast %gt3A : f32 to vector<512x2xf32>
    %gt3A_3 = arith.cmpf ogt, %get3A_1, %gt3A_2 : vector<512x2xf32>
    %max3A = arith.constant 1.000000e+00 : f32
    %max3A_4 = vector.broadcast %max3A : f32 to vector<512x2xf32>
    %max3A_5 = arith.maximumf %get3A_1, %max3A_4 : vector<512x2xf32>
    %rsqrt3A = math.rsqrt %max3A_5 : vector<512x2xf32>
    %jit3A = arith.constant 0.000000e+00 : f32
    %broadcast_in_dim3A = vector.broadcast %jit3A : f32 to vector<512x2xf32>
    %select_n3A = arith.select %gt3A_3, %rsqrt3A, %broadcast_in_dim3A : vector<512x2xi1>, vector<512x2xf32>
    %slice3A = vector.extract_strided_slice %select_n3A {offsets = [0, 0], sizes = [512, 1], strides = [1, 1]} : vector<512x2xf32> to vector<512x1xf32>
    %slice3A_6 = vector.extract_strided_slice %select_n3A {offsets = [0, 1], sizes = [512, 1], strides = [1, 1]} : vector<512x2xf32> to vector<512x1xf32>
    %swap3A = arith.constant 0 : index
    %swap3A_7 = arith.constant 0 : index
    %swap3A_8 = vector.load %arg5[%swap3A, %swap3A_7] : memref<512x1xf32, #tpu.memory_space<vmem>>, vector<512x1xf32>
    tpu.vector_store %arg5[%swap3A, %swap3A_7], %slice3A {strides = array<i32>} : memref<512x1xf32, #tpu.memory_space<vmem>>, vector<512x1xf32>,
    %swap3A_9 = arith.constant 0 : index
    %swap3A_10 = arith.constant 0 : index
    %swap3A_11 = vector.load %arg6[%swap3A_9, %swap3A_10] : memref<512x1xf32, #tpu.memory_space<vmem>>, vector<512x1xf32>
    tpu.vector_store %arg6[%swap3A_9, %swap3A_10], %slice3A_6 {strides = array<i32>} : memref<512x1xf32, #tpu.memory_space<vmem>>, vector<512x1xf32>,
    %get3A_12 = arith.constant 0 : index
    %get3A_13 = arith.constant 0 : index
    %get3A_14 = vector.load %arg1[%get3A_12, %get3A_13] : memref<512x200xf32, #tpu.memory_space<vmem>>, vector<512x200xf32>
    %get3A_15 = arith.constant 0 : index
    %get3A_16 = arith.constant 0 : index
    %get3A_17 = vector.load %arg2[%get3A_15, %get3A_16] : memref<200x128xf32, #tpu.memory_space<vmem>>, vector<200x128xf32>
    %dot_general3A = arith.constant dense<0.000000e+00> : vector<512x128xf32>
    %dot_general3A_18 = tpu.matmul %get3A_14, %get3A_17, %dot_general3A {dimension_numbers = #tpu.dot_dimension_numbers<[1], [0], [0], [1], [0, 0, 1, 1], [], []>, transpose_lhs_hint = false} : vector<512x200xf32>, vector<200x128xf32>, vector<512x128xf32> -> vector<512x128xf32>
    %mul3A = vector.broadcast %slice3A : vector<512x1xf32> to vector<512x128xf32>
    %mul3A_19 = arith.mulf %dot_general3A_18, %mul3A : vector<512x128xf32>
    %swap3A_20 = arith.constant 0 : index
    %swap3A_21 = arith.constant 0 : index
    %swap3A_22 = vector.load %arg4[%swap3A_20, %swap3A_21] : memref<512x128xf32, #tpu.memory_space<vmem>>, vector<512x128xf32>
    tpu.vector_store %arg4[%swap3A_20, %swap3A_21], %mul3A_19 {strides = array<i32>} : memref<512x128xf32, #tpu.memory_space<vmem>>, vector<512x128xf32>,
    return
  }
  func.func @transform_0(%arg0: i32) -> (i32, i32) {
    %c0_i32 = arith.constant 0 : i32
    %c0_i32_0 = arith.constant 0 : i32
    return %arg0, %c0_i32 : i32, i32
  }
  func.func @transform_1(%arg0: i32) -> (i32, i32) {
    %c0_i32 = arith.constant 0 : i32
    %c0_i32_0 = arith.constant 0 : i32
    %c0_i32_1 = arith.constant 0 : i32
    return %c0_i32, %c0_i32_0 : i32, i32
  }
  func.func @transform_2(%arg0: i32) -> (i32, i32) {
    %c0_i32 = arith.constant 0 : i32
    %c0_i32_0 = arith.constant 0 : i32
    return %arg0, %c0_i32 : i32, i32
  }
  func.func @transform_3(%arg0: i32) -> (i32, i32) {
    %c0_i32 = arith.constant 0 : i32
    %c0_i32_0 = arith.constant 0 : i32
    return %arg0, %c0_i32 : i32, i32
  }
  func.func @transform_4(%arg0: i32) -> (i32, i32) {
    %c0_i32 = arith.constant 0 : i32
    %c0_i32_0 = arith.constant 0 : i32
    return %arg0, %c0_i32 : i32, i32
  }
  func.func @transform_5(%arg0: i32) -> (i32, i32) {
    %c0_i32 = arith.constant 0 : i32
    %c0_i32_0 = arith.constant 0 : i32
    return %arg0, %c0_i32 : i32, i32
  }
}

module attributes {stable_mosaic.version = 14 : i64} {
  func.func @_mid_body(%arg0: i32, %arg1: memref<2x512x128xf32, #tpu.memory_space<vmem>>, %arg2: memref<512x1xf32, #tpu.memory_space<vmem>>, %arg3: memref<512x1xf32, #tpu.memory_space<vmem>>, %arg4: memref<1x128xf32, #tpu.memory_space<vmem>>, %arg5: memref<128x1xf32, #tpu.memory_space<vmem>>, %arg6: memref<512x1xf32, #tpu.memory_space<vmem>>) attributes {dimension_semantics = [#tpu.dimension_semantics<arbitrary>], iteration_bounds = array<i64: 20>, scalar_prefetch = 0 : i64, scratch_operands = 0 : i64, tpu.core_type = #tpu.core_type<tc>, window_params = [{transform_indices = @transform_0, window_bounds = array<i64: 2, 512, 128>}, {transform_indices = @transform_1, window_bounds = array<i64: 512, 1>}, {transform_indices = @transform_2, window_bounds = array<i64: 512, 1>}, {pipeline_mode = #tpu.pipeline_mode<synchronous>, transform_indices = @transform_3, window_bounds = array<i64: 1, 128>}, {pipeline_mode = #tpu.pipeline_mode<synchronous>, transform_indices = @transform_4, window_bounds = array<i64: 128, 1>}, {transform_indices = @transform_5, window_bounds = array<i64: 512, 1>}]} {
    %get3A = arith.constant 0 : index
    %get3A_0 = arith.constant 0 : index
    %get3A_1 = arith.constant 0 : index
    %get3A_2 = vector.load %arg1[%get3A, %get3A_0, %get3A_1] : memref<2x512x128xf32, #tpu.memory_space<vmem>>, vector<1x512x128xf32>
    %get3A_3 = vector.shape_cast %get3A_2 : vector<1x512x128xf32> to vector<512x128xf32>
    %get3A_4 = arith.constant 1 : index
    %get3A_5 = arith.constant 0 : index
    %get3A_6 = arith.constant 0 : index
    %get3A_7 = vector.load %arg1[%get3A_4, %get3A_5, %get3A_6] : memref<2x512x128xf32, #tpu.memory_space<vmem>>, vector<1x512x128xf32>
    %get3A_8 = vector.shape_cast %get3A_7 : vector<1x512x128xf32> to vector<512x128xf32>
    %add3A = arith.addf %get3A_3, %get3A_8 : vector<512x128xf32>
    %get3A_9 = arith.constant 0 : index
    %get3A_10 = arith.constant 0 : index
    %get3A_11 = vector.load %arg3[%get3A_9, %get3A_10] : memref<512x1xf32, #tpu.memory_space<vmem>>, vector<512x1xf32>
    %mul3A = vector.broadcast %get3A_11 : vector<512x1xf32> to vector<512x128xf32>
    %mul3A_12 = arith.mulf %add3A, %mul3A : vector<512x128xf32>
    %get3A_13 = arith.constant 0 : index
    %get3A_14 = arith.constant 0 : index
    %get3A_15 = vector.load %arg4[%get3A_13, %get3A_14] : memref<1x128xf32, #tpu.memory_space<vmem>>, vector<1x128xf32>
    %add3A_16 = vector.broadcast %get3A_15 : vector<1x128xf32> to vector<512x128xf32>
    %add3A_17 = arith.addf %mul3A_12, %add3A_16 : vector<512x128xf32>
    %max3A = arith.constant 0.000000e+00 : f32
    %max3A_18 = vector.broadcast %max3A : f32 to vector<512x128xf32>
    %max3A_19 = arith.maximumf %add3A_17, %max3A_18 : vector<512x128xf32>
    %get3A_20 = arith.constant 0 : index
    %get3A_21 = arith.constant 0 : index
    %get3A_22 = vector.load %arg5[%get3A_20, %get3A_21] : memref<128x1xf32, #tpu.memory_space<vmem>>, vector<128x1xf32>
    %dot_general3A = arith.constant dense<0.000000e+00> : vector<512x1xf32>
    %dot_general3A_23 = tpu.matmul %max3A_19, %get3A_22, %dot_general3A {dimension_numbers = #tpu.dot_dimension_numbers<[1], [0], [0], [1], [0, 0, 1, 1], [], []>, transpose_lhs_hint = false} : vector<512x128xf32>, vector<128x1xf32>, vector<512x1xf32> -> vector<512x1xf32>
    %get3A_24 = arith.constant 0 : index
    %get3A_25 = arith.constant 0 : index
    %get3A_26 = vector.load %arg2[%get3A_24, %get3A_25] : memref<512x1xf32, #tpu.memory_space<vmem>>, vector<512x1xf32>
    %mul3A_27 = arith.mulf %dot_general3A_23, %get3A_26 : vector<512x1xf32>
    %swap3A = arith.constant 0 : index
    %swap3A_28 = arith.constant 0 : index
    %swap3A_29 = vector.load %arg6[%swap3A, %swap3A_28] : memref<512x1xf32, #tpu.memory_space<vmem>>, vector<512x1xf32>
    tpu.vector_store %arg6[%swap3A, %swap3A_28], %mul3A_27 {strides = array<i32>} : memref<512x1xf32, #tpu.memory_space<vmem>>, vector<512x1xf32>,
    return
  }
  func.func @transform_0(%arg0: i32) -> (i32, i32, i32) {
    %c0_i32 = arith.constant 0 : i32
    %c0_i32_0 = arith.constant 0 : i32
    %c0_i32_1 = arith.constant 0 : i32
    return %c0_i32, %arg0, %c0_i32_0 : i32, i32, i32
  }
  func.func @transform_1(%arg0: i32) -> (i32, i32) {
    %c0_i32 = arith.constant 0 : i32
    %c0_i32_0 = arith.constant 0 : i32
    return %arg0, %c0_i32 : i32, i32
  }
  func.func @transform_2(%arg0: i32) -> (i32, i32) {
    %c0_i32 = arith.constant 0 : i32
    %c0_i32_0 = arith.constant 0 : i32
    return %arg0, %c0_i32 : i32, i32
  }
  func.func @transform_3(%arg0: i32) -> (i32, i32) {
    %c0_i32 = arith.constant 0 : i32
    %c0_i32_0 = arith.constant 0 : i32
    %c0_i32_1 = arith.constant 0 : i32
    return %c0_i32, %c0_i32_0 : i32, i32
  }
  func.func @transform_4(%arg0: i32) -> (i32, i32) {
    %c0_i32 = arith.constant 0 : i32
    %c0_i32_0 = arith.constant 0 : i32
    %c0_i32_1 = arith.constant 0 : i32
    return %c0_i32, %c0_i32_0 : i32, i32
  }
  func.func @transform_5(%arg0: i32) -> (i32, i32) {
    %c0_i32 = arith.constant 0 : i32
    %c0_i32_0 = arith.constant 0 : i32
    return %arg0, %c0_i32 : i32, i32
  }
}

module attributes {stable_mosaic.version = 14 : i64} {
  func.func @_adv_body(%arg0: i32, %arg1: memref<400x256xf32, #tpu.memory_space<vmem>>, %arg2: memref<256x1xf32, #tpu.memory_space<vmem>>, %arg3: memref<1x1xf32, #tpu.memory_space<vmem>>, %arg4: memref<400x1xf32, #tpu.memory_space<vmem>>) attributes {dimension_semantics = [#tpu.dimension_semantics<arbitrary>], iteration_bounds = array<i64: 25>, scalar_prefetch = 0 : i64, scratch_operands = 0 : i64, tpu.core_type = #tpu.core_type<tc>, window_params = [{transform_indices = @transform_0, window_bounds = array<i64: 400, 256>}, {pipeline_mode = #tpu.pipeline_mode<synchronous>, transform_indices = @transform_1, window_bounds = array<i64: 256, 1>}, {pipeline_mode = #tpu.pipeline_mode<synchronous>, transform_indices = @transform_2, window_bounds = array<i64: 1, 1>}, {transform_indices = @transform_3, window_bounds = array<i64: 400, 1>}]} {
    %get3A = arith.constant 0 : index
    %get3A_0 = arith.constant 0 : index
    %get3A_1 = vector.load %arg1[%get3A, %get3A_0] : memref<400x256xf32, #tpu.memory_space<vmem>>, vector<400x256xf32>
    %get3A_2 = arith.constant 0 : index
    %get3A_3 = arith.constant 0 : index
    %get3A_4 = vector.load %arg2[%get3A_2, %get3A_3] : memref<256x1xf32, #tpu.memory_space<vmem>>, vector<256x1xf32>
    %dot_general3A = arith.constant dense<0.000000e+00> : vector<400x1xf32>
    %dot_general3A_5 = tpu.matmul %get3A_1, %get3A_4, %dot_general3A {dimension_numbers = #tpu.dot_dimension_numbers<[1], [0], [0], [1], [0, 0, 1, 1], [], []>, transpose_lhs_hint = false} : vector<400x256xf32>, vector<256x1xf32>, vector<400x1xf32> -> vector<400x1xf32>
    %get3A_6 = arith.constant 0 : index
    %get3A_7 = arith.constant 0 : index
    %get3A_8 = vector.load %arg3[%get3A_6, %get3A_7] : memref<1x1xf32, #tpu.memory_space<vmem>>, vector<1x1xf32>
    %add3A = vector.broadcast %get3A_8 : vector<1x1xf32> to vector<400x1xf32>
    %add3A_9 = arith.addf %dot_general3A_5, %add3A : vector<400x1xf32>
    %swap3A = arith.constant 0 : index
    %swap3A_10 = arith.constant 0 : index
    %swap3A_11 = vector.load %arg4[%swap3A, %swap3A_10] : memref<400x1xf32, #tpu.memory_space<vmem>>, vector<400x1xf32>
    tpu.vector_store %arg4[%swap3A, %swap3A_10], %add3A_9 {strides = array<i32>} : memref<400x1xf32, #tpu.memory_space<vmem>>, vector<400x1xf32>,
    return
  }
  func.func @transform_0(%arg0: i32) -> (i32, i32) {
    %c0_i32 = arith.constant 0 : i32
    %c0_i32_0 = arith.constant 0 : i32
    return %arg0, %c0_i32 : i32, i32
  }
  func.func @transform_1(%arg0: i32) -> (i32, i32) {
    %c0_i32 = arith.constant 0 : i32
    %c0_i32_0 = arith.constant 0 : i32
    %c0_i32_1 = arith.constant 0 : i32
    return %c0_i32, %c0_i32_0 : i32, i32
  }
  func.func @transform_2(%arg0: i32) -> (i32, i32) {
    %c0_i32 = arith.constant 0 : i32
    %c0_i32_0 = arith.constant 0 : i32
    %c0_i32_1 = arith.constant 0 : i32
    return %c0_i32, %c0_i32_0 : i32, i32
  }
  func.func @transform_3(%arg0: i32) -> (i32, i32) {
    %c0_i32 = arith.constant 0 : i32
    %c0_i32_0 = arith.constant 0 : i32
    return %arg0, %c0_i32 : i32, i32
  }
}

</mosaic_0001>

<sc_bundles>
// kernel: kernel.11.cloned.1.call-start
scs
__scs_entry_jumppad:
0x0: {  	(pc) =	sbr.rel $0x88, $3  }
0x1: {  	(tag) =	ssettag $0x0;
	lr =	simm.s32 $0x1  }
0x2: {  	[smem:$0x3F98] =	sst lr;
	_ =	strace $0xD0000000  }
0x3: {  	_ = 	snop  }
0x4: {  	_ = 	snop  }
0x5: {  	_ = 	snop  }
0x6: {  	_ = 	snop  }
0x7: {  	_ = 	snop  }
__scs_overlays_trampoline_lowered:
0x8: {  	[smem:$0x3FA7] =	sst s0  }
0x9: {  	[smem:$0x3FA8] =	sst s1  }
0xa: {  	[smem:$0x3FA9] =	sst s2  }
0xb: {  	[smem:$0x3FAA] =	sst s3  }
0xc: {  	[smem:$0x3FAB] =	sst s4  }
0xd: {  	[smem:$0x3FAC] =	sst s5  }
0xe: {  	[smem:$0x3FAD] =	sst s6  }
0xf: {  	[smem:$0x3FAE] =	sst s7  }
0x10: {  	[smem:$0x3FAF] =	sst s8  }
0x11: {  	[smem:$0x3FB0] =	sst s9;
	s0 =	simm.s32 @!p0 $0x0  }
0x12: {  	s1 =	sld [smem:$0x3F96];
	s0 =	simm.s32 @p0 $0x1  }
0x13: {  	[smem:$0x3FB1] =	sst s0;
	s0 =	simm.s32 @!p1 $0x0  }
0x14: {  	s2 =	sld [smem:$0x3F95];
	s0 =	simm.s32 @p1 $0x1  }
0x15: {  	[smem:$0x3FB2] =	sst s0;
	s0 =	simm.s32 @!p2 $0x0  }
0x16: {  	s3 =	sld [smem:$0x3FDB];
	s0 =	simm.s32 @p2 $0x1  }
0x17: {  	s4 =	simm.s32 $0x1BF5;
	[smem:$0x3FB4] =	sst s0  }
0x18: {  	s0 =	sld [smem:$0x3F97];
	_ =	swait.ge [sflag:s4], $0x0  }
0x19: {  	s7 =	sld [smem:$0x3F98]  }
0x1a: {  	s8 =	sadd.s32 $0xFFFFE003, lr  }
0x1b: {  	s9 =	sadd.s32 $0xFFFFFEF7, lr;
	s5 =	simm.s32 $0xFFFFFFFF;
	p2 =	slt.u32 s8, $0xFFFFF086  }
0x1c: {  	p1 =	slt.u32 s9, $0xF7A;
	s5 =	simm.s32 @!p2 $0x0  }
0x1d: {  	s5 =	simm.s32 @p1 $0x1;
	p0 =	seq.s32 s7, s2  }
0x1e: {  	s7 =	smul.u32 @!p0 $0xF7A, s2;
	p2 =	seq.s32 @!p0 s5, $0x0  }
0x1f: {  	s9 =	smul.u32 $0xF7A, s1;
	s8 =	simm.s32 @!p0 $0x1BF5;
	p2 =	por !p2, p0  }
0x20: {  	[sflag:s8] =	ssyncset.s32 @!p0 $0xFFFFF086;
	s6 =	sadd.s32 @!p0 s3, s7;
	s7 =	simm.s32 @!p0 $0x108  }
0x21: {  	s3 =	sadd.s32 s3, s9;
	s6 =	sadd.s32 @!p0 $0x88, s6;
	s7 =	simm.s32 @p2 $0x1082  }
0x22: {  	[simem:s7], [sflag:s8] =	dma.local @!p0 [hbm:s6], $0xF7A  }
0x23: {  	s9 =	sor.u32 $0xD0000000, s2;
	s6 =	simm.s32 $0x108;
	_ =	swait.ge @!p0 [sflag:s8], $0x0  }
0x24: {  	s3 =	sadd.s32 $0x88, s3;
	s6 =	simm.s32 @!p1 $0x1082;
	[sflag:s4] =	ssyncset.s32 $0xFFFFF086  }
0x25: {  	[simem:s6], [sflag:s4] =	dma.local [hbm:s3], $0xF7A  }
0x26: {  	[smem:$0x3F98] =	sst s1;
	(tag) =	ssettag s2;
	_ =	strace s9  }
0x27: {  	s1 =	sld [smem:$0x3FA8]  }
0x28: {  	s2 =	sld [smem:$0x3FA9]  }
0x29: {  	s4 =	sld [smem:$0x3FAB]  }
0x2a: {  	p0 =	seq.s32 s5, $0x0;
	s5 =	sld [smem:$0x3FAC]  }
0x2b: {  	s6 =	sld [smem:$0x3FAD]  }
0x2c: {  	s7 =	sld [smem:$0x3FAE]  }
0x2d: {  	s3 =	simm.s32 $0x108;
	s8 =	sld [smem:$0x3FAF]  }
0x2e: {  	s3 =	simm.s32 @!p0 $0x1082;
	s9 =	sld [smem:$0x3FB0]  }
0x2f: {  	lr =	sadd.s32 s0, s3;
	s0 =	sld [smem:$0x3FA7]  }
0x30: {  	s3 =	sld [smem:$0x3FAA]  }
0x31: {  	[smem:$0x3FB3] =	sst s10  }
0x32: {  	s10 =	sld [smem:$0x3FB1];
	_ =	sdelay $0x3  }
0x33: {  	p0 =	seq.s32 s10, $0x1;
	s10 =	sld [smem:$0x3FB3];
	_ =	sdelay $0x3  }
0x34: {  	[smem:$0x3FB3] =	sst s10  }
0x35: {  	s10 =	sld [smem:$0x3FB2];
	_ =	sdelay $0x3  }
0x36: {  	p1 =	seq.s32 s10, $0x1;
	s10 =	sld [smem:$0x3FB3];
	_ =	sdelay $0x3  }
0x37: {  	[smem:$0x3FB3] =	sst s10  }
0x38: {  	s10 =	sld [smem:$0x3FB4]  }
0x39: {  	_ = 	snop;
	(pc) =	sbr.ind lr, $3  }
0x3a: {  	_ = 	snop  }
0x3b: {  	_ = 	snop  }
0x3c: {  	p2 =	seq.s32 s10, $0x1;
	s10 =	sld [smem:$0x3FB3]  }
0x3d: {  	_ =	shalt  }
0x3e: {  	_ =	shalt  }
0x3f: {  	_ =	shalt  }
0x40: {  	_ =	shalt  }
0x41: {  	_ =	shalt  }
0x42: {  	_ =	shalt  }
0x43: {  	_ =	shalt  }
0x44: {  	_ =	shalt  }
0x45: {  	_ =	shalt  }
0x46: {  	_ =	shalt  }
0x47: {  	_ =	shalt  }
0x48: {  	_ =	shalt  }
0x49: {  	_ =	shalt  }
0x4a: {  	_ =	shalt  }
0x4b: {  	_ =	shalt  }
0x4c: {  	_ =	shalt  }
0x4d: {  	_ =	shalt  }
0x4e: {  	_ =	shalt  }
0x4f: {  	_ =	shalt  }
0x50: {  	_ =	shalt  }
0x51: {  	_ =	shalt  }
0x52: {  	_ =	shalt  }
0x53: {  	_ =	shalt  }
0x54: {  	_ =	shalt  }
0x55: {  	_ =	shalt  }
0x56: {  	_ =	shalt  }
0x57: {  	_ =	shalt  }
0x58: {  	_ =	shalt  }
0x59: {  	_ =	shalt  }
0x5a: {  	_ =	shalt  }
0x5b: {  	_ =	shalt  }
0x5c: {  	_ =	shalt  }
0x5d: {  	_ =	shalt  }
0x5e: {  	_ =	shalt  }
0x5f: {  	_ =	shalt  }
0x60: {  	_ =	shalt  }
0x61: {  	_ =	shalt  }
0x62: {  	_ =	shalt  }
0x63: {  	_ =	shalt  }
0x64: {  	_ =	shalt  }
0x65: {  	_ =	shalt  }
0x66: {  	_ =	shalt  }
0x67: {  	_ =	shalt  }
0x68: {  	_ =	shalt  }
0x69: {  	_ =	shalt  }
0x6a: {  	_ =	shalt  }
0x6b: {  	_ =	shalt  }
0x6c: {  	_ =	shalt  }
0x6d: {  	_ =	shalt  }
0x6e: {  	_ =	shalt  }
0x6f: {  	_ =	shalt  }
0x70: {  	_ =	shalt  }
0x71: {  	_ =	shalt  }
0x72: {  	_ =	shalt  }
0x73: {  	_ =	shalt  }
0x74: {  	_ =	shalt  }
0x75: {  	_ =	shalt  }
0x76: {  	_ =	shalt  }
0x77: {  	_ =	shalt  }
0x78: {  	_ =	shalt  }
0x79: {  	_ =	shalt  }
0x7a: {  	_ =	shalt  }
0x7b: {  	_ =	shalt  }
0x7c: {  	_ =	shalt  }
0x7d: {  	_ =	shalt  }
0x7e: {  	_ =	shalt  }
0x7f: {  	_ =	shalt  }
0x80: {  	_ =	shalt  }
0x81: {  	_ =	shalt  }
0x82: {  	_ =	shalt  }
0x83: {  	_ =	shalt  }
0x84: {  	_ =	shalt  }
0x85: {  	_ =	shalt  }
0x86: {  	_ =	shalt  }
0x87: {  	_ =	shalt  }
.Lfunc_end0:
.L_simem_size_0:
called_computation.1_lowered:
.L_overlay_start_0:
0x88: {  	s2 =	sld [smem:$0x3FD9]  }
0x89: {  	s3 =	sld [smem:$0x3FFE];
	_ =	sdelay $0x1  }
0x8a: {  	s1 =	srdreg.scid  }
0x8b: {  	s0 =	sand.u32 $0x1, s1  }
0x8c: {  	s16 =	sshll.u32 s0, $0xA;
	s2 =	sadd.s32 s3, s2  }
0x8d: {  	s2 =	sadd.s32 s2, s16  }
0x8e: {  	[smem:$0x3FBF] =	sst s2  }
0x8f: {  	_ = 	snop  }
0x90: {  	(tm) =	ssettm $0x1  }
0x91: {  	s17 =	sld [smem:$0x3FFB];
	_ =	sdelay $0x3  }
0x92: {  	_ =	strace s17  }
0x93: {  	s2 =	sld [smem:$0x3FFC];
	_ =	sdelay $0x3  }
0x94: {  	_ =	strace s2  }
0x95: {  	s2 =	sld [smem:$0x3FFD];
	_ =	sdelay $0x3  }
0x96: {  	_ =	strace s2  }
0x97: {  	_ =	strace $0x8FFFFFFF  }
0x98: {  	s18 =	sld [smem:$0x3FDB];
	_ =	sdelay $0x1  }
0x99: {  	s19 =	simm.s32 $_scs_section_size  }
0x9a: {  	s4 =	simm.s32 $_size__tile_overlayer_lowered;
	s5 =	simm.s32 $_tile_overlayer_lowered  }
0x9b: {  	s22 =	simm.s32 $0x1BFF;
	s21 =	sshll.u32 s5, $0x1;
	s2 =	sadd.s32 s19, s18  }
0x9c: {  	s6 =	simm.s32 $0x0;
	s20 =	sshll.u32 s4, $0x1;
	s4 =	sadd.s32 s21, s2  }
0x9d: {  	[timem:s6], [sflag:s22] =	dma.local [hbm:s4], s20  }
0x9e: {  	_ =	swait.ge [sflag:s22], s20  }
0x9f: {  	s3 =	ssub.s32 $0x0, s20;
	[sflag:s22] =	ssyncset.done $0x0  }
0xa0: {  	[sflag:s22] =	ssyncadd.s32 s3;
	_ =	sdelay $0x1  }
0xa1: {  	s23 =	simm.s32 $0x1B8B  }
0xa2: {  	_ =	swait.ge [sflag:s23], $0x1  }
0xa3: {  	[sflag:s23] =	ssyncset.done $0x0  }
0xa4: {  	s25 =	simm.s32 $0x1B8E;
	s24 =	sld [smem:$0x3FFE];
	[sflag:s23] =	ssyncadd.s32 $0xFFFFFFFF  }
0xa5: {  	s26 =	simm.s32 $execute0_lowered;
	[smem:$0x3FD2] =	sst s25  }
0xa6: {  	s4 =	sshll.u32 s26, $0x1;
	_ =	strace $0x80000049;
	[dreg:$0x1] =	wrdreg $0xFFFFFFFF  }
0xa7: {  	s28 =	simm.s32 $_size_execute0_lowered;
	s2 =	sadd.s32 s2, s4;
	[dreg:$0x0] =	wrdreg $0x0  }
0xa8: {  	s4 =	sshll.u32 s28, $0x1;
	[dreg:$0x2] =	wrdreg s2  }
0xa9: {  	[dreg:$0x3] =	wrdreg s4  }
0xaa: {  	[dreg:$0x4] =	wrdreg $0xC0  }
0xab: {  	_ =	task [dreg:s6], $0x5FFFF  }
0xac: {  	[dreg:$0x1] =	wrdreg $0xFFFFFFFF  }
0xad: {  	[dreg:$0x0] =	wrdreg $0x60  }
0xae: {  	[dreg:$0x2] =	wrdreg s24  }
0xaf: {  	[dreg:$0x3] =	wrdreg $0xAA000  }
0xb0: {  	[dreg:$0x4] =	wrdreg $0x9  }
0xb1: {  	_ =	task.clear_ibuf [dreg:s6], $0x5FFFF;
	_ =	strace $0x90000049  }
0xb2: {  	s29 =	simm.s32 $0x9;
	_ =	strace $0x8000004B  }
0xb3: {  	_ =	swait.ge [sflag:s29], $0x1  }
0xb4: {  	[sflag:s29] =	ssyncadd.s32 $0xFFFFFFFF  }
0xb5: {  	_ =	strace $0x9000004B  }
0xb6: {  	_ =	sfence  }
0xb7: {  	s30 =	sld [smem:$0x0];
	_ =	sdelay $0x2  }
0xb8: {  	s31 =	sshll.u32 s1, $0xD;
	s1 =	sshrl.u32 s1, $0x2  }
0xb9: {  	s3 =	sand.u32 $0x4000, s31;
	s1 =	sadd.s32 s1, s30  }
0xba: {  	s0 =	sor.u32 s3, s0;
	s1 =	sshll.u32 s1, $0x11  }
0xbb: {  	s0 =	sor.u32 s1, s0  }
0xbc: {  	s0 =	sadd.s32 $0x8F2B, s0  }
0xbd: {  	[sflag:s0] =	ssyncadd.remote.s32 $0x1  }
0xbe: {  	_ =	sfence.sel $0xFFFF  }
0xbf: {  	[dreg:$0x0] =	wrdreg $0xFFFFFFFF;
	(pc) =	sbr.abs _section_cstart, $3  }
0xc0: {  	[dreg:$0x1] =	wrdreg $0xFFFFFFFF  }
0xc1: {  	_ =	task.clear_ibuf [dreg:s6], $0x2FFFF;
	_ =	strace $0x9FFFFFFF  }
0xc2: {  	(tm) =	ssettm $0x7FFFFFFF  }
0xc3: {  	_ =	shalt  }
tec
execute0_lowered:
.L_overlay_start_1:
0x0: {  	(tag) =	ssettag $0x1  }
0x1: {  	s0 =	rddreg [dreg:$0x0]  }
0x2: {  	s2 =	rddreg [dreg:$0x1];
	s1 =	stileid.u32  }
0x3: {  	s4 =	srdreg.scid;
	s3 =	simm.s32 $0x0;
	s19 =	simm.s32 $0x7  }
0x4: {  	s22 =	simm.s32 $0x80;
	s29 =	simm.s32 $0x100;
	s30 =	simm.s32 $0x180  }
0x5: {  	s31 =	simm.s32 $0x3;
	s21 =	simm.s32 $0x5;
	s5 =	smul.u32 $0x280, s1  }
0x6: {  	s23 =	simm.s32 $0x6;
	s28 =	simm.s32 $0x0;
	s7 =	smul.u32 $0x14000, s1  }
0x7: {  	s10 =	sand.u32 $0x1, s4;
	[smem:$0x7FF] =	sst s3;
	s24 =	smul.u32 $0x50000, s1  }
0x8: {  	s12 =	sadd.s32 $0x15E00, s0;
	s13 =	sadd.s32 $0xBE00, s0;
	s11 =	smul.u32 $0x780, s1  }
0x9: {  	s4 =	sadd.s32 $0x29E00, s0;
	s6 =	smul.u32 $0x140000, s10;
	_ =	strace $0x8000004A  }
0xa: {  	s25 =	ssub.s32 $0x2, s10;
	p0 =	seq.s32 s10, $0x1;
	s14 =	sadd.s32 $0x7800, s5  }
0xb: {  	s5 =	sshrl.u32 s24, $0x2;
	s26 =	sshrl.u32 s25, $0x1;
	s10 =	sadd.s32 s12, s11  }
0xc: {  	s16 =	sor.u32 $0x10, s11;
	s11 =	sadd.s32 s13, s11;
	s24 =	simm.s32 $0x4200  }
0xd: {  	s15 =	sadd.s32 s14, s0;
	s6 =	sadd.s32 s7, s6;
	s5 =	sadd.s32 s5, s2  }
0xe: {  	s17 =	ssub.s32 s25, s26;
	s18 =	sadd.s32 s12, s16;
	s13 =	sadd.s32 s13, s16  }
0xf: {  	s12 =	sadd.s32 s12, s14;
	s25 =	simm.s32 $0x1;
	s26 =	simm.s32 $0x2  }
.Ltmp0:
0x10: {  	s6 =	sshrl.u32 s6, $0x3;
	[dreg:$0x3] =	wrdreg s18;
	(pc) =	sbr.rel .LBB2_1-.Ltmp0, $4  }
0x11: {  	s7 =	sadd.s32 $0x8000, s5;
	s8 =	sadd.s32 $0xC000, s5;
	[dreg:$0x4] =	wrdreg s13  }
0x12: {  	s9 =	sadd.s32 $0x10000, s5;
	[dreg:$0x5] =	wrdreg s12;
	s15 =	sadd.s32 $0x1FE00, s15  }
0x13: {  	s17 =	smax.u32 s17, $0x1;
	s18 =	simm.s32 $0x200;
	s0 =	sadd.s32 s6, s0  }
0x14: {  	v0 =	vimm.f32 $0.0e+00;
	s6 =	sadd.s32 $0x4000, s5;
	s16 =	sadd.s32 $0x51E00, s0;
	s0 =	simm.s32 $0x4  }
.LBB2_6:
0x15: {  	[tilespmem:s24], [sflag:$0x2] =	stream.indirect.gather [hbm4b:s4+s22], $0x80, s22, s22, $0xb8;
	[tilespmem:$0x1EA00] =	vst v63  }
0x16: {  	_ =	swait.ge [sflag:s25], $0x4000  }
0x17: {  	[sflag:s25] =	ssyncset.done $0x0  }
0x18: {  	[sflag:s25] =	ssyncadd.s32 $0xFFFFC000  }
0x19: {  	_ =	swait.ge [sflag:s21], $0x80  }
0x1a: {  	[sflag:s21] =	ssyncset.done $0x0  }
0x1b: {  	[sflag:s21] =	ssyncadd.s32 $0xFFFFFF80  }
0x1c: {  	[spmem:s2] =	stream.indirect.scatter.add.f32 [tilespmem:s18], [sflag:$0x7], $0x80, s29, s22, $0xb8;
	[tilespmem:$0x1EA00] =	vst v63  }
0x1d: {  	_ =	swait.ge [sflag:s19], $0x4000  }
0x1e: {  	[sflag:s19] =	ssyncset.done $0x0  }
0x1f: {  	[sflag:s19] =	ssyncadd.s32 $0xFFFFC000  }
0x20: {  	_ =	swait.ge [sflag:s26], $0x4000  }
0x21: {  	[sflag:s26] =	ssyncset.done $0x0  }
0x22: {  	[sflag:s26] =	ssyncadd.s32 $0xFFFFC000  }
0x23: {  	_ =	swait.ge [sflag:s23], $0x80  }
0x24: {  	[sflag:s23] =	ssyncset.done $0x0  }
0x25: {  	s12 =	simm.s32 $0x180;
	[sflag:s23] =	ssyncadd.s32 $0xFFFFFF80  }
.LBB2_10:
0x26: {  	[spmem:s2] =	stream.indirect.scatter.add.f32 [tilespmem:s24], [sflag:$0x7], $0x80, s12, s22, $0xb8;
	[tilespmem:$0x1EA00] =	vst v63  }
0x27: {  	_ =	swait.ge [sflag:s19], $0x4000  }
0x28: {  	s20 =	sshll.u32 s1, $0x6;
	s28 =	sadd.s32 $0x1, s28;
	[sflag:s19] =	ssyncset.done $0x0  }
0x29: {  	s13 =	sshrl.u32 s5, $0x3;
	p1 =	sne.s32 s28, s17;
	[sflag:s19] =	ssyncadd.s32 $0xFFFFC000  }
.Ltmp1:
0x2a: {  	s12 =	sor.u32 $0x1C07, s20;
	[bflag:$0x0] =	sbarrier.arrive $0xFFFF;
	(pc) =	sbr.rel @!p1 .LBB2_11-.Ltmp1, $4  }
0x2b: {  	[hbm:s16], [sflag:s12] =	dma.local [spmem:s13], $0x2800  }
0x2c: {  	_ =	swait.ge [sflag:s19], $0x2800  }
0x2d: {  	[sflag:s19] =	ssyncset.done $0x0  }
0x2e: {  	[sflag:s19] =	ssyncadd.s32 $0xFFFFD800  }
.LBB2_1:
0x2f: {  	s20 =	simm.s32 $0x0;
	s12 =	simm.s32 $0x200  }
.LBB2_2:
0x30: {  	p1 =	sne.s32 s12, $0xFE00;
	[tilespmem:s20+$0x270] =	vst v0  }
0x31: {  	[tilespmem:s20+$0x200] =	vst v0  }
0x32: {  	[tilespmem:s20+$0x210] =	vst v0  }
.Ltmp2:
0x33: {  	[tilespmem:s20+$0x220] =	vst v0;
	(pc) =	sbr.rel @p1 .LBB2_2-.Ltmp2, $4  }
0x34: {  	[tilespmem:s20+$0x230] =	vst v0  }
0x35: {  	[tilespmem:s20+$0x240] =	vst v0  }
0x36: {  	[tilespmem:s20+$0x250] =	vst v0  }
0x37: {  	[tilespmem:s20+$0x260] =	vst v0;
	s20 =	sshra.s32 s12, $0x2;
	s12 =	sadd.s32 $0x200, s12  }
0x38: {  	[tilespmem:s20+$0x270] =	vst v0  }
0x39: {  	[tilespmem:s20+$0x200] =	vst v0  }
0x3a: {  	[tilespmem:s20+$0x210] =	vst v0  }
0x3b: {  	[tilespmem:s20+$0x220] =	vst v0  }
0x3c: {  	[tilespmem:s20+$0x230] =	vst v0  }
0x3d: {  	[tilespmem:s20+$0x240] =	vst v0  }
0x3e: {  	[tilespmem:s20+$0x250] =	vst v0  }
0x3f: {  	[tilespmem:s20+$0x260] =	vst v0  }
0x40: {  	[spmem:s5] =	stream.linear.scatter [tilespmem:s18], [sflag:$0x7], $0x4000, $0x38;
	[tilespmem:$0x1EA00] =	vst v63  }
0x41: {  	_ =	swait.ge [sflag:s19], $0x4000  }
0x42: {  	[sflag:s19] =	ssyncset.done $0x0  }
0x43: {  	[sflag:s19] =	ssyncadd.s32 $0xFFFFC000  }
0x44: {  	[spmem:s6] =	stream.linear.scatter [tilespmem:s18], [sflag:$0x7], $0x4000, $0x38;
	[tilespmem:$0x1EA00] =	vst v63  }
0x45: {  	_ =	swait.ge [sflag:s19], $0x4000  }
0x46: {  	[sflag:s19] =	ssyncset.done $0x0  }
0x47: {  	[sflag:s19] =	ssyncadd.s32 $0xFFFFC000  }
0x48: {  	[spmem:s7] =	stream.linear.scatter [tilespmem:s18], [sflag:$0x7], $0x4000, $0x38;
	[tilespmem:$0x1EA00] =	vst v63  }
0x49: {  	_ =	swait.ge [sflag:s19], $0x4000  }
0x4a: {  	[sflag:s19] =	ssyncset.done $0x0  }
0x4b: {  	[sflag:s19] =	ssyncadd.s32 $0xFFFFC000  }
0x4c: {  	[spmem:s8] =	stream.linear.scatter [tilespmem:s18], [sflag:$0x7], $0x4000, $0x38;
	[tilespmem:$0x1EA00] =	vst v63  }
0x4d: {  	_ =	swait.ge [sflag:s19], $0x4000  }
0x4e: {  	[sflag:s19] =	ssyncset.done $0x0  }
0x4f: {  	[sflag:s19] =	ssyncadd.s32 $0xFFFFC000  }
0x50: {  	[spmem:s9] =	stream.linear.scatter [tilespmem:s18], [sflag:$0x7], $0x4000, $0x38;
	[tilespmem:$0x1EA00] =	vst v63  }
.Ltmp3:
0x51: {  	_ =	swait.ge [sflag:s19], $0x4000;
	(pc) =	sbr.rel @!p0 .LBB2_4-.Ltmp3, $3  }
0x52: {  	[sflag:s19] =	ssyncset.done $0x0  }
0x53: {  	[sflag:s19] =	ssyncadd.s32 $0xFFFFC000  }
0x54: {  	[bflag:$0x0] =	sbarrier.arrive $0xFFFF;
	_ =	sdelay $0x1  }
0x55: {  	s12 =	simm.s32 $0x0;
	s13 =	rddreg [dreg:$0x5];
	s14 =	simm.s32 $0x8200  }
0x56: {  	[tilespmem:s14], [sflag:$0x7] =	stream.linear.gather [hbm4b:s13+s12], $0x1400, $0x38;
	[tilespmem:$0x1EA00] =	vst v63  }
0x57: {  	_ =	swait.ge [sflag:s19], $0x1400  }
0x58: {  	[sflag:s19] =	ssyncset.done $0x0  }
0x59: {  	s20 =	simm.s32 $0x9600;
	[sflag:s19] =	ssyncadd.s32 $0xFFFFEC00  }
0x5a: {  	[tilespmem:s20], [sflag:$0x7] =	stream.linear.gather [hbm4b:s15+s12], $0x1400, $0x38;
	[tilespmem:$0x1EA00] =	vst v63  }
0x5b: {  	_ =	swait.ge [sflag:s19], $0x1400  }
0x5c: {  	[sflag:s19] =	ssyncset.done $0x0  }
0x5d: {  	[sflag:s19] =	ssyncadd.s32 $0xFFFFEC00  }
0x5e: {  	[tilespmem:s18], [sflag:$0x1] =	stream.indirect.gather [hbm4b:s4+s22], $0x80, s14, s22, $0xb8;
	[tilespmem:$0x1EA00] =	vst v63  }
0x5f: {  	s20 =	simm.s32 $0x8280  }
0x60: {  	[tilespmem:s24], [sflag:$0x2] =	stream.indirect.gather [hbm4b:s4+s22], $0x80, s20, s22, $0xb8;
	[tilespmem:$0x1EA00] =	vst v63  }
0x61: {  	_ =	swait.ge [sflag:s25], $0x4000  }
0x62: {  	[sflag:s25] =	ssyncset.done $0x0  }
0x63: {  	s13 =	simm.s32 $0x9600;
	[sflag:s25] =	ssyncadd.s32 $0xFFFFC000  }
0x64: {  	[spmem:s2] =	stream.indirect.scatter.add.f32 [tilespmem:s18], [sflag:$0x7], $0x80, s13, s22, $0xb8;
	[tilespmem:$0x1EA00] =	vst v63  }
0x65: {  	_ =	swait.ge [sflag:s19], $0x4000  }
0x66: {  	[sflag:s19] =	ssyncset.done $0x0  }
0x67: {  	s14 =	simm.s32 $0x8300;
	[sflag:s19] =	ssyncadd.s32 $0xFFFFC000  }
0x68: {  	[tilespmem:s18], [sflag:$0x1] =	stream.indirect.gather [hbm4b:s4+s22], $0x80, s14, s22, $0xb8;
	[tilespmem:$0x1EA00] =	vst v63  }
0x69: {  	_ =	swait.ge [sflag:s26], $0x4000  }
0x6a: {  	[sflag:s26] =	ssyncset.done $0x0  }
0x6b: {  	s20 =	simm.s32 $0x9680;
	[sflag:s26] =	ssyncadd.s32 $0xFFFFC000  }
0x6c: {  	[spmem:s2] =	stream.indirect.scatter.add.f32 [tilespmem:s24], [sflag:$0x7], $0x80, s20, s22, $0xb8;
	[tilespmem:$0x1EA00] =	vst v63  }
0x6d: {  	_ =	swait.ge [sflag:s19], $0x4000  }
0x6e: {  	[sflag:s19] =	ssyncset.done $0x0  }
0x6f: {  	s12 =	simm.s32 $0x8380;
	s20 =	simm.s32 $0x400;
	[sflag:s19] =	ssyncadd.s32 $0xFFFFC000  }
.LBB2_8:
0x70: {  	[tilespmem:s24], [sflag:$0x2] =	stream.indirect.gather [hbm4b:s4+s22], $0x80, s12, s22, $0xb8;
	[tilespmem:$0x1EA00] =	vst v63  }
0x71: {  	s12 =	smov.u32 s20  }
0x72: {  	p1 =	sne.s32 s20, $0x4800;
	s20 =	sadd.s32 $0x400, s20;
	_ =	swait.ge [sflag:s25], $0x4000  }
0x73: {  	s12 =	sshra.s32 s12, $0x2;
	[sflag:s25] =	ssyncset.done $0x0  }
0x74: {  	s13 =	sadd.s32 $0x9600, s12;
	[sflag:s25] =	ssyncadd.s32 $0xFFFFC000  }
0x75: {  	[spmem:s2] =	stream.indirect.scatter.add.f32 [tilespmem:s18], [sflag:$0x7], $0x80, s13, s22, $0xb8;
	[tilespmem:$0x1EA00] =	vst v63  }
0x76: {  	_ =	swait.ge [sflag:s19], $0x4000  }
0x77: {  	[sflag:s19] =	ssyncset.done $0x0  }
0x78: {  	s13 =	sadd.s32 $0x8300, s12;
	[sflag:s19] =	ssyncadd.s32 $0xFFFFC000  }
0x79: {  	[tilespmem:s18], [sflag:$0x1] =	stream.indirect.gather [hbm4b:s4+s22], $0x80, s13, s22, $0xb8;
	[tilespmem:$0x1EA00] =	vst v63  }
0x7a: {  	_ =	swait.ge [sflag:s26], $0x4000  }
0x7b: {  	[sflag:s26] =	ssyncset.done $0x0  }
.Ltmp4:
0x7c: {  	s13 =	sadd.s32 $0x9680, s12;
	[sflag:s26] =	ssyncadd.s32 $0xFFFFC000;
	(pc) =	sbr.rel @p1 .LBB2_8-.Ltmp4, $4  }
0x7d: {  	[spmem:s2] =	stream.indirect.scatter.add.f32 [tilespmem:s24], [sflag:$0x7], $0x80, s13, s22, $0xb8;
	[tilespmem:$0x1EA00] =	vst v63  }
0x7e: {  	_ =	swait.ge [sflag:s19], $0x4000  }
0x7f: {  	[sflag:s19] =	ssyncset.done $0x0  }
0x80: {  	s12 =	sadd.s32 $0x8380, s12;
	[sflag:s19] =	ssyncadd.s32 $0xFFFFC000  }
0x81: {  	[tilespmem:s24], [sflag:$0x2] =	stream.indirect.gather [hbm4b:s4+s22], $0x80, s12, s22, $0xb8;
	[tilespmem:$0x1EA00] =	vst v63  }
0x82: {  	_ =	swait.ge [sflag:s25], $0x4000  }
0x83: {  	[sflag:s25] =	ssyncset.done $0x0  }
0x84: {  	s20 =	simm.s32 $0xA900;
	[sflag:s25] =	ssyncadd.s32 $0xFFFFC000  }
0x85: {  	[spmem:s2] =	stream.indirect.scatter.add.f32 [tilespmem:s18], [sflag:$0x7], $0x80, s20, s22, $0xb8;
	[tilespmem:$0x1EA00] =	vst v63  }
0x86: {  	_ =	swait.ge [sflag:s19], $0x4000  }
.Ltmp5:
0x87: {  	[sflag:s19] =	ssyncset.done $0x0;
	(pc) =	sbr.rel .LBB2_10-.Ltmp5, $4  }
0x88: {  	[sflag:s19] =	ssyncadd.s32 $0xFFFFC000  }
0x89: {  	_ =	swait.ge [sflag:s26], $0x4000  }
0x8a: {  	[sflag:s26] =	ssyncset.done $0x0  }
0x8b: {  	s12 =	simm.s32 $0xA980;
	[sflag:s26] =	ssyncadd.s32 $0xFFFFC000  }
.LBB2_4:
0x8c: {  	[tilespmem:s3], [sflag:$0x3] =	stream.linear.gather [hbm4b:s10+s3], $0x80, $0x38;
	[tilespmem:$0x1EA00] =	vst v63  }
0x8d: {  	_ = 	snop  }
0x8e: {  	[tilespmem:s29], [sflag:$0x5] =	stream.linear.gather [hbm4b:s11+s3], $0x80, $0x38;
	[tilespmem:$0x1EA00] =	vst v63  }
0x8f: {  	s12 =	rddreg [dreg:$0x3]  }
0x90: {  	[tilespmem:s22], [sflag:$0x4] =	stream.linear.gather [hbm4b:s12+s3], $0x80, $0x38;
	[tilespmem:$0x1EA00] =	vst v63  }
0x91: {  	s13 =	rddreg [dreg:$0x4]  }
0x92: {  	[tilespmem:s30], [sflag:$0x6] =	stream.linear.gather [hbm4b:s13+s3], $0x80, $0x38;
	[tilespmem:$0x1EA00] =	vst v63  }
0x93: {  	_ =	swait.ge [sflag:s31], $0x80  }
0x94: {  	[sflag:s31] =	ssyncset.done $0x0  }
0x95: {  	[sflag:s31] =	ssyncadd.s32 $0xFFFFFF80  }
0x96: {  	[tilespmem:s18], [sflag:$0x1] =	stream.indirect.gather [hbm4b:s4+s22], $0x80, s3, s22, $0xb8;
	[tilespmem:$0x1EA00] =	vst v63  }
0x97: {  	_ =	swait.ge [sflag:s0], $0x80  }
0x98: {  	[sflag:s0] =	ssyncset.done $0x0  }
0x99: {  	[sflag:s0] =	ssyncadd.s32 $0xFFFFFF80  }
0x9a: {  	[tilespmem:s24], [sflag:$0x2] =	stream.indirect.gather [hbm4b:s4+s22], $0x80, s22, s22, $0xb8;
	[tilespmem:$0x1EA00] =	vst v63  }
0x9b: {  	_ =	swait.ge [sflag:s25], $0x4000  }
0x9c: {  	s12 =	sadd.s32 $0xFFFFF8A0, s10;
	[sflag:s25] =	ssyncset.done $0x0  }
0x9d: {  	s20 =	sadd.s32 $0x780, s12;
	[sflag:s25] =	ssyncadd.s32 $0xFFFFC000  }
0x9e: {  	[tilespmem:s3], [sflag:$0x3] =	stream.linear.gather [hbm4b:s20+s3], $0x80, $0x38;
	[tilespmem:$0x1EA00] =	vst v63  }
0x9f: {  	_ =	swait.ge [sflag:s21], $0x80  }
0xa0: {  	[sflag:s21] =	ssyncset.done $0x0  }
0xa1: {  	[sflag:s21] =	ssyncadd.s32 $0xFFFFFF80  }
0xa2: {  	[spmem:s2] =	stream.indirect.scatter.add.f32 [tilespmem:s18], [sflag:$0x7], $0x80, s29, s22, $0xb8;
	[tilespmem:$0x1EA00] =	vst v63  }
0xa3: {  	_ =	swait.ge [sflag:s19], $0x4000  }
0xa4: {  	s14 =	sadd.s32 $0xFFFFF8A0, s11;
	[sflag:s19] =	ssyncset.done $0x0  }
0xa5: {  	s13 =	sadd.s32 $0x780, s14;
	[sflag:s19] =	ssyncadd.s32 $0xFFFFC000  }
0xa6: {  	[tilespmem:s29], [sflag:$0x5] =	stream.linear.gather [hbm4b:s13+s3], $0x80, $0x38;
	[tilespmem:$0x1EA00] =	vst v63  }
0xa7: {  	_ =	swait.ge [sflag:s31], $0x80  }
0xa8: {  	[sflag:s31] =	ssyncset.done $0x0  }
0xa9: {  	[sflag:s31] =	ssyncadd.s32 $0xFFFFFF80  }
0xaa: {  	[tilespmem:s18], [sflag:$0x1] =	stream.indirect.gather [hbm4b:s4+s22], $0x80, s3, s22, $0xb8;
	[tilespmem:$0x1EA00] =	vst v63  }
0xab: {  	_ =	swait.ge [sflag:s26], $0x4000  }
0xac: {  	[sflag:s26] =	ssyncset.done $0x0  }
0xad: {  	s12 =	sadd.s32 $0x790, s12;
	[sflag:s26] =	ssyncadd.s32 $0xFFFFC000  }
0xae: {  	[tilespmem:s22], [sflag:$0x4] =	stream.linear.gather [hbm4b:s12+s3], $0x80, $0x38;
	[tilespmem:$0x1EA00] =	vst v63  }
0xaf: {  	_ =	swait.ge [sflag:s23], $0x80  }
0xb0: {  	[sflag:s23] =	ssyncset.done $0x0  }
0xb1: {  	[sflag:s23] =	ssyncadd.s32 $0xFFFFFF80  }
0xb2: {  	[spmem:s2] =	stream.indirect.scatter.add.f32 [tilespmem:s24], [sflag:$0x7], $0x80, s30, s22, $0xb8;
	[tilespmem:$0x1EA00] =	vst v63  }
0xb3: {  	_ =	swait.ge [sflag:s19], $0x4000  }
0xb4: {  	[sflag:s19] =	ssyncset.done $0x0  }
0xb5: {  	s20 =	sadd.s32 $0x790, s14;
	[sflag:s19] =	ssyncadd.s32 $0xFFFFC000  }
0xb6: {  	[tilespmem:s30], [sflag:$0x6] =	stream.linear.gather [hbm4b:s20+s3], $0x80, $0x38;
	[tilespmem:$0x1EA00] =	vst v63  }
0xb7: {  	_ =	swait.ge [sflag:s0], $0x80  }
0xb8: {  	[sflag:s0] =	ssyncset.done $0x0  }
0xb9: {  	s20 =	simm.s32 $0xFFFFF8C0;
	[sflag:s0] =	ssyncadd.s32 $0xFFFFFF80  }
.LBB2_5:
0xba: {  	[tilespmem:s24], [sflag:$0x2] =	stream.indirect.gather [hbm4b:s4+s22], $0x80, s22, s22, $0xb8;
	[tilespmem:$0x1EA00] =	vst v63  }
0xbb: {  	s12 =	smov.u32 s20  }
0xbc: {  	p1 =	sne.s32 s20, $0xFFFFFFE0;
	s20 =	sadd.s32 $0x20, s20;
	_ =	swait.ge [sflag:s25], $0x4000  }
0xbd: {  	s13 =	sadd.s32 s12, s10;
	[sflag:s25] =	ssyncset.done $0x0  }
0xbe: {  	s14 =	sadd.s32 $0x780, s13;
	[sflag:s25] =	ssyncadd.s32 $0xFFFFC000  }
0xbf: {  	[tilespmem:s3], [sflag:$0x3] =	stream.linear.gather [hbm4b:s14+s3], $0x80, $0x38;
	[tilespmem:$0x1EA00] =	vst v63  }
0xc0: {  	_ =	swait.ge [sflag:s21], $0x80  }
0xc1: {  	[sflag:s21] =	ssyncset.done $0x0  }
0xc2: {  	[sflag:s21] =	ssyncadd.s32 $0xFFFFFF80  }
0xc3: {  	[spmem:s2] =	stream.indirect.scatter.add.f32 [tilespmem:s18], [sflag:$0x7], $0x80, s29, s22, $0xb8;
	[tilespmem:$0x1EA00] =	vst v63  }
0xc4: {  	_ =	swait.ge [sflag:s19], $0x4000  }
0xc5: {  	s12 =	sadd.s32 s12, s11;
	[sflag:s19] =	ssyncset.done $0x0  }
0xc6: {  	s14 =	sadd.s32 $0x780, s12;
	[sflag:s19] =	ssyncadd.s32 $0xFFFFC000  }
0xc7: {  	[tilespmem:s29], [sflag:$0x5] =	stream.linear.gather [hbm4b:s14+s3], $0x80, $0x38;
	[tilespmem:$0x1EA00] =	vst v63  }
0xc8: {  	_ =	swait.ge [sflag:s31], $0x80  }
0xc9: {  	[sflag:s31] =	ssyncset.done $0x0  }
0xca: {  	[sflag:s31] =	ssyncadd.s32 $0xFFFFFF80  }
0xcb: {  	[tilespmem:s18], [sflag:$0x1] =	stream.indirect.gather [hbm4b:s4+s22], $0x80, s3, s22, $0xb8;
	[tilespmem:$0x1EA00] =	vst v63  }
0xcc: {  	_ =	swait.ge [sflag:s26], $0x4000  }
0xcd: {  	[sflag:s26] =	ssyncset.done $0x0  }
0xce: {  	s13 =	sadd.s32 $0x790, s13;
	[sflag:s26] =	ssyncadd.s32 $0xFFFFC000  }
0xcf: {  	[tilespmem:s22], [sflag:$0x4] =	stream.linear.gather [hbm4b:s13+s3], $0x80, $0x38;
	[tilespmem:$0x1EA00] =	vst v63  }
0xd0: {  	_ =	swait.ge [sflag:s23], $0x80  }
0xd1: {  	[sflag:s23] =	ssyncset.done $0x0  }
0xd2: {  	[sflag:s23] =	ssyncadd.s32 $0xFFFFFF80  }
0xd3: {  	[spmem:s2] =	stream.indirect.scatter.add.f32 [tilespmem:s24], [sflag:$0x7], $0x80, s30, s22, $0xb8;
	[tilespmem:$0x1EA00] =	vst v63  }
0xd4: {  	_ =	swait.ge [sflag:s19], $0x4000  }
0xd5: {  	[sflag:s19] =	ssyncset.done $0x0  }
.Ltmp6:
0xd6: {  	s12 =	sadd.s32 $0x790, s12;
	[sflag:s19] =	ssyncadd.s32 $0xFFFFC000;
	(pc) =	sbr.rel @p1 .LBB2_5-.Ltmp6, $4  }
0xd7: {  	[tilespmem:s30], [sflag:$0x6] =	stream.linear.gather [hbm4b:s12+s3], $0x80, $0x38;
	[tilespmem:$0x1EA00] =	vst v63  }
0xd8: {  	_ =	swait.ge [sflag:s0], $0x80  }
0xd9: {  	[sflag:s0] =	ssyncset.done $0x0  }
0xda: {  	[sflag:s0] =	ssyncadd.s32 $0xFFFFFF80  }
.Ltmp7:
0xdb: {  	_ = 	snop;
	(pc) =	sbr.rel .LBB2_6-.Ltmp7, $1  }
0xdc: {  	_ =	sdelay $0x3  }
.LBB2_11:
0xdd: {  	_ =	sfence.sel $0x180000  }
0xde: {  	[bflag:$0x0] =	sbarrier.arrive $0xFFFF  }
0xdf: {  	_ =	strace $0x9000004A  }
0xe0: {  	[bflag:$0x2] =	sbarrier.arrive $0xFFFF  }
0xe1: {  	p0 =	sne.s32 s1, $0x0;
	s0 =	rddreg [dreg:$0x2]  }
0xe2: {  	s0 =	sadd.s32 @!p0 $0x100000, s0  }
0xe3: {  	[sflag:s0] =	ssyncadd.tile.s32 @!p0 $0x1;
	_ =	shalt  }
.Lfunc_end2:
_tile_overlayer_lowered:
.L_overlay_start_2:
0xe4: {  	(tag) =	ssettag $0x2  }
0xe5: {  	s0 =	rddreg [dreg:$0x0];
	s2 =	stileid.u32  }
0xe6: {  	s1 =	rddreg [dreg:$0x1];
	p0 =	sne.s32 s2, $0x0  }
0xe7: {  	s3 =	rddreg [dreg:$0x2];
	[bflag:$0x3] =	sbarrier.arrive $0xFFFF;
	s2 =	simm.s32 @!p0 $0x1C07  }
0xe8: {  	[timem:s3], [sflag:s2] =	dma.local @!p0 [hbm:s0], s1  }
0xe9: {  	s0 =	simm.s32 @!p0 $0x7  }
0xea: {  	_ =	swait.ge @!p0 [sflag:s0], s1  }
0xeb: {  	s1 =	ssub.s32 @!p0 $0x0, s1;
	[sflag:s0] =	ssyncset.done @!p0 $0x0  }
0xec: {  	[sflag:s0] =	ssyncadd.s32 @!p0 s1  }
0xed: {  	[bflag:$0x3] =	sbarrier.arrive $0xFFFF  }
0xee: {  	_ =	shalt  }

// kernel: kernel.14.cloned.1.call-start
scs
__scs_entry_jumppad:
0x0: {  	(pc) =	sbr.rel $0x88, $3  }
0x1: {  	(tag) =	ssettag $0x0;
	lr =	simm.s32 $0x1  }
0x2: {  	[smem:$0x3F98] =	sst lr;
	_ =	strace $0xD0000000  }
0x3: {  	_ = 	snop  }
0x4: {  	_ = 	snop  }
0x5: {  	_ = 	snop  }
0x6: {  	_ = 	snop  }
0x7: {  	_ = 	snop  }
__scs_overlays_trampoline_lowered:
0x8: {  	[smem:$0x3FA7] =	sst s0  }
0x9: {  	[smem:$0x3FA8] =	sst s1  }
0xa: {  	[smem:$0x3FA9] =	sst s2  }
0xb: {  	[smem:$0x3FAA] =	sst s3  }
0xc: {  	[smem:$0x3FAB] =	sst s4  }
0xd: {  	[smem:$0x3FAC] =	sst s5  }
0xe: {  	[smem:$0x3FAD] =	sst s6  }
0xf: {  	[smem:$0x3FAE] =	sst s7  }
0x10: {  	[smem:$0x3FAF] =	sst s8  }
0x11: {  	[smem:$0x3FB0] =	sst s9;
	s0 =	simm.s32 @!p0 $0x0  }
0x12: {  	s1 =	sld [smem:$0x3F96];
	s0 =	simm.s32 @p0 $0x1  }
0x13: {  	[smem:$0x3FB1] =	sst s0;
	s0 =	simm.s32 @!p1 $0x0  }
0x14: {  	s2 =	sld [smem:$0x3F95];
	s0 =	simm.s32 @p1 $0x1  }
0x15: {  	[smem:$0x3FB2] =	sst s0;
	s0 =	simm.s32 @!p2 $0x0  }
0x16: {  	s3 =	sld [smem:$0x3FDB];
	s0 =	simm.s32 @p2 $0x1  }
0x17: {  	s4 =	simm.s32 $0x1BF5;
	[smem:$0x3FB4] =	sst s0  }
0x18: {  	s0 =	sld [smem:$0x3F97];
	_ =	swait.ge [sflag:s4], $0x0  }
0x19: {  	s7 =	sld [smem:$0x3F98]  }
0x1a: {  	s8 =	sadd.s32 $0xFFFFE003, lr  }
0x1b: {  	s9 =	sadd.s32 $0xFFFFFEF7, lr;
	s5 =	simm.s32 $0xFFFFFFFF;
	p2 =	slt.u32 s8, $0xFFFFF086  }
0x1c: {  	p1 =	slt.u32 s9, $0xF7A;
	s5 =	simm.s32 @!p2 $0x0  }
0x1d: {  	s5 =	simm.s32 @p1 $0x1;
	p0 =	seq.s32 s7, s2  }
0x1e: {  	s7 =	smul.u32 @!p0 $0xF7A, s2;
	p2 =	seq.s32 @!p0 s5, $0x0  }
0x1f: {  	s9 =	smul.u32 $0xF7A, s1;
	s8 =	simm.s32 @!p0 $0x1BF5;
	p2 =	por !p2, p0  }
0x20: {  	[sflag:s8] =	ssyncset.s32 @!p0 $0xFFFFF086;
	s6 =	sadd.s32 @!p0 s3, s7;
	s7 =	simm.s32 @!p0 $0x108  }
0x21: {  	s3 =	sadd.s32 s3, s9;
	s6 =	sadd.s32 @!p0 $0x88, s6;
	s7 =	simm.s32 @p2 $0x1082  }
0x22: {  	[simem:s7], [sflag:s8] =	dma.local @!p0 [hbm:s6], $0xF7A  }
0x23: {  	s9 =	sor.u32 $0xD0000000, s2;
	s6 =	simm.s32 $0x108;
	_ =	swait.ge @!p0 [sflag:s8], $0x0  }
0x24: {  	s3 =	sadd.s32 $0x88, s3;
	s6 =	simm.s32 @!p1 $0x1082;
	[sflag:s4] =	ssyncset.s32 $0xFFFFF086  }
0x25: {  	[simem:s6], [sflag:s4] =	dma.local [hbm:s3], $0xF7A  }
0x26: {  	[smem:$0x3F98] =	sst s1;
	(tag) =	ssettag s2;
	_ =	strace s9  }
0x27: {  	s1 =	sld [smem:$0x3FA8]  }
0x28: {  	s2 =	sld [smem:$0x3FA9]  }
0x29: {  	s4 =	sld [smem:$0x3FAB]  }
0x2a: {  	p0 =	seq.s32 s5, $0x0;
	s5 =	sld [smem:$0x3FAC]  }
0x2b: {  	s6 =	sld [smem:$0x3FAD]  }
0x2c: {  	s7 =	sld [smem:$0x3FAE]  }
0x2d: {  	s3 =	simm.s32 $0x108;
	s8 =	sld [smem:$0x3FAF]  }
0x2e: {  	s3 =	simm.s32 @!p0 $0x1082;
	s9 =	sld [smem:$0x3FB0]  }
0x2f: {  	lr =	sadd.s32 s0, s3;
	s0 =	sld [smem:$0x3FA7]  }
0x30: {  	s3 =	sld [smem:$0x3FAA]  }
0x31: {  	[smem:$0x3FB3] =	sst s10  }
0x32: {  	s10 =	sld [smem:$0x3FB1];
	_ =	sdelay $0x3  }
0x33: {  	p0 =	seq.s32 s10, $0x1;
	s10 =	sld [smem:$0x3FB3];
	_ =	sdelay $0x3  }
0x34: {  	[smem:$0x3FB3] =	sst s10  }
0x35: {  	s10 =	sld [smem:$0x3FB2];
	_ =	sdelay $0x3  }
0x36: {  	p1 =	seq.s32 s10, $0x1;
	s10 =	sld [smem:$0x3FB3];
	_ =	sdelay $0x3  }
0x37: {  	[smem:$0x3FB3] =	sst s10  }
0x38: {  	s10 =	sld [smem:$0x3FB4]  }
0x39: {  	_ = 	snop;
	(pc) =	sbr.ind lr, $3  }
0x3a: {  	_ = 	snop  }
0x3b: {  	_ = 	snop  }
0x3c: {  	p2 =	seq.s32 s10, $0x1;
	s10 =	sld [smem:$0x3FB3]  }
0x3d: {  	_ =	shalt  }
0x3e: {  	_ =	shalt  }
0x3f: {  	_ =	shalt  }
0x40: {  	_ =	shalt  }
0x41: {  	_ =	shalt  }
0x42: {  	_ =	shalt  }
0x43: {  	_ =	shalt  }
0x44: {  	_ =	shalt  }
0x45: {  	_ =	shalt  }
0x46: {  	_ =	shalt  }
0x47: {  	_ =	shalt  }
0x48: {  	_ =	shalt  }
0x49: {  	_ =	shalt  }
0x4a: {  	_ =	shalt  }
0x4b: {  	_ =	shalt  }
0x4c: {  	_ =	shalt  }
0x4d: {  	_ =	shalt  }
0x4e: {  	_ =	shalt  }
0x4f: {  	_ =	shalt  }
0x50: {  	_ =	shalt  }
0x51: {  	_ =	shalt  }
0x52: {  	_ =	shalt  }
0x53: {  	_ =	shalt  }
0x54: {  	_ =	shalt  }
0x55: {  	_ =	shalt  }
0x56: {  	_ =	shalt  }
0x57: {  	_ =	shalt  }
0x58: {  	_ =	shalt  }
0x59: {  	_ =	shalt  }
0x5a: {  	_ =	shalt  }
0x5b: {  	_ =	shalt  }
0x5c: {  	_ =	shalt  }
0x5d: {  	_ =	shalt  }
0x5e: {  	_ =	shalt  }
0x5f: {  	_ =	shalt  }
0x60: {  	_ =	shalt  }
0x61: {  	_ =	shalt  }
0x62: {  	_ =	shalt  }
0x63: {  	_ =	shalt  }
0x64: {  	_ =	shalt  }
0x65: {  	_ =	shalt  }
0x66: {  	_ =	shalt  }
0x67: {  	_ =	shalt  }
0x68: {  	_ =	shalt  }
0x69: {  	_ =	shalt  }
0x6a: {  	_ =	shalt  }
0x6b: {  	_ =	shalt  }
0x6c: {  	_ =	shalt  }
0x6d: {  	_ =	shalt  }
0x6e: {  	_ =	shalt  }
0x6f: {  	_ =	shalt  }
0x70: {  	_ =	shalt  }
0x71: {  	_ =	shalt  }
0x72: {  	_ =	shalt  }
0x73: {  	_ =	shalt  }
0x74: {  	_ =	shalt  }
0x75: {  	_ =	shalt  }
0x76: {  	_ =	shalt  }
0x77: {  	_ =	shalt  }
0x78: {  	_ =	shalt  }
0x79: {  	_ =	shalt  }
0x7a: {  	_ =	shalt  }
0x7b: {  	_ =	shalt  }
0x7c: {  	_ =	shalt  }
0x7d: {  	_ =	shalt  }
0x7e: {  	_ =	shalt  }
0x7f: {  	_ =	shalt  }
0x80: {  	_ =	shalt  }
0x81: {  	_ =	shalt  }
0x82: {  	_ =	shalt  }
0x83: {  	_ =	shalt  }
0x84: {  	_ =	shalt  }
0x85: {  	_ =	shalt  }
0x86: {  	_ =	shalt  }
0x87: {  	_ =	shalt  }
.Lfunc_end0:
.L_simem_size_0:
called_computation.2_lowered:
.L_overlay_start_0:
0x88: {  	s2 =	sld [smem:$0x3FD9]  }
0x89: {  	s3 =	sld [smem:$0x3FFE];
	_ =	sdelay $0x1  }
0x8a: {  	s1 =	srdreg.scid  }
0x8b: {  	s0 =	sand.u32 $0x1, s1  }
0x8c: {  	s14 =	sshll.u32 s0, $0xA;
	s2 =	sadd.s32 s3, s2  }
0x8d: {  	s2 =	sadd.s32 s2, s14  }
0x8e: {  	[smem:$0x3FBF] =	sst s2  }
0x8f: {  	_ = 	snop  }
0x90: {  	s2 =	sld [smem:$0x3FD0];
	_ =	sdelay $0x2  }
0x91: {  	s15 =	simm.s32 $0xA;
	s4 =	simm.s32 $0x10  }
0x92: {  	[smem:s4], [sflag:s15] =	dma.local [hbm:s2], $0x1  }
0x93: {  	_ =	swait.eq [sflag:s15], $0x1  }
0x94: {  	[sflag:s15] =	ssyncset.done $0x0  }
0x95: {  	[sflag:s15] =	ssyncadd.s32 $0xFFFFFFFF  }
0x96: {  	s16 =	sld [smem:$0x10];
	(tm) =	ssettm $0x1  }
0x97: {  	s17 =	sld [smem:$0x3FFB];
	_ =	sdelay $0x3  }
0x98: {  	_ =	strace s17  }
0x99: {  	s3 =	sld [smem:$0x3FFC];
	_ =	sdelay $0x3  }
0x9a: {  	_ =	strace s3  }
0x9b: {  	s3 =	sld [smem:$0x3FFD];
	_ =	sdelay $0x3  }
0x9c: {  	_ =	strace s3  }
0x9d: {  	_ =	strace $0x8FFFFFFF  }
0x9e: {  	s18 =	sld [smem:$0x3FDB];
	_ =	sdelay $0x1  }
0x9f: {  	s19 =	simm.s32 $_scs_section_size  }
0xa0: {  	s5 =	simm.s32 $_size__tile_overlayer_lowered;
	s6 =	simm.s32 $_tile_overlayer_lowered  }
0xa1: {  	s22 =	simm.s32 $0x1BFF;
	s21 =	sshll.u32 s6, $0x1;
	s3 =	sadd.s32 s19, s18  }
0xa2: {  	s7 =	simm.s32 $0x0;
	s20 =	sshll.u32 s5, $0x1;
	s5 =	sadd.s32 s21, s3  }
0xa3: {  	[timem:s7], [sflag:s22] =	dma.local [hbm:s5], s20  }
0xa4: {  	_ =	swait.ge [sflag:s22], s20  }
0xa5: {  	s4 =	ssub.s32 $0x0, s20;
	[sflag:s22] =	ssyncset.done $0x0  }
0xa6: {  	[sflag:s22] =	ssyncadd.s32 s4;
	_ =	sdelay $0x1  }
0xa7: {  	s23 =	simm.s32 $0x1B8B  }
0xa8: {  	_ =	swait.ge [sflag:s23], $0x1  }
0xa9: {  	[sflag:s23] =	ssyncset.done $0x0  }
0xaa: {  	s25 =	simm.s32 $0x1B8E;
	s24 =	sld [smem:$0x3FFE];
	[sflag:s23] =	ssyncadd.s32 $0xFFFFFFFF  }
0xab: {  	s26 =	simm.s32 $execute0_lowered;
	[smem:$0x3FD2] =	sst s25  }
0xac: {  	s5 =	sshll.u32 s26, $0x1;
	_ =	strace $0x8000004C;
	[dreg:$0x1] =	wrdreg $0xFFFFFFFF  }
0xad: {  	s28 =	simm.s32 $_size_execute0_lowered;
	s3 =	sadd.s32 s3, s5;
	[dreg:$0x0] =	wrdreg $0x0  }
0xae: {  	s5 =	sshll.u32 s28, $0x1;
	[dreg:$0x2] =	wrdreg s3  }
0xaf: {  	[dreg:$0x3] =	wrdreg s5  }
0xb0: {  	[dreg:$0x4] =	wrdreg $0xC0  }
0xb1: {  	_ =	task [dreg:s7], $0x5FFFF  }
0xb2: {  	[dreg:$0x1] =	wrdreg $0xFFFFFFFF  }
0xb3: {  	[dreg:$0x0] =	wrdreg $0x60  }
0xb4: {  	[dreg:$0x2] =	wrdreg s24  }
0xb5: {  	[dreg:$0x3] =	wrdreg s16  }
0xb6: {  	[dreg:$0x4] =	wrdreg $0xAE800  }
0xb7: {  	[dreg:$0x5] =	wrdreg $0x9  }
0xb8: {  	_ =	task.clear_ibuf [dreg:s7], $0x6FFFF;
	_ =	strace $0x9000004C  }
0xb9: {  	s29 =	simm.s32 $0x9;
	_ =	strace $0x8000004E  }
0xba: {  	_ =	swait.ge [sflag:s29], $0x1  }
0xbb: {  	[sflag:s29] =	ssyncadd.s32 $0xFFFFFFFF  }
0xbc: {  	_ =	strace $0x9000004E  }
0xbd: {  	_ =	sfence  }
0xbe: {  	s30 =	sld [smem:$0x0];
	_ =	sdelay $0x2  }
0xbf: {  	s31 =	sshll.u32 s1, $0xD;
	s1 =	sshrl.u32 s1, $0x2  }
0xc0: {  	s3 =	sand.u32 $0x4000, s31;
	s1 =	sadd.s32 s1, s30  }
0xc1: {  	s0 =	sor.u32 s3, s0;
	s1 =	sshll.u32 s1, $0x11  }
0xc2: {  	s0 =	sor.u32 s1, s0  }
0xc3: {  	s0 =	sadd.s32 $0x8F2B, s0  }
0xc4: {  	[sflag:s0] =	ssyncadd.remote.s32 $0x1  }
0xc5: {  	_ =	sfence.sel $0xFFFF  }
0xc6: {  	[dreg:$0x0] =	wrdreg $0xFFFFFFFF;
	(pc) =	sbr.abs _section_cstart, $3  }
0xc7: {  	[dreg:$0x1] =	wrdreg $0xFFFFFFFF  }
0xc8: {  	_ =	task.clear_ibuf [dreg:s7], $0x2FFFF;
	_ =	strace $0x9FFFFFFF  }
0xc9: {  	(tm) =	ssettm $0x7FFFFFFF  }
tec
execute0_lowered:
.L_overlay_start_1:
0x0: {  	(tag) =	ssettag $0x1  }
0x1: {  	s0 =	srdreg.scid  }
0x2: {  	s0 =	sand.u32 $0x1, s0  }
0x3: {  	p0 =	seq.s32 s0, $0x1  }
.Ltmp0:
0x4: {  	_ = 	snop;
	(pc) =	sbr.rel @p0 .LBB2_6-.Ltmp0, $4  }
0x5: {  	s6 =	rddreg [dreg:$0x0]  }
0x6: {  	s3 =	rddreg [dreg:$0x2];
	s1 =	simm.s32 $0x0  }
0x7: {  	[smem:$0x7FF] =	sst s1  }
0x8: {  	s2 =	rddreg [dreg:$0x3];
	_ =	strace $0x8000004D;
	s0 =	stileid.u32  }
0x9: {  	v0 =	vimm.f32 $0.0e+00  }
0xa: {  	[tilespmem:$0xAC00] =	vst v0  }
0xb: {  	[tilespmem:$0xAC10] =	vst v0  }
0xc: {  	[tilespmem:$0xAC20] =	vst v0  }
0xd: {  	[tilespmem:$0xAC30] =	vst v0  }
0xe: {  	[tilespmem:$0xAC40] =	vst v0  }
0xf: {  	[tilespmem:$0xAC50] =	vst v0  }
0x10: {  	[tilespmem:$0xAC60] =	vst v0  }
0x11: {  	[tilespmem:$0xAC70] =	vst v0  }
0x12: {  	[tilespmem:$0xAC80] =	vst v0  }
0x13: {  	[tilespmem:$0xAC90] =	vst v0  }
0x14: {  	[tilespmem:$0xACA0] =	vst v0  }
0x15: {  	[tilespmem:$0xACB0] =	vst v0  }
0x16: {  	[tilespmem:$0xACC0] =	vst v0  }
0x17: {  	[tilespmem:$0xACD0] =	vst v0  }
0x18: {  	[tilespmem:$0xACE0] =	vst v0  }
0x19: {  	[tilespmem:$0xACF0] =	vst v0  }
0x1a: {  	[tilespmem:$0xAD00] =	vst v0  }
0x1b: {  	[tilespmem:$0xAD10] =	vst v0  }
0x1c: {  	[tilespmem:$0xAD20] =	vst v0  }
0x1d: {  	[tilespmem:$0xAD30] =	vst v0  }
0x1e: {  	[tilespmem:$0xAD40] =	vst v0  }
0x1f: {  	[tilespmem:$0xAD50] =	vst v0  }
0x20: {  	[tilespmem:$0xAD60] =	vst v0  }
0x21: {  	[tilespmem:$0xAD70] =	vst v0  }
0x22: {  	[tilespmem:$0xAD80] =	vst v0  }
0x23: {  	[tilespmem:$0xAD90] =	vst v0  }
0x24: {  	[tilespmem:$0xADA0] =	vst v0  }
0x25: {  	[tilespmem:$0xADB0] =	vst v0  }
0x26: {  	[tilespmem:$0xADC0] =	vst v0  }
0x27: {  	[tilespmem:$0xADD0] =	vst v0  }
0x28: {  	[tilespmem:$0xADE0] =	vst v0  }
0x29: {  	[tilespmem:$0xADF0] =	vst v0  }
0x2a: {  	[tilespmem:$0xAE00] =	vst v0  }
0x2b: {  	[tilespmem:$0xAE10] =	vst v0  }
0x2c: {  	[tilespmem:$0xAE20] =	vst v0  }
0x2d: {  	[tilespmem:$0xAE30] =	vst v0  }
0x2e: {  	[tilespmem:$0xAE40] =	vst v0  }
0x2f: {  	s0 =	smul.u32 $0x280, s0;
	[tilespmem:$0xAE50] =	vst v0  }
0x30: {  	[tilespmem:$0xAE60] =	vst v0  }
0x31: {  	s2 =	simm.s32 $0xAC00;
	s11 =	simm.s32 $0x11;
	[tilespmem:$0xAE70] =	vst v0;
	s4 =	sadd.s32 s0, s3  }
0x32: {  	[spmem:s4] =	stream.linear.scatter [tilespmem:s2], [sflag:$0x11], $0x280, $0x38;
	[tilespmem:$0xB100] =	vst v63  }
0x33: {  	s5 =	stileid.u32;
	_ =	swait.ge [sflag:s11], $0x280  }
0x34: {  	s5 =	smul.u32 $0xA00, s5;
	[sflag:s11] =	ssyncset.done $0x0  }
0x35: {  	s7 =	sadd.s32 $0x15E00, s6;
	[sflag:s11] =	ssyncadd.s32 $0xFFFFFD80  }
0x36: {  	s7 =	sadd.s32 s7, s5;
	[bflag:$0x0] =	sbarrier.arrive $0xFFFF  }
0x37: {  	[tilespmem:s1], [sflag:$0x11] =	stream.linear.gather [hbm4b:s7+s1], $0x5000, $0x38;
	[tilespmem:$0xB100] =	vst v63  }
0x38: {  	_ =	swait.ge [sflag:s11], $0x5000  }
0x39: {  	s12 =	sadd.s32 $0x1FE00, s6;
	[sflag:s11] =	ssyncset.done $0x0  }
0x3a: {  	s13 =	simm.s32 $0x5000;
	s5 =	sadd.s32 s12, s5;
	[sflag:s11] =	ssyncadd.s32 $0xFFFFB000  }
0x3b: {  	[tilespmem:s13], [sflag:$0x11] =	stream.linear.gather [hbm4b:s5+s1], $0x5000, $0x38;
	[tilespmem:$0xB100] =	vst v63  }
0x3c: {  	_ =	swait.ge [sflag:s11], $0x5000  }
0x3d: {  	s8 =	simm.s32 $0x80;
	[sflag:s11] =	ssyncset.done $0x0  }
0x3e: {  	s9 =	simm.s32 $0xA000;
	s5 =	sadd.s32 $0x2400, s6;
	[sflag:s11] =	ssyncadd.s32 $0xFFFFB000  }
0x3f: {  	[tilespmem:s9], [sflag:$0x1] =	stream.indirect.gather [hbm4b:s5+s8], $0x1, s1, s8, $0xb8;
	[tilespmem:$0xB100] =	vst v63  }
0x40: {  	s10 =	simm.s32 $0xA080  }
0x41: {  	[tilespmem:s10], [sflag:$0x2] =	stream.indirect.gather [hbm4b:s5+s8], $0x1, s8, s8, $0xb8;
	[tilespmem:$0xB100] =	vst v63  }
0x42: {  	s14 =	simm.s32 $0x100;
	s11 =	simm.s32 $0xA100  }
0x43: {  	[tilespmem:s11], [sflag:$0x3] =	stream.indirect.gather [hbm4b:s5+s8], $0x1, s14, s8, $0xb8;
	[tilespmem:$0xB100] =	vst v63  }
0x44: {  	s15 =	simm.s32 $0x180;
	s12 =	simm.s32 $0xA180  }
0x45: {  	[tilespmem:s12], [sflag:$0x4] =	stream.indirect.gather [hbm4b:s5+s8], $0x1, s15, s8, $0xb8;
	[tilespmem:$0xB100] =	vst v63  }
0x46: {  	s16 =	simm.s32 $0x200;
	s13 =	simm.s32 $0xA200  }
0x47: {  	[tilespmem:s13], [sflag:$0x5] =	stream.indirect.gather [hbm4b:s5+s8], $0x1, s16, s8, $0xb8;
	[tilespmem:$0xB100] =	vst v63  }
0x48: {  	s17 =	simm.s32 $0x280;
	s14 =	simm.s32 $0xA280  }
0x49: {  	[tilespmem:s14], [sflag:$0x6] =	stream.indirect.gather [hbm4b:s5+s8], $0x1, s17, s8, $0xb8;
	[tilespmem:$0xB100] =	vst v63  }
0x4a: {  	s18 =	simm.s32 $0x300;
	s15 =	simm.s32 $0xA300  }
0x4b: {  	[tilespmem:s15], [sflag:$0x7] =	stream.indirect.gather [hbm4b:s5+s8], $0x1, s18, s8, $0xb8;
	[tilespmem:$0xB100] =	vst v63  }
0x4c: {  	s19 =	simm.s32 $0x380;
	s16 =	simm.s32 $0xA380;
	s17 =	simm.s32 $0x1  }
0x4d: {  	[tilespmem:s16], [sflag:$0x8] =	stream.indirect.gather [hbm4b:s5+s8], $0x1, s19, s8, $0xb8;
	[tilespmem:$0xB100] =	vst v63  }
0x4e: {  	_ =	swait.ge [sflag:s17], $0x80  }
0x4f: {  	[sflag:s17] =	ssyncset.done $0x0  }
0x50: {  	s20 =	simm.s32 $0x5000;
	s18 =	simm.s32 $0x2;
	[sflag:s17] =	ssyncadd.s32 $0xFFFFFF80  }
0x51: {  	[spmem:s3] =	stream.indirect.scatter.add.f32 [tilespmem:s9], [sflag:$0x9], $0x1, s20, s8, $0xb8;
	[tilespmem:$0xB100] =	vst v63  }
0x52: {  	_ =	swait.ge [sflag:s18], $0x80  }
0x53: {  	[sflag:s18] =	ssyncset.done $0x0  }
0x54: {  	s21 =	simm.s32 $0x5080;
	s19 =	simm.s32 $0x3;
	[sflag:s18] =	ssyncadd.s32 $0xFFFFFF80  }
0x55: {  	[spmem:s3] =	stream.indirect.scatter.add.f32 [tilespmem:s10], [sflag:$0xA], $0x1, s21, s8, $0xb8;
	[tilespmem:$0xB100] =	vst v63  }
0x56: {  	_ =	swait.ge [sflag:s19], $0x80  }
0x57: {  	[sflag:s19] =	ssyncset.done $0x0  }
0x58: {  	s22 =	simm.s32 $0x5100;
	s20 =	simm.s32 $0x4;
	[sflag:s19] =	ssyncadd.s32 $0xFFFFFF80  }
0x59: {  	[spmem:s3] =	stream.indirect.scatter.add.f32 [tilespmem:s11], [sflag:$0xB], $0x1, s22, s8, $0xb8;
	[tilespmem:$0xB100] =	vst v63  }
0x5a: {  	_ =	swait.ge [sflag:s20], $0x80  }
0x5b: {  	[sflag:s20] =	ssyncset.done $0x0  }
0x5c: {  	s23 =	simm.s32 $0x5180;
	s21 =	simm.s32 $0x5;
	[sflag:s20] =	ssyncadd.s32 $0xFFFFFF80  }
0x5d: {  	[spmem:s3] =	stream.indirect.scatter.add.f32 [tilespmem:s12], [sflag:$0xC], $0x1, s23, s8, $0xb8;
	[tilespmem:$0xB100] =	vst v63  }
0x5e: {  	_ =	swait.ge [sflag:s21], $0x80  }
0x5f: {  	[sflag:s21] =	ssyncset.done $0x0  }
0x60: {  	s24 =	simm.s32 $0x5200;
	s22 =	simm.s32 $0x6;
	[sflag:s21] =	ssyncadd.s32 $0xFFFFFF80  }
0x61: {  	[spmem:s3] =	stream.indirect.scatter.add.f32 [tilespmem:s13], [sflag:$0xD], $0x1, s24, s8, $0xb8;
	[tilespmem:$0xB100] =	vst v63  }
0x62: {  	_ =	swait.ge [sflag:s22], $0x80  }
0x63: {  	[sflag:s22] =	ssyncset.done $0x0  }
0x64: {  	s25 =	simm.s32 $0x5280;
	s23 =	simm.s32 $0x7;
	[sflag:s22] =	ssyncadd.s32 $0xFFFFFF80  }
0x65: {  	[spmem:s3] =	stream.indirect.scatter.add.f32 [tilespmem:s14], [sflag:$0xE], $0x1, s25, s8, $0xb8;
	[tilespmem:$0xB100] =	vst v63  }
0x66: {  	_ =	swait.ge [sflag:s23], $0x80  }
0x67: {  	[sflag:s23] =	ssyncset.done $0x0  }
0x68: {  	s26 =	simm.s32 $0x5300;
	s24 =	simm.s32 $0x8;
	[sflag:s23] =	ssyncadd.s32 $0xFFFFFF80  }
0x69: {  	[spmem:s3] =	stream.indirect.scatter.add.f32 [tilespmem:s15], [sflag:$0xF], $0x1, s26, s8, $0xb8;
	[tilespmem:$0xB100] =	vst v63  }
0x6a: {  	_ =	swait.ge [sflag:s24], $0x80  }
0x6b: {  	[sflag:s24] =	ssyncset.done $0x0  }
0x6c: {  	s2 =	simm.s32 $0x5380;
	s25 =	simm.s32 $0x9;
	[sflag:s24] =	ssyncadd.s32 $0xFFFFFF80  }
0x6d: {  	[spmem:s3] =	stream.indirect.scatter.add.f32 [tilespmem:s16], [sflag:$0x10], $0x1, s2, s8, $0xb8;
	[tilespmem:$0xB100] =	vst v63  }
0x6e: {  	_ =	swait.ge [sflag:s25], $0x80  }
0x6f: {  	[sflag:s25] =	ssyncset.done $0x0  }
0x70: {  	s7 =	simm.s32 $0x400;
	s26 =	simm.s32 $0xA;
	[sflag:s25] =	ssyncadd.s32 $0xFFFFFF80  }
0x71: {  	[tilespmem:s9], [sflag:$0x1] =	stream.indirect.gather [hbm4b:s5+s8], $0x1, s7, s8, $0xb8;
	[tilespmem:$0xB100] =	vst v63  }
0x72: {  	_ =	swait.ge [sflag:s26], $0x80  }
0x73: {  	[sflag:s26] =	ssyncset.done $0x0  }
0x74: {  	s28 =	simm.s32 $0xB;
	s2 =	simm.s32 $0x480;
	[sflag:s26] =	ssyncadd.s32 $0xFFFFFF80  }
0x75: {  	[tilespmem:s10], [sflag:$0x2] =	stream.indirect.gather [hbm4b:s5+s8], $0x1, s2, s8, $0xb8;
	[tilespmem:$0xB100] =	vst v63  }
0x76: {  	_ =	swait.ge [sflag:s28], $0x80  }
0x77: {  	[sflag:s28] =	ssyncset.done $0x0  }
0x78: {  	s29 =	simm.s32 $0xC;
	s7 =	simm.s32 $0x500;
	[sflag:s28] =	ssyncadd.s32 $0xFFFFFF80  }
0x79: {  	[tilespmem:s11], [sflag:$0x3] =	stream.indirect.gather [hbm4b:s5+s8], $0x1, s7, s8, $0xb8;
	[tilespmem:$0xB100] =	vst v63  }
0x7a: {  	_ =	swait.ge [sflag:s29], $0x80  }
0x7b: {  	[sflag:s29] =	ssyncset.done $0x0  }
0x7c: {  	s30 =	simm.s32 $0xD;
	s2 =	simm.s32 $0x580;
	[sflag:s29] =	ssyncadd.s32 $0xFFFFFF80  }
0x7d: {  	[tilespmem:s12], [sflag:$0x4] =	stream.indirect.gather [hbm4b:s5+s8], $0x1, s2, s8, $0xb8;
	[tilespmem:$0xB100] =	vst v63  }
0x7e: {  	_ =	swait.ge [sflag:s30], $0x80  }
0x7f: {  	[sflag:s30] =	ssyncset.done $0x0  }
0x80: {  	s31 =	simm.s32 $0xE;
	s7 =	simm.s32 $0x600;
	[sflag:s30] =	ssyncadd.s32 $0xFFFFFF80  }
0x81: {  	[tilespmem:s13], [sflag:$0x5] =	stream.indirect.gather [hbm4b:s5+s8], $0x1, s7, s8, $0xb8;
	[tilespmem:$0xB100] =	vst v63  }
0x82: {  	_ =	swait.ge [sflag:s31], $0x80  }
0x83: {  	[sflag:s31] =	ssyncset.done $0x0  }
0x84: {  	s2 =	simm.s32 $0x680;
	[sflag:s31] =	ssyncadd.s32 $0xFFFFFF80  }
0x85: {  	[tilespmem:s14], [sflag:$0x6] =	stream.indirect.gather [hbm4b:s5+s8], $0x1, s2, s8, $0xb8;
	[tilespmem:$0xB100] =	vst v63  }
0x86: {  	s2 =	simm.s32 $0xF  }
0x87: {  	_ =	swait.ge [sflag:s2], $0x80  }
0x88: {  	[sflag:s2] =	ssyncset.done $0x0  }
0x89: {  	s7 =	simm.s32 $0x700;
	[sflag:s2] =	ssyncadd.s32 $0xFFFFFF80  }
0x8a: {  	[tilespmem:s15], [sflag:$0x7] =	stream.indirect.gather [hbm4b:s5+s8], $0x1, s7, s8, $0xb8;
	[tilespmem:$0xB100] =	vst v63  }
0x8b: {  	s7 =	sshrl.u32 s0, $0x3  }
0x8c: {  	s1 =	sadd.s32 s7, s6  }
0x8d: {  	s0 =	simm.s32 $0x10;
	s6 =	sadd.s32 $0x1E00, s1  }
0x8e: {  	_ =	swait.ge [sflag:s0], $0x80;
	s1 =	sadd.s32 $0x2A00, s1;
	[dreg:$0x5] =	wrdreg s6  }
0x8f: {  	[sflag:s0] =	ssyncset.done $0x0;
	[dreg:$0x4] =	wrdreg s1  }
0x90: {  	[sflag:s0] =	ssyncadd.s32 $0xFFFFFF80;
	s6 =	simm.s32 $0x1000;
	s1 =	simm.s32 $0x780  }
.LBB2_2:
0x91: {  	[tilespmem:s16], [sflag:$0x8] =	stream.indirect.gather [hbm4b:s5+s8], $0x1, s1, s8, $0xb8;
	[tilespmem:$0xB100] =	vst v63  }
0x92: {  	s1 =	smov.u32 s6  }
0x93: {  	p0 =	sne.s32 s6, $0x11000;
	s6 =	sadd.s32 $0x1000, s6;
	_ =	swait.ge [sflag:s17], $0x80  }
0x94: {  	s1 =	sshra.s32 s1, $0x2;
	[sflag:s17] =	ssyncset.done $0x0  }
0x95: {  	s7 =	sadd.s32 $0x5000, s1;
	[sflag:s17] =	ssyncadd.s32 $0xFFFFFF80  }
0x96: {  	[spmem:s3] =	stream.indirect.scatter.add.f32 [tilespmem:s9], [sflag:$0x9], $0x1, s7, s8, $0xb8;
	[tilespmem:$0xB100] =	vst v63  }
0x97: {  	_ =	swait.ge [sflag:s18], $0x80  }
0x98: {  	[sflag:s18] =	ssyncset.done $0x0  }
0x99: {  	s7 =	sadd.s32 $0x5080, s1;
	[sflag:s18] =	ssyncadd.s32 $0xFFFFFF80  }
0x9a: {  	[spmem:s3] =	stream.indirect.scatter.add.f32 [tilespmem:s10], [sflag:$0xA], $0x1, s7, s8, $0xb8;
	[tilespmem:$0xB100] =	vst v63  }
0x9b: {  	_ =	swait.ge [sflag:s19], $0x80  }
0x9c: {  	[sflag:s19] =	ssyncset.done $0x0  }
0x9d: {  	s7 =	sadd.s32 $0x5100, s1;
	[sflag:s19] =	ssyncadd.s32 $0xFFFFFF80  }
0x9e: {  	[spmem:s3] =	stream.indirect.scatter.add.f32 [tilespmem:s11], [sflag:$0xB], $0x1, s7, s8, $0xb8;
	[tilespmem:$0xB100] =	vst v63  }
0x9f: {  	_ =	swait.ge [sflag:s20], $0x80  }
0xa0: {  	[sflag:s20] =	ssyncset.done $0x0  }
0xa1: {  	s7 =	sadd.s32 $0x5180, s1;
	[sflag:s20] =	ssyncadd.s32 $0xFFFFFF80  }
0xa2: {  	[spmem:s3] =	stream.indirect.scatter.add.f32 [tilespmem:s12], [sflag:$0xC], $0x1, s7, s8, $0xb8;
	[tilespmem:$0xB100] =	vst v63  }
0xa3: {  	_ =	swait.ge [sflag:s21], $0x80  }
0xa4: {  	[sflag:s21] =	ssyncset.done $0x0  }
0xa5: {  	s7 =	sadd.s32 $0x5200, s1;
	[sflag:s21] =	ssyncadd.s32 $0xFFFFFF80  }
0xa6: {  	[spmem:s3] =	stream.indirect.scatter.add.f32 [tilespmem:s13], [sflag:$0xD], $0x1, s7, s8, $0xb8;
	[tilespmem:$0xB100] =	vst v63  }
0xa7: {  	_ =	swait.ge [sflag:s22], $0x80  }
0xa8: {  	[sflag:s22] =	ssyncset.done $0x0  }
0xa9: {  	s7 =	sadd.s32 $0x5280, s1;
	[sflag:s22] =	ssyncadd.s32 $0xFFFFFF80  }
0xaa: {  	[spmem:s3] =	stream.indirect.scatter.add.f32 [tilespmem:s14], [sflag:$0xE], $0x1, s7, s8, $0xb8;
	[tilespmem:$0xB100] =	vst v63  }
0xab: {  	_ =	swait.ge [sflag:s23], $0x80  }
0xac: {  	[sflag:s23] =	ssyncset.done $0x0  }
0xad: {  	s7 =	sadd.s32 $0x5300, s1;
	[sflag:s23] =	ssyncadd.s32 $0xFFFFFF80  }
0xae: {  	[spmem:s3] =	stream.indirect.scatter.add.f32 [tilespmem:s15], [sflag:$0xF], $0x1, s7, s8, $0xb8;
	[tilespmem:$0xB100] =	vst v63  }
0xaf: {  	_ =	swait.ge [sflag:s24], $0x80  }
0xb0: {  	[sflag:s24] =	ssyncset.done $0x0  }
0xb1: {  	s7 =	sadd.s32 $0x5380, s1;
	[sflag:s24] =	ssyncadd.s32 $0xFFFFFF80  }
0xb2: {  	[spmem:s3] =	stream.indirect.scatter.add.f32 [tilespmem:s16], [sflag:$0x10], $0x1, s7, s8, $0xb8;
	[tilespmem:$0xB100] =	vst v63  }
0xb3: {  	_ =	swait.ge [sflag:s25], $0x80  }
0xb4: {  	[sflag:s25] =	ssyncset.done $0x0  }
0xb5: {  	s7 =	sadd.s32 $0x400, s1;
	[sflag:s25] =	ssyncadd.s32 $0xFFFFFF80  }
0xb6: {  	[tilespmem:s9], [sflag:$0x1] =	stream.indirect.gather [hbm4b:s5+s8], $0x1, s7, s8, $0xb8;
	[tilespmem:$0xB100] =	vst v63  }
0xb7: {  	_ =	swait.ge [sflag:s26], $0x80  }
0xb8: {  	[sflag:s26] =	ssyncset.done $0x0  }
0xb9: {  	s7 =	sadd.s32 $0x480, s1;
	[sflag:s26] =	ssyncadd.s32 $0xFFFFFF80  }
0xba: {  	[tilespmem:s10], [sflag:$0x2] =	stream.indirect.gather [hbm4b:s5+s8], $0x1, s7, s8, $0xb8;
	[tilespmem:$0xB100] =	vst v63  }
0xbb: {  	_ =	swait.ge [sflag:s28], $0x80  }
0xbc: {  	[sflag:s28] =	ssyncset.done $0x0  }
0xbd: {  	s7 =	sadd.s32 $0x500, s1;
	[sflag:s28] =	ssyncadd.s32 $0xFFFFFF80  }
0xbe: {  	[tilespmem:s11], [sflag:$0x3] =	stream.indirect.gather [hbm4b:s5+s8], $0x1, s7, s8, $0xb8;
	[tilespmem:$0xB100] =	vst v63  }
0xbf: {  	_ =	swait.ge [sflag:s29], $0x80  }
0xc0: {  	[sflag:s29] =	ssyncset.done $0x0  }
0xc1: {  	s7 =	sadd.s32 $0x580, s1;
	[sflag:s29] =	ssyncadd.s32 $0xFFFFFF80  }
0xc2: {  	[tilespmem:s12], [sflag:$0x4] =	stream.indirect.gather [hbm4b:s5+s8], $0x1, s7, s8, $0xb8;
	[tilespmem:$0xB100] =	vst v63  }
0xc3: {  	_ =	swait.ge [sflag:s30], $0x80  }
0xc4: {  	[sflag:s30] =	ssyncset.done $0x0  }
0xc5: {  	s7 =	sadd.s32 $0x600, s1;
	[sflag:s30] =	ssyncadd.s32 $0xFFFFFF80  }
0xc6: {  	[tilespmem:s13], [sflag:$0x5] =	stream.indirect.gather [hbm4b:s5+s8], $0x1, s7, s8, $0xb8;
	[tilespmem:$0xB100] =	vst v63  }
0xc7: {  	_ =	swait.ge [sflag:s31], $0x80  }
0xc8: {  	[sflag:s31] =	ssyncset.done $0x0  }
0xc9: {  	s7 =	sadd.s32 $0x680, s1;
	[sflag:s31] =	ssyncadd.s32 $0xFFFFFF80  }
0xca: {  	[tilespmem:s14], [sflag:$0x6] =	stream.indirect.gather [hbm4b:s5+s8], $0x1, s7, s8, $0xb8;
	[tilespmem:$0xB100] =	vst v63  }
0xcb: {  	_ =	swait.ge [sflag:s2], $0x80  }
0xcc: {  	[sflag:s2] =	ssyncset.done $0x0  }
.Ltmp1:
0xcd: {  	s7 =	sadd.s32 $0x700, s1;
	[sflag:s2] =	ssyncadd.s32 $0xFFFFFF80;
	(pc) =	sbr.rel @p0 .LBB2_2-.Ltmp1, $4  }
0xce: {  	[tilespmem:s15], [sflag:$0x7] =	stream.indirect.gather [hbm4b:s5+s8], $0x1, s7, s8, $0xb8;
	[tilespmem:$0xB100] =	vst v63  }
0xcf: {  	_ =	swait.ge [sflag:s0], $0x80  }
0xd0: {  	[sflag:s0] =	ssyncset.done $0x0  }
0xd1: {  	s1 =	sadd.s32 $0x780, s1;
	[sflag:s0] =	ssyncadd.s32 $0xFFFFFF80  }
0xd2: {  	[tilespmem:s16], [sflag:$0x8] =	stream.indirect.gather [hbm4b:s5+s8], $0x1, s1, s8, $0xb8;
	[tilespmem:$0xB100] =	vst v63  }
0xd3: {  	s1 =	simm.s32 $0x1  }
0xd4: {  	_ =	swait.ge [sflag:s1], $0x80  }
0xd5: {  	s0 =	simm.s32 $0x80;
	[sflag:s1] =	ssyncset.done $0x0  }
0xd6: {  	s2 =	simm.s32 $0x9800;
	s6 =	simm.s32 $0xA000;
	[sflag:s1] =	ssyncadd.s32 $0xFFFFFF80  }
0xd7: {  	[spmem:s3] =	stream.indirect.scatter.add.f32 [tilespmem:s6], [sflag:$0x9], $0x1, s2, s0, $0xb8;
	[tilespmem:$0xB100] =	vst v63  }
0xd8: {  	s2 =	simm.s32 $0x2  }
0xd9: {  	_ =	swait.ge [sflag:s2], $0x80  }
0xda: {  	s7 =	simm.s32 $0x9880;
	[sflag:s2] =	ssyncset.done $0x0  }
0xdb: {  	s9 =	simm.s32 $0xA080;
	s8 =	simm.s32 $0x3;
	[sflag:s2] =	ssyncadd.s32 $0xFFFFFF80  }
0xdc: {  	[spmem:s3] =	stream.indirect.scatter.add.f32 [tilespmem:s9], [sflag:$0xA], $0x1, s7, s0, $0xb8;
	[tilespmem:$0xB100] =	vst v63  }
0xdd: {  	_ =	swait.ge [sflag:s8], $0x80  }
0xde: {  	s17 =	simm.s32 $0x9900;
	[sflag:s8] =	ssyncset.done $0x0  }
0xdf: {  	s11 =	simm.s32 $0xA100;
	s10 =	simm.s32 $0x4;
	[sflag:s8] =	ssyncadd.s32 $0xFFFFFF80  }
0xe0: {  	[spmem:s3] =	stream.indirect.scatter.add.f32 [tilespmem:s11], [sflag:$0xB], $0x1, s17, s0, $0xb8;
	[tilespmem:$0xB100] =	vst v63  }
0xe1: {  	_ =	swait.ge [sflag:s10], $0x80  }
0xe2: {  	s18 =	simm.s32 $0x9980;
	[sflag:s10] =	ssyncset.done $0x0  }
0xe3: {  	s13 =	simm.s32 $0xA180;
	s12 =	simm.s32 $0x5;
	[sflag:s10] =	ssyncadd.s32 $0xFFFFFF80  }
0xe4: {  	[spmem:s3] =	stream.indirect.scatter.add.f32 [tilespmem:s13], [sflag:$0xC], $0x1, s18, s0, $0xb8;
	[tilespmem:$0xB100] =	vst v63  }
0xe5: {  	_ =	swait.ge [sflag:s12], $0x80  }
0xe6: {  	s19 =	simm.s32 $0x9A00;
	[sflag:s12] =	ssyncset.done $0x0  }
0xe7: {  	s15 =	simm.s32 $0xA200;
	s14 =	simm.s32 $0x6;
	[sflag:s12] =	ssyncadd.s32 $0xFFFFFF80  }
0xe8: {  	[spmem:s3] =	stream.indirect.scatter.add.f32 [tilespmem:s15], [sflag:$0xD], $0x1, s19, s0, $0xb8;
	[tilespmem:$0xB100] =	vst v63  }
0xe9: {  	_ =	swait.ge [sflag:s14], $0x80  }
0xea: {  	s20 =	simm.s32 $0x9A80;
	[sflag:s14] =	ssyncset.done $0x0  }
0xeb: {  	s16 =	simm.s32 $0x7;
	s17 =	simm.s32 $0xA280;
	[sflag:s14] =	ssyncadd.s32 $0xFFFFFF80  }
0xec: {  	[spmem:s3] =	stream.indirect.scatter.add.f32 [tilespmem:s17], [sflag:$0xE], $0x1, s20, s0, $0xb8;
	[tilespmem:$0xB100] =	vst v63  }
0xed: {  	_ =	swait.ge [sflag:s16], $0x80  }
0xee: {  	s21 =	simm.s32 $0x9B00;
	[sflag:s16] =	ssyncset.done $0x0  }
0xef: {  	s18 =	simm.s32 $0x8;
	s19 =	simm.s32 $0xA300;
	[sflag:s16] =	ssyncadd.s32 $0xFFFFFF80  }
0xf0: {  	[spmem:s3] =	stream.indirect.scatter.add.f32 [tilespmem:s19], [sflag:$0xF], $0x1, s21, s0, $0xb8;
	[tilespmem:$0xB100] =	vst v63  }
0xf1: {  	_ =	swait.ge [sflag:s18], $0x80  }
0xf2: {  	s22 =	simm.s32 $0x9B80;
	[sflag:s18] =	ssyncset.done $0x0  }
0xf3: {  	s20 =	simm.s32 $0x9;
	s21 =	simm.s32 $0xA380;
	[sflag:s18] =	ssyncadd.s32 $0xFFFFFF80  }
0xf4: {  	[spmem:s3] =	stream.indirect.scatter.add.f32 [tilespmem:s21], [sflag:$0x10], $0x1, s22, s0, $0xb8;
	[tilespmem:$0xB100] =	vst v63  }
0xf5: {  	_ =	swait.ge [sflag:s20], $0x80  }
0xf6: {  	[sflag:s20] =	ssyncset.done $0x0  }
0xf7: {  	s23 =	simm.s32 $0x4C00;
	s22 =	simm.s32 $0xA;
	[sflag:s20] =	ssyncadd.s32 $0xFFFFFF80  }
0xf8: {  	[tilespmem:s6], [sflag:$0x1] =	stream.indirect.gather [hbm4b:s5+s0], $0x1, s23, s0, $0xb8;
	[tilespmem:$0xB100] =	vst v63  }
0xf9: {  	_ =	swait.ge [sflag:s22], $0x80  }
0xfa: {  	[sflag:s22] =	ssyncset.done $0x0  }
0xfb: {  	s24 =	simm.s32 $0x4C80;
	s23 =	simm.s32 $0xB;
	[sflag:s22] =	ssyncadd.s32 $0xFFFFFF80  }
0xfc: {  	[tilespmem:s9], [sflag:$0x2] =	stream.indirect.gather [hbm4b:s5+s0], $0x1, s24, s0, $0xb8;
	[tilespmem:$0xB100] =	vst v63  }
0xfd: {  	_ =	swait.ge [sflag:s23], $0x80  }
0xfe: {  	[sflag:s23] =	ssyncset.done $0x0  }
0xff: {  	s25 =	simm.s32 $0x4D00;
	s24 =	simm.s32 $0xC;
	[sflag:s23] =	ssyncadd.s32 $0xFFFFFF80  }
0x100: {  	[tilespmem:s11], [sflag:$0x3] =	stream.indirect.gather [hbm4b:s5+s0], $0x1, s25, s0, $0xb8;
	[tilespmem:$0xB100] =	vst v63  }
0x101: {  	_ =	swait.ge [sflag:s24], $0x80  }
0x102: {  	[sflag:s24] =	ssyncset.done $0x0  }
0x103: {  	s26 =	simm.s32 $0x4D80;
	s25 =	simm.s32 $0xD;
	[sflag:s24] =	ssyncadd.s32 $0xFFFFFF80  }
0x104: {  	[tilespmem:s13], [sflag:$0x4] =	stream.indirect.gather [hbm4b:s5+s0], $0x1, s26, s0, $0xb8;
	[tilespmem:$0xB100] =	vst v63  }
0x105: {  	_ =	swait.ge [sflag:s25], $0x80  }
0x106: {  	[sflag:s25] =	ssyncset.done $0x0  }
0x107: {  	s28 =	simm.s32 $0x4E00;
	s26 =	simm.s32 $0xE;
	[sflag:s25] =	ssyncadd.s32 $0xFFFFFF80  }
0x108: {  	[tilespmem:s15], [sflag:$0x5] =	stream.indirect.gather [hbm4b:s5+s0], $0x1, s28, s0, $0xb8;
	[tilespmem:$0xB100] =	vst v63  }
0x109: {  	_ =	swait.ge [sflag:s26], $0x80  }
0x10a: {  	[sflag:s26] =	ssyncset.done $0x0  }
0x10b: {  	s29 =	simm.s32 $0x4E80;
	s28 =	simm.s32 $0xF;
	[sflag:s26] =	ssyncadd.s32 $0xFFFFFF80  }
0x10c: {  	[tilespmem:s17], [sflag:$0x6] =	stream.indirect.gather [hbm4b:s5+s0], $0x1, s29, s0, $0xb8;
	[tilespmem:$0xB100] =	vst v63  }
0x10d: {  	_ =	swait.ge [sflag:s28], $0x80  }
0x10e: {  	[sflag:s28] =	ssyncset.done $0x0  }
0x10f: {  	s30 =	simm.s32 $0x4F00;
	s29 =	simm.s32 $0x10;
	[sflag:s28] =	ssyncadd.s32 $0xFFFFFF80  }
0x110: {  	[tilespmem:s19], [sflag:$0x7] =	stream.indirect.gather [hbm4b:s5+s0], $0x1, s30, s0, $0xb8;
	[tilespmem:$0xB100] =	vst v63  }
0x111: {  	_ =	swait.ge [sflag:s29], $0x80  }
0x112: {  	[sflag:s29] =	ssyncset.done $0x0  }
0x113: {  	s31 =	simm.s32 $0x4F80;
	[sflag:s29] =	ssyncadd.s32 $0xFFFFFF80  }
0x114: {  	[tilespmem:s21], [sflag:$0x8] =	stream.indirect.gather [hbm4b:s5+s0], $0x1, s31, s0, $0xb8;
	[tilespmem:$0xB100] =	vst v63  }
0x115: {  	_ =	swait.ge [sflag:s1], $0x80  }
0x116: {  	[sflag:s1] =	ssyncset.done $0x0  }
0x117: {  	s5 =	simm.s32 $0x9C00;
	[sflag:s1] =	ssyncadd.s32 $0xFFFFFF80  }
0x118: {  	[spmem:s3] =	stream.indirect.scatter.add.f32 [tilespmem:s6], [sflag:$0x9], $0x1, s5, s0, $0xb8;
	[tilespmem:$0xB100] =	vst v63  }
0x119: {  	_ =	swait.ge [sflag:s2], $0x80  }
0x11a: {  	[sflag:s2] =	ssyncset.done $0x0  }
0x11b: {  	s7 =	simm.s32 $0x9C80;
	[sflag:s2] =	ssyncadd.s32 $0xFFFFFF80  }
0x11c: {  	[spmem:s3] =	stream.indirect.scatter.add.f32 [tilespmem:s9], [sflag:$0xA], $0x1, s7, s0, $0xb8;
	[tilespmem:$0xB100] =	vst v63  }
0x11d: {  	_ =	swait.ge [sflag:s8], $0x80  }
0x11e: {  	[sflag:s8] =	ssyncset.done $0x0  }
0x11f: {  	s9 =	simm.s32 $0x9D00;
	[sflag:s8] =	ssyncadd.s32 $0xFFFFFF80  }
0x120: {  	[spmem:s3] =	stream.indirect.scatter.add.f32 [tilespmem:s11], [sflag:$0xB], $0x1, s9, s0, $0xb8;
	[tilespmem:$0xB100] =	vst v63  }
0x121: {  	_ =	swait.ge [sflag:s10], $0x80  }
0x122: {  	[sflag:s10] =	ssyncset.done $0x0  }
0x123: {  	s11 =	simm.s32 $0x9D80;
	[sflag:s10] =	ssyncadd.s32 $0xFFFFFF80  }
0x124: {  	[spmem:s3] =	stream.indirect.scatter.add.f32 [tilespmem:s13], [sflag:$0xC], $0x1, s11, s0, $0xb8;
	[tilespmem:$0xB100] =	vst v63  }
0x125: {  	_ =	swait.ge [sflag:s12], $0x80  }
0x126: {  	[sflag:s12] =	ssyncset.done $0x0  }
0x127: {  	s13 =	simm.s32 $0x9E00;
	[sflag:s12] =	ssyncadd.s32 $0xFFFFFF80  }
0x128: {  	[spmem:s3] =	stream.indirect.scatter.add.f32 [tilespmem:s15], [sflag:$0xD], $0x1, s13, s0, $0xb8;
	[tilespmem:$0xB100] =	vst v63  }
0x129: {  	_ =	swait.ge [sflag:s14], $0x80  }
0x12a: {  	[sflag:s14] =	ssyncset.done $0x0  }
0x12b: {  	s15 =	simm.s32 $0x9E80;
	[sflag:s14] =	ssyncadd.s32 $0xFFFFFF80  }
0x12c: {  	[spmem:s3] =	stream.indirect.scatter.add.f32 [tilespmem:s17], [sflag:$0xE], $0x1, s15, s0, $0xb8;
	[tilespmem:$0xB100] =	vst v63  }
0x12d: {  	_ =	swait.ge [sflag:s16], $0x80  }
0x12e: {  	[sflag:s16] =	ssyncset.done $0x0  }
0x12f: {  	s17 =	simm.s32 $0x9F00;
	[sflag:s16] =	ssyncadd.s32 $0xFFFFFF80  }
0x130: {  	[spmem:s3] =	stream.indirect.scatter.add.f32 [tilespmem:s19], [sflag:$0xF], $0x1, s17, s0, $0xb8;
	[tilespmem:$0xB100] =	vst v63  }
0x131: {  	_ =	swait.ge [sflag:s18], $0x80  }
0x132: {  	[sflag:s18] =	ssyncset.done $0x0  }
0x133: {  	s19 =	simm.s32 $0x9F80;
	[sflag:s18] =	ssyncadd.s32 $0xFFFFFF80  }
0x134: {  	[spmem:s3] =	stream.indirect.scatter.add.f32 [tilespmem:s21], [sflag:$0x10], $0x1, s19, s0, $0xb8;
	[tilespmem:$0xB100] =	vst v63  }
0x135: {  	_ =	swait.ge [sflag:s20], $0x80  }
0x136: {  	[sflag:s20] =	ssyncset.done $0x0  }
0x137: {  	[sflag:s20] =	ssyncadd.s32 $0xFFFFFF80  }
0x138: {  	_ =	swait.ge [sflag:s22], $0x80  }
0x139: {  	[sflag:s22] =	ssyncset.done $0x0  }
0x13a: {  	[sflag:s22] =	ssyncadd.s32 $0xFFFFFF80  }
0x13b: {  	_ =	swait.ge [sflag:s23], $0x80  }
0x13c: {  	[sflag:s23] =	ssyncset.done $0x0  }
0x13d: {  	[sflag:s23] =	ssyncadd.s32 $0xFFFFFF80  }
0x13e: {  	_ =	swait.ge [sflag:s24], $0x80  }
0x13f: {  	[sflag:s24] =	ssyncset.done $0x0  }
0x140: {  	[sflag:s24] =	ssyncadd.s32 $0xFFFFFF80  }
0x141: {  	_ =	swait.ge [sflag:s25], $0x80  }
0x142: {  	[sflag:s25] =	ssyncset.done $0x0  }
0x143: {  	[sflag:s25] =	ssyncadd.s32 $0xFFFFFF80  }
0x144: {  	_ =	swait.ge [sflag:s26], $0x80  }
0x145: {  	[sflag:s26] =	ssyncset.done $0x0  }
0x146: {  	[sflag:s26] =	ssyncadd.s32 $0xFFFFFF80  }
0x147: {  	_ =	swait.ge [sflag:s28], $0x80  }
0x148: {  	[sflag:s28] =	ssyncset.done $0x0  }
0x149: {  	[sflag:s28] =	ssyncadd.s32 $0xFFFFFF80  }
0x14a: {  	_ =	swait.ge [sflag:s29], $0x80  }
0x14b: {  	[sflag:s29] =	ssyncset.done $0x0  }
0x14c: {  	[sflag:s29] =	ssyncadd.s32 $0xFFFFFF80  }
0x14d: {  	s24 =	simm.s32 $0xA400;
	s25 =	simm.s32 $0x11;
	[bflag:$0x0] =	sbarrier.arrive $0xFFFF  }
0x14e: {  	[tilespmem:s24], [sflag:$0x11] =	stream.linear.gather [spmem:s4], $0x280, $0x38;
	[tilespmem:$0xB100] =	vst v63  }
0x14f: {  	_ =	swait.ge [sflag:s25], $0x280  }
0x150: {  	s26 =	simm.s32 $0x0;
	[sflag:s25] =	ssyncset.done $0x0  }
0x151: {  	s28 =	simm.s32 $0xA680;
	s29 =	rddreg [dreg:$0x5];
	[sflag:s25] =	ssyncadd.s32 $0xFFFFFD80  }
0x152: {  	[tilespmem:s28], [sflag:$0x11] =	stream.linear.gather [hbm4b:s29+s26], $0x280, $0x38;
	[tilespmem:$0xB100] =	vst v63  }
0x153: {  	_ =	swait.ge [sflag:s25], $0x280  }
0x154: {  	[sflag:s25] =	ssyncset.done $0x0  }
0x155: {  	[sflag:s25] =	ssyncadd.s32 $0xFFFFFD80  }
0x156: {  	s30 =	simm.s32 $0xAB80;
	s31 =	rddreg [dreg:$0x1]  }
0x157: {  	[tilespmem:s30], [sflag:$0x11] =	stream.linear.gather [hbm4b:s31+s26], $0x80, $0x38;
	[tilespmem:$0xB100] =	vst v63  }
0x158: {  	_ =	swait.ge [sflag:s25], $0x80  }
0x159: {  	[sflag:s25] =	ssyncset.done $0x0  }
0x15a: {  	s0 =	simm.s32 $0x0;
	[sflag:s25] =	ssyncadd.s32 $0xFFFFFF80  }
0x15b: {  	v1 =	vld [tilespmem:s0+$0xA400]  }
0x15c: {  	v2 =	vld [tilespmem:s0+$0xA680];
	_ =	sdelay $0x1  }
0x15d: {  	v0 =	vld [tilespmem:$0xAB80]  }
0x15e: {  	s1 =	simm.s32 $0x40  }
.LBB2_4:
0x15f: {  	s2 =	sshra.s32 s1, $0x2;
	p0 =	sne.s32 s1, $0x9C0  }
.Ltmp2:
0x160: {  	s1 =	sadd.s32 $0x40, s1;
	v3 =	vmul.f32 v2, v1;
	v1 =	vld [tilespmem:s2+$0xA400];
	(pc) =	sbr.rel @p0 .LBB2_4-.Ltmp2, $3  }
0x161: {  	v2 =	vld [tilespmem:s2+$0xA680]  }
0x162: {  	v3 =	vadd.f32 v3, v0;
	_ =	sdelay $0x1  }
0x163: {  	[tilespmem:s0+$0xA900] =	vst v3;
	s0 =	smov.u32 s2  }
0x164: {  	_ = 	snop  }
0x165: {  	v1 =	vmul.f32 v2, v1;
	_ =	sdelay $0x1  }
0x166: {  	v0 =	vadd.f32 v1, v0  }
0x167: {  	s30 =	simm.s32 $0x0  }
0x168: {  	s1 =	simm.s32 $0xA900;
	s2 =	rddreg [dreg:$0x4];
	s31 =	simm.s32 $0x11;
	[tilespmem:s0+$0xA900] =	vst v0  }
0x169: {  	[hbm4b:s2+s30] =	stream.linear.scatter [tilespmem:s1], [sflag:$0x11], $0x280, $0x38;
	[tilespmem:$0xB100] =	vst v63  }
0x16a: {  	_ =	swait.ge [sflag:s31], $0x280  }
0x16b: {  	[sflag:s31] =	ssyncset.done $0x0  }
0x16c: {  	[sflag:s31] =	ssyncadd.s32 $0xFFFFFD80  }
0x16d: {  	s0 =	stileid.u32;
	s2 =	rddreg [dreg:$0x3]  }
.LBB2_6:
0x16e: {  	_ =	sfence.sel $0x180000  }
0x16f: {  	[bflag:$0x0] =	sbarrier.arrive $0xFFFF  }
0x170: {  	p0 =	sne.s32 s0, $0x0;
	_ =	strace $0x9000004D  }
0x171: {  	s0 =	sadd.s32 @!p0 $0x100000, s2;
	[bflag:$0x2] =	sbarrier.arrive $0xFFFF  }
0x172: {  	[sflag:s0] =	ssyncadd.tile.s32 @!p0 $0x1;
	_ =	shalt  }
.Lfunc_end2:
_tile_overlayer_lowered:
.L_overlay_start_2:
0x173: {  	(tag) =	ssettag $0x2  }
0x174: {  	s0 =	rddreg [dreg:$0x0];
	s2 =	stileid.u32  }
0x175: {  	s1 =	rddreg [dreg:$0x1];
	p0 =	sne.s32 s2, $0x0  }
0x176: {  	s3 =	rddreg [dreg:$0x2];
	[bflag:$0x3] =	sbarrier.arrive $0xFFFF;
	s2 =	simm.s32 @!p0 $0x1C11  }
0x177: {  	[timem:s3], [sflag:s2] =	dma.local @!p0 [hbm:s0], s1  }
0x178: {  	s0 =	simm.s32 @!p0 $0x11  }
0x179: {  	_ =	swait.ge @!p0 [sflag:s0], s1  }
0x17a: {  	s1 =	ssub.s32 @!p0 $0x0, s1;
	[sflag:s0] =	ssyncset.done @!p0 $0x0  }
0x17b: {  	[sflag:s0] =	ssyncadd.s32 @!p0 s1  }
0x17c: {  	[bflag:$0x3] =	sbarrier.arrive $0xFFFF  }
0x17d: {  	_ =	shalt  }

// kernel: kernel.8.cloned.1.call-start
scs
__scs_entry_jumppad:
0x0: {  	(pc) =	sbr.rel $0x88, $3  }
0x1: {  	(tag) =	ssettag $0x0;
	lr =	simm.s32 $0x1  }
0x2: {  	[smem:$0x3F98] =	sst lr;
	_ =	strace $0xD0000000  }
0x3: {  	_ = 	snop  }
0x4: {  	_ = 	snop  }
0x5: {  	_ = 	snop  }
0x6: {  	_ = 	snop  }
0x7: {  	_ = 	snop  }
__scs_overlays_trampoline_lowered:
0x8: {  	[smem:$0x3FA7] =	sst s0  }
0x9: {  	[smem:$0x3FA8] =	sst s1  }
0xa: {  	[smem:$0x3FA9] =	sst s2  }
0xb: {  	[smem:$0x3FAA] =	sst s3  }
0xc: {  	[smem:$0x3FAB] =	sst s4  }
0xd: {  	[smem:$0x3FAC] =	sst s5  }
0xe: {  	[smem:$0x3FAD] =	sst s6  }
0xf: {  	[smem:$0x3FAE] =	sst s7  }
0x10: {  	[smem:$0x3FAF] =	sst s8  }
0x11: {  	[smem:$0x3FB0] =	sst s9;
	s0 =	simm.s32 @!p0 $0x0  }
0x12: {  	s1 =	sld [smem:$0x3F96];
	s0 =	simm.s32 @p0 $0x1  }
0x13: {  	[smem:$0x3FB1] =	sst s0;
	s0 =	simm.s32 @!p1 $0x0  }
0x14: {  	s2 =	sld [smem:$0x3F95];
	s0 =	simm.s32 @p1 $0x1  }
0x15: {  	[smem:$0x3FB2] =	sst s0;
	s0 =	simm.s32 @!p2 $0x0  }
0x16: {  	s3 =	sld [smem:$0x3FDB];
	s0 =	simm.s32 @p2 $0x1  }
0x17: {  	s4 =	simm.s32 $0x1BF5;
	[smem:$0x3FB4] =	sst s0  }
0x18: {  	s0 =	sld [smem:$0x3F97];
	_ =	swait.ge [sflag:s4], $0x0  }
0x19: {  	s7 =	sld [smem:$0x3F98]  }
0x1a: {  	s8 =	sadd.s32 $0xFFFFE003, lr  }
0x1b: {  	s9 =	sadd.s32 $0xFFFFFEF7, lr;
	s5 =	simm.s32 $0xFFFFFFFF;
	p2 =	slt.u32 s8, $0xFFFFF086  }
0x1c: {  	p1 =	slt.u32 s9, $0xF7A;
	s5 =	simm.s32 @!p2 $0x0  }
0x1d: {  	s5 =	simm.s32 @p1 $0x1;
	p0 =	seq.s32 s7, s2  }
0x1e: {  	s7 =	smul.u32 @!p0 $0xF7A, s2;
	p2 =	seq.s32 @!p0 s5, $0x0  }
0x1f: {  	s9 =	smul.u32 $0xF7A, s1;
	s8 =	simm.s32 @!p0 $0x1BF5;
	p2 =	por !p2, p0  }
0x20: {  	[sflag:s8] =	ssyncset.s32 @!p0 $0xFFFFF086;
	s6 =	sadd.s32 @!p0 s3, s7;
	s7 =	simm.s32 @!p0 $0x108  }
0x21: {  	s3 =	sadd.s32 s3, s9;
	s6 =	sadd.s32 @!p0 $0x88, s6;
	s7 =	simm.s32 @p2 $0x1082  }
0x22: {  	[simem:s7], [sflag:s8] =	dma.local @!p0 [hbm:s6], $0xF7A  }
0x23: {  	s9 =	sor.u32 $0xD0000000, s2;
	s6 =	simm.s32 $0x108;
	_ =	swait.ge @!p0 [sflag:s8], $0x0  }
0x24: {  	s3 =	sadd.s32 $0x88, s3;
	s6 =	simm.s32 @!p1 $0x1082;
	[sflag:s4] =	ssyncset.s32 $0xFFFFF086  }
0x25: {  	[simem:s6], [sflag:s4] =	dma.local [hbm:s3], $0xF7A  }
0x26: {  	[smem:$0x3F98] =	sst s1;
	(tag) =	ssettag s2;
	_ =	strace s9  }
0x27: {  	s1 =	sld [smem:$0x3FA8]  }
0x28: {  	s2 =	sld [smem:$0x3FA9]  }
0x29: {  	s4 =	sld [smem:$0x3FAB]  }
0x2a: {  	p0 =	seq.s32 s5, $0x0;
	s5 =	sld [smem:$0x3FAC]  }
0x2b: {  	s6 =	sld [smem:$0x3FAD]  }
0x2c: {  	s7 =	sld [smem:$0x3FAE]  }
0x2d: {  	s3 =	simm.s32 $0x108;
	s8 =	sld [smem:$0x3FAF]  }
0x2e: {  	s3 =	simm.s32 @!p0 $0x1082;
	s9 =	sld [smem:$0x3FB0]  }
0x2f: {  	lr =	sadd.s32 s0, s3;
	s0 =	sld [smem:$0x3FA7]  }
0x30: {  	s3 =	sld [smem:$0x3FAA]  }
0x31: {  	[smem:$0x3FB3] =	sst s10  }
0x32: {  	s10 =	sld [smem:$0x3FB1];
	_ =	sdelay $0x3  }
0x33: {  	p0 =	seq.s32 s10, $0x1;
	s10 =	sld [smem:$0x3FB3];
	_ =	sdelay $0x3  }
0x34: {  	[smem:$0x3FB3] =	sst s10  }
0x35: {  	s10 =	sld [smem:$0x3FB2];
	_ =	sdelay $0x3  }
0x36: {  	p1 =	seq.s32 s10, $0x1;
	s10 =	sld [smem:$0x3FB3];
	_ =	sdelay $0x3  }
0x37: {  	[smem:$0x3FB3] =	sst s10  }
0x38: {  	s10 =	sld [smem:$0x3FB4]  }
0x39: {  	_ = 	snop;
	(pc) =	sbr.ind lr, $3  }
0x3a: {  	_ = 	snop  }
0x3b: {  	_ = 	snop  }
0x3c: {  	p2 =	seq.s32 s10, $0x1;
	s10 =	sld [smem:$0x3FB3]  }
0x3d: {  	_ =	shalt  }
0x3e: {  	_ =	shalt  }
0x3f: {  	_ =	shalt  }
0x40: {  	_ =	shalt  }
0x41: {  	_ =	shalt  }
0x42: {  	_ =	shalt  }
0x43: {  	_ =	shalt  }
0x44: {  	_ =	shalt  }
0x45: {  	_ =	shalt  }
0x46: {  	_ =	shalt  }
0x47: {  	_ =	shalt  }
0x48: {  	_ =	shalt  }
0x49: {  	_ =	shalt  }
0x4a: {  	_ =	shalt  }
0x4b: {  	_ =	shalt  }
0x4c: {  	_ =	shalt  }
0x4d: {  	_ =	shalt  }
0x4e: {  	_ =	shalt  }
0x4f: {  	_ =	shalt  }
0x50: {  	_ =	shalt  }
0x51: {  	_ =	shalt  }
0x52: {  	_ =	shalt  }
0x53: {  	_ =	shalt  }
0x54: {  	_ =	shalt  }
0x55: {  	_ =	shalt  }
0x56: {  	_ =	shalt  }
0x57: {  	_ =	shalt  }
0x58: {  	_ =	shalt  }
0x59: {  	_ =	shalt  }
0x5a: {  	_ =	shalt  }
0x5b: {  	_ =	shalt  }
0x5c: {  	_ =	shalt  }
0x5d: {  	_ =	shalt  }
0x5e: {  	_ =	shalt  }
0x5f: {  	_ =	shalt  }
0x60: {  	_ =	shalt  }
0x61: {  	_ =	shalt  }
0x62: {  	_ =	shalt  }
0x63: {  	_ =	shalt  }
0x64: {  	_ =	shalt  }
0x65: {  	_ =	shalt  }
0x66: {  	_ =	shalt  }
0x67: {  	_ =	shalt  }
0x68: {  	_ =	shalt  }
0x69: {  	_ =	shalt  }
0x6a: {  	_ =	shalt  }
0x6b: {  	_ =	shalt  }
0x6c: {  	_ =	shalt  }
0x6d: {  	_ =	shalt  }
0x6e: {  	_ =	shalt  }
0x6f: {  	_ =	shalt  }
0x70: {  	_ =	shalt  }
0x71: {  	_ =	shalt  }
0x72: {  	_ =	shalt  }
0x73: {  	_ =	shalt  }
0x74: {  	_ =	shalt  }
0x75: {  	_ =	shalt  }
0x76: {  	_ =	shalt  }
0x77: {  	_ =	shalt  }
0x78: {  	_ =	shalt  }
0x79: {  	_ =	shalt  }
0x7a: {  	_ =	shalt  }
0x7b: {  	_ =	shalt  }
0x7c: {  	_ =	shalt  }
0x7d: {  	_ =	shalt  }
0x7e: {  	_ =	shalt  }
0x7f: {  	_ =	shalt  }
0x80: {  	_ =	shalt  }
0x81: {  	_ =	shalt  }
0x82: {  	_ =	shalt  }
0x83: {  	_ =	shalt  }
0x84: {  	_ =	shalt  }
0x85: {  	_ =	shalt  }
0x86: {  	_ =	shalt  }
0x87: {  	_ =	shalt  }
.Lfunc_end0:
.L_simem_size_0:
called_computation_lowered:
.L_overlay_start_0:
0x88: {  	s2 =	sld [smem:$0x3FD9]  }
0x89: {  	s3 =	sld [smem:$0x3FFE];
	_ =	sdelay $0x1  }
0x8a: {  	s1 =	srdreg.scid  }
0x8b: {  	s0 =	sand.u32 $0x1, s1  }
0x8c: {  	s16 =	sshll.u32 s0, $0xA;
	s2 =	sadd.s32 s3, s2  }
0x8d: {  	s2 =	sadd.s32 s2, s16  }
0x8e: {  	[smem:$0x3FBF] =	sst s2  }
0x8f: {  	_ = 	snop  }
0x90: {  	(tm) =	ssettm $0x1  }
0x91: {  	s17 =	sld [smem:$0x3FFB];
	_ =	sdelay $0x3  }
0x92: {  	_ =	strace s17  }
0x93: {  	s2 =	sld [smem:$0x3FFC];
	_ =	sdelay $0x3  }
0x94: {  	_ =	strace s2  }
0x95: {  	s2 =	sld [smem:$0x3FFD];
	_ =	sdelay $0x3  }
0x96: {  	_ =	strace s2  }
0x97: {  	_ =	strace $0x8FFFFFFF  }
0x98: {  	s18 =	sld [smem:$0x3FDB];
	_ =	sdelay $0x1  }
0x99: {  	s19 =	simm.s32 $_scs_section_size  }
0x9a: {  	s4 =	simm.s32 $_size__tile_overlayer_lowered;
	s5 =	simm.s32 $_tile_overlayer_lowered  }
0x9b: {  	s22 =	simm.s32 $0x1BFF;
	s21 =	sshll.u32 s5, $0x1;
	s2 =	sadd.s32 s19, s18  }
0x9c: {  	s6 =	simm.s32 $0x0;
	s20 =	sshll.u32 s4, $0x1;
	s4 =	sadd.s32 s21, s2  }
0x9d: {  	[timem:s6], [sflag:s22] =	dma.local [hbm:s4], s20  }
0x9e: {  	_ =	swait.ge [sflag:s22], s20  }
0x9f: {  	s3 =	ssub.s32 $0x0, s20;
	[sflag:s22] =	ssyncset.done $0x0  }
0xa0: {  	[sflag:s22] =	ssyncadd.s32 s3;
	_ =	sdelay $0x1  }
0xa1: {  	s23 =	simm.s32 $0x1B8B  }
0xa2: {  	_ =	swait.ge [sflag:s23], $0x1  }
0xa3: {  	[sflag:s23] =	ssyncset.done $0x0  }
0xa4: {  	s25 =	simm.s32 $0x1B8E;
	s24 =	sld [smem:$0x3FFE];
	[sflag:s23] =	ssyncadd.s32 $0xFFFFFFFF  }
0xa5: {  	s26 =	simm.s32 $execute0_lowered;
	[smem:$0x3FD2] =	sst s25  }
0xa6: {  	s4 =	sshll.u32 s26, $0x1;
	_ =	strace $0x80000046;
	[dreg:$0x1] =	wrdreg $0xFFFFFFFF  }
0xa7: {  	s28 =	simm.s32 $_size_execute0_lowered;
	s2 =	sadd.s32 s2, s4;
	[dreg:$0x0] =	wrdreg $0x0  }
0xa8: {  	s4 =	sshll.u32 s28, $0x1;
	[dreg:$0x2] =	wrdreg s2  }
0xa9: {  	[dreg:$0x3] =	wrdreg s4  }
0xaa: {  	[dreg:$0x4] =	wrdreg $0xC0  }
0xab: {  	_ =	task [dreg:s6], $0x5FFFF  }
0xac: {  	[dreg:$0x1] =	wrdreg $0xFFFFFFFF  }
0xad: {  	[dreg:$0x0] =	wrdreg $0x60  }
0xae: {  	[dreg:$0x2] =	wrdreg s24  }
0xaf: {  	[dreg:$0x3] =	wrdreg $0x53000  }
0xb0: {  	[dreg:$0x4] =	wrdreg $0x9  }
0xb1: {  	_ =	task.clear_ibuf [dreg:s6], $0x5FFFF;
	_ =	strace $0x90000046  }
0xb2: {  	s29 =	simm.s32 $0x9;
	_ =	strace $0x80000048  }
0xb3: {  	_ =	swait.ge [sflag:s29], $0x1  }
0xb4: {  	[sflag:s29] =	ssyncadd.s32 $0xFFFFFFFF  }
0xb5: {  	_ =	strace $0x90000048  }
0xb6: {  	_ =	sfence  }
0xb7: {  	s30 =	sld [smem:$0x0];
	_ =	sdelay $0x2  }
0xb8: {  	s31 =	sshll.u32 s1, $0xD;
	s1 =	sshrl.u32 s1, $0x2  }
0xb9: {  	s3 =	sand.u32 $0x4000, s31;
	s1 =	sadd.s32 s1, s30  }
0xba: {  	s0 =	sor.u32 s3, s0;
	s1 =	sshll.u32 s1, $0x11  }
0xbb: {  	s0 =	sor.u32 s1, s0  }
0xbc: {  	s0 =	sadd.s32 $0x8F2B, s0  }
0xbd: {  	[sflag:s0] =	ssyncadd.remote.s32 $0x1  }
0xbe: {  	_ =	sfence.sel $0xFFFF  }
0xbf: {  	[dreg:$0x0] =	wrdreg $0xFFFFFFFF;
	(pc) =	sbr.abs _section_cstart, $3  }
0xc0: {  	[dreg:$0x1] =	wrdreg $0xFFFFFFFF  }
0xc1: {  	_ =	task.clear_ibuf [dreg:s6], $0x2FFFF;
	_ =	strace $0x9FFFFFFF  }
0xc2: {  	(tm) =	ssettm $0x7FFFFFFF  }
0xc3: {  	_ =	shalt  }
tec
execute0_lowered:
.L_overlay_start_1:
0x0: {  	(tag) =	ssettag $0x1  }
0x1: {  	s4 =	rddreg [dreg:$0x0]  }
0x2: {  	s1 =	rddreg [dreg:$0x1]  }
0x3: {  	s0 =	rddreg [dreg:$0x2]  }
0x4: {  	s3 =	simm.s32 $0x0;
	s5 =	srdreg.scid;
	s2 =	stileid.u32  }
0x5: {  	s13 =	simm.s32 $0x2;
	s16 =	simm.s32 $0x0;
	[smem:$0x7FF] =	sst s3  }
0x6: {  	s5 =	sand.u32 $0x1, s5;
	s6 =	sadd.s32 $0x1E00, s4;
	s8 =	smul.u32 $0x280, s2  }
0x7: {  	s9 =	sadd.s32 $0x1FE00, s4;
	s10 =	sadd.s32 $0x29E00, s4;
	s12 =	sadd.s32 $0x2A400, s4  }
0x8: {  	s31 =	smul.u32 $0xA00, s2;
	s14 =	sshll.u32 s2, $0x6;
	_ =	strace $0x80000047  }
0x9: {  	s7 =	ssub.s32 $0x2, s5;
	p0 =	seq.s32 s5, $0x0;
	s14 =	sor.u32 $0x1C03, s14  }
0xa: {  	s11 =	sshrl.u32 s7, $0x1;
	s4 =	sadd.s32 s8, s1;
	s8 =	sshrl.u32 s8, $0x3  }
0xb: {  	s9 =	smov.u32 @p0 s6;
	s12 =	smov.u32 @p0 s10;
	s10 =	simm.s32 $0x80  }
0xc: {  	s7 =	ssub.s32 s7, s11;
	s6 =	sadd.s32 s9, s31;
	s9 =	simm.s32 $0x3  }
0xd: {  	s11 =	simm.s32 $0x5000;
	s15 =	sshrl.u32 s4, $0x3;
	s5 =	smax.u32 s7, $0x1  }
0xe: {  	v0 =	vimm.f32 $0.0e+00;
	v1 =	vimm.f32 $1.000000000e+00;
	s7 =	sadd.s32 s12, s8;
	s8 =	simm.s32 $0x5080;
	s12 =	simm.s32 $0x1  }
.LBB2_1:
0xf: {  	[tilespmem:$0x5080] =	vst v0  }
0x10: {  	[tilespmem:$0x5090] =	vst v0  }
0x11: {  	[tilespmem:$0x50A0] =	vst v0  }
0x12: {  	[tilespmem:$0x50B0] =	vst v0  }
0x13: {  	[tilespmem:$0x50C0] =	vst v0  }
0x14: {  	[tilespmem:$0x50D0] =	vst v0  }
0x15: {  	[tilespmem:$0x50E0] =	vst v0  }
0x16: {  	[tilespmem:$0x50F0] =	vst v0  }
0x17: {  	[tilespmem:$0x5100] =	vst v0  }
0x18: {  	[tilespmem:$0x5110] =	vst v0  }
0x19: {  	[tilespmem:$0x5120] =	vst v0  }
0x1a: {  	[tilespmem:$0x5130] =	vst v0  }
0x1b: {  	[tilespmem:$0x5140] =	vst v0  }
0x1c: {  	[tilespmem:$0x5150] =	vst v0  }
0x1d: {  	[tilespmem:$0x5160] =	vst v0  }
0x1e: {  	[tilespmem:$0x5170] =	vst v0  }
0x1f: {  	[tilespmem:$0x5180] =	vst v0  }
0x20: {  	[tilespmem:$0x5190] =	vst v0  }
0x21: {  	[tilespmem:$0x51A0] =	vst v0  }
0x22: {  	[tilespmem:$0x51B0] =	vst v0  }
0x23: {  	[tilespmem:$0x51C0] =	vst v0  }
0x24: {  	[tilespmem:$0x51D0] =	vst v0  }
0x25: {  	[tilespmem:$0x51E0] =	vst v0  }
0x26: {  	[tilespmem:$0x51F0] =	vst v0  }
0x27: {  	[tilespmem:$0x5200] =	vst v0  }
0x28: {  	[tilespmem:$0x5210] =	vst v0  }
0x29: {  	[tilespmem:$0x5220] =	vst v0  }
0x2a: {  	[tilespmem:$0x5230] =	vst v0  }
0x2b: {  	[tilespmem:$0x5240] =	vst v0  }
0x2c: {  	[tilespmem:$0x5250] =	vst v0  }
0x2d: {  	[tilespmem:$0x5260] =	vst v0  }
0x2e: {  	[tilespmem:$0x5270] =	vst v0  }
0x2f: {  	[tilespmem:$0x5280] =	vst v0  }
0x30: {  	[tilespmem:$0x5290] =	vst v0  }
0x31: {  	[tilespmem:$0x52A0] =	vst v0  }
0x32: {  	[tilespmem:$0x52B0] =	vst v0  }
0x33: {  	[tilespmem:$0x52C0] =	vst v0  }
0x34: {  	[tilespmem:$0x52D0] =	vst v0  }
0x35: {  	[tilespmem:$0x52E0] =	vst v0  }
0x36: {  	[tilespmem:$0x52F0] =	vst v0  }
0x37: {  	[spmem:s4] =	stream.linear.scatter [tilespmem:s8], [sflag:$0x3], $0x280, $0x38;
	[tilespmem:$0x5580] =	vst v63  }
0x38: {  	_ =	swait.ge [sflag:s9], $0x280  }
0x39: {  	[sflag:s9] =	ssyncset.done $0x0  }
0x3a: {  	[sflag:s9] =	ssyncadd.s32 $0xFFFFFD80  }
0x3b: {  	[tilespmem:$0x5000] =	vst v1  }
0x3c: {  	[tilespmem:$0x5010] =	vst v1  }
0x3d: {  	[tilespmem:$0x5020] =	vst v1  }
0x3e: {  	[tilespmem:$0x5030] =	vst v1  }
0x3f: {  	[tilespmem:$0x5040] =	vst v1  }
0x40: {  	[tilespmem:$0x5050] =	vst v1  }
0x41: {  	[tilespmem:$0x5060] =	vst v1  }
0x42: {  	[tilespmem:$0x5070] =	vst v1  }
0x43: {  	[bflag:$0x0] =	sbarrier.arrive $0xFFFF  }
0x44: {  	[tilespmem:s3], [sflag:$0x3] =	stream.linear.gather [hbm4b:s6+s3], $0x5000, $0x38;
	[tilespmem:$0x5580] =	vst v63  }
0x45: {  	_ =	swait.ge [sflag:s9], $0x5000  }
0x46: {  	[sflag:s9] =	ssyncset.done $0x0  }
0x47: {  	[sflag:s9] =	ssyncadd.s32 $0xFFFFB000  }
0x48: {  	[spmem:s1] =	stream.indirect.scatter.add.f32 [tilespmem:s11], [sflag:$0x1], $0x1, s3, s10, $0xb8;
	[tilespmem:$0x5580] =	vst v63  }
0x49: {  	_ = 	snop  }
0x4a: {  	[spmem:s1] =	stream.indirect.scatter.add.f32 [tilespmem:s11], [sflag:$0x2], $0x1, s10, s10, $0xb8;
	[tilespmem:$0x5580] =	vst v63  }
0x4b: {  	_ =	swait.ge [sflag:s12], $0x80  }
0x4c: {  	[sflag:s12] =	ssyncset.done $0x0  }
0x4d: {  	s17 =	simm.s32 $0x100;
	[sflag:s12] =	ssyncadd.s32 $0xFFFFFF80  }
0x4e: {  	[spmem:s1] =	stream.indirect.scatter.add.f32 [tilespmem:s11], [sflag:$0x1], $0x1, s17, s10, $0xb8;
	[tilespmem:$0x5580] =	vst v63  }
0x4f: {  	_ =	swait.ge [sflag:s13], $0x80  }
0x50: {  	[sflag:s13] =	ssyncset.done $0x0  }
0x51: {  	s18 =	simm.s32 $0x180;
	s17 =	simm.s32 $0xFFFEC800;
	[sflag:s13] =	ssyncadd.s32 $0xFFFFFF80  }
.LBB2_2:
0x52: {  	[spmem:s1] =	stream.indirect.scatter.add.f32 [tilespmem:s11], [sflag:$0x2], $0x1, s18, s10, $0xb8;
	[tilespmem:$0x5580] =	vst v63  }
0x53: {  	s18 =	smov.u32 s17  }
0x54: {  	p0 =	sne.s32 s17, $0xFFFFFC00;
	s17 =	sadd.s32 $0x400, s17;
	_ =	swait.ge [sflag:s12], $0x80  }
0x55: {  	s18 =	sshra.s32 s18, $0x2;
	[sflag:s12] =	ssyncset.done $0x0  }
.Ltmp0:
0x56: {  	s19 =	sadd.s32 $0x5000, s18;
	[sflag:s12] =	ssyncadd.s32 $0xFFFFFF80;
	(pc) =	sbr.rel @p0 .LBB2_2-.Ltmp0, $4  }
0x57: {  	[spmem:s1] =	stream.indirect.scatter.add.f32 [tilespmem:s11], [sflag:$0x1], $0x1, s19, s10, $0xb8;
	[tilespmem:$0x5580] =	vst v63  }
0x58: {  	_ =	swait.ge [sflag:s13], $0x80  }
0x59: {  	[sflag:s13] =	ssyncset.done $0x0  }
0x5a: {  	s18 =	sadd.s32 $0x5080, s18;
	[sflag:s13] =	ssyncadd.s32 $0xFFFFFF80  }
0x5b: {  	[spmem:s1] =	stream.indirect.scatter.add.f32 [tilespmem:s11], [sflag:$0x2], $0x1, s18, s10, $0xb8;
	[tilespmem:$0x5580] =	vst v63  }
0x5c: {  	_ =	swait.ge [sflag:s12], $0x80  }
0x5d: {  	[sflag:s12] =	ssyncset.done $0x0  }
0x5e: {  	[sflag:s12] =	ssyncadd.s32 $0xFFFFFF80  }
0x5f: {  	_ =	swait.ge [sflag:s13], $0x80  }
0x60: {  	s16 =	sadd.s32 $0x1, s16;
	[sflag:s13] =	ssyncset.done $0x0  }
0x61: {  	p0 =	sne.s32 s16, s5;
	[sflag:s13] =	ssyncadd.s32 $0xFFFFFF80  }
.Ltmp1:
0x62: {  	[bflag:$0x0] =	sbarrier.arrive $0xFFFF;
	(pc) =	sbr.rel @p0 .LBB2_1-.Ltmp1, $4  }
0x63: {  	[hbm:s7], [sflag:s14] =	dma.local [spmem:s15], $0x50  }
0x64: {  	_ =	swait.ge [sflag:s9], $0x50  }
0x65: {  	[sflag:s9] =	ssyncset.done $0x0  }
0x66: {  	[sflag:s9] =	ssyncadd.s32 $0xFFFFFFB0  }
0x67: {  	_ =	sfence.sel $0x180000  }
0x68: {  	[bflag:$0x0] =	sbarrier.arrive $0xFFFF  }
0x69: {  	p0 =	sne.s32 s2, $0x0;
	_ =	strace $0x90000047  }
0x6a: {  	s0 =	sadd.s32 @!p0 $0x100000, s0;
	[bflag:$0x2] =	sbarrier.arrive $0xFFFF  }
0x6b: {  	[sflag:s0] =	ssyncadd.tile.s32 @!p0 $0x1;
	_ =	shalt  }
.Lfunc_end2:
_tile_overlayer_lowered:
.L_overlay_start_2:
0x6c: {  	(tag) =	ssettag $0x2  }
0x6d: {  	s0 =	rddreg [dreg:$0x0];
	s2 =	stileid.u32  }
0x6e: {  	s1 =	rddreg [dreg:$0x1];
	p0 =	sne.s32 s2, $0x0  }
0x6f: {  	s3 =	rddreg [dreg:$0x2];
	[bflag:$0x3] =	sbarrier.arrive $0xFFFF;
	s2 =	simm.s32 @!p0 $0x1C03  }
0x70: {  	[timem:s3], [sflag:s2] =	dma.local @!p0 [hbm:s0], s1  }
0x71: {  	s0 =	simm.s32 @!p0 $0x3  }
0x72: {  	_ =	swait.ge @!p0 [sflag:s0], s1  }
0x73: {  	s1 =	ssub.s32 @!p0 $0x0, s1;
	[sflag:s0] =	ssyncset.done @!p0 $0x0  }
0x74: {  	[sflag:s0] =	ssyncadd.s32 @!p0 s1  }
0x75: {  	[bflag:$0x3] =	sbarrier.arrive $0xFFFF  }
0x76: {  	_ =	shalt  }

</sc_bundles>
